<compile_context>
chip_gen: v7x
topology: tpu7x:2x2x1
jax: 0.10.2.dev20260603
libtpu: 0.0.44.dev20260713+nightly
codegen_flags: <defaults>
</compile_context>

<pallas_src>
import functools

import jax
import jax.numpy as jnp
from jax import lax
from jax.experimental import pallas as pl
from jax.experimental.pallas import tpu as pltpu
from jax.experimental.pallas import tpu_sc as plsc

_LAMBDA = 1e-05
_B = 16384
_D = 16
_L = 16
_NC = 2
_NS = 16
_NW = _NC * _NS
_BPW = _B // _NW

_NFC = 7812
_CPT = 245
_NPASS = 16
_CPP = 16
_LCAP = 1040
_WCAP = 128
_NSTG = _B + 1
_LEFT = _NFC * 128


def _k1_body(nid_hbm, bid_hbm, emdt_hbm, packed_hbm, posmap_hbm,
             ids_sl, lid_n, lid_b,
             chunk, stage, wl_id, wl_pos, wl_all,
             sem_ch, sem_sc):
    w = lax.axis_index("s") * _NC + lax.axis_index("c")
    c0 = w * _CPT
    c1 = jnp.minimum(c0 + _CPT, _NFC)
    nlo = c0 * 128
    nhi = c1 * 128
    lanes = lax.iota(jnp.int32, _L)

    def bucket(ids_hbm, lpk):
        def outer(s, cur):
            pltpu.sync_copy(ids_hbm.at[pl.ds(s * 2048, 2048)], ids_sl)

            def inner(g, cur):
                i16 = ids_sl[pl.ds(g * 16, 16)]
                m = (i16 >= nlo) & (i16 < nhi)
                cur_c = jnp.minimum(cur, _LCAP - 16)
                pk = ((i16 - nlo) << 14) | (s * 2048 + g * 16 + lanes)
                plsc.store_compressed(lpk.at[pl.ds(cur_c, 16)], pk, mask=m)
                cnt = plsc.all_reduce_population_count(m)[0]
                return cur + cnt

            return lax.fori_loop(0, 128, inner, cur)

        return lax.fori_loop(0, 8, outer, 0)

    ne_n = bucket(nid_hbm, lid_n)
    ne_b = bucket(bid_hbm, lid_b)

    def do_pass(p, _):
        pc0 = c0 + p * _CPP

        for cc in range(_CPP):
            @pl.when(pc0 + cc < c1)
            def _fire(cc=cc):
                pltpu.async_copy(
                    emdt_hbm.at[:, pl.ds((pc0 + cc) * 128, 128)],
                    chunk.at[cc], sem_ch)

        def side(lid, ne, side_idx, wait_chunk):
            def wscan(eg, wcur):
                e16 = eg * 16 + lanes
                pk = lid[pl.ds(eg * 16, 16)]
                lc = pk >> (14 + 7)
                pc0l = pc0 - c0
                m = (e16 < ne) & (lc >= pc0l) & (lc < pc0l + _CPP)
                wcur_c = jnp.minimum(wcur, _WCAP - 16)
                plsc.store_compressed(wl_id.at[pl.ds(wcur_c, 16)], pk, mask=m)
                return wcur + plsc.all_reduce_population_count(m)[0]

            nw = lax.fori_loop(0, (ne + 15) // 16, wscan, 0)

            def pad(wg, _):
                sl = pl.ds(wg * 16, 16)
                e16 = wg * 16 + lanes
                m = e16 >= nw
                pk = jnp.where(m, 0, wl_id[sl])
                wl_id[sl] = pk
                dump = _B + w * _WCAP + e16
                wl_pos[sl] = jnp.where(m, dump, pk & 16383)
                return 0

            lax.fori_loop(0, _WCAP // 16, pad, 0)

            if wait_chunk:
                for cc in range(_CPP):
                    @pl.when(pc0 + cc < c1)
                    def _drain(cc=cc):
                        pltpu.make_async_copy(
                            emdt_hbm.at[:, pl.ds((pc0 + cc) * 128, 128)],
                            chunk.at[cc], sem_ch).wait()

            b = p * 2 + side_idx
            boff = b * (_WCAP * _D)

            def gather(wg, _):
                e16 = wg * 16 + lanes
                pk = wl_id[pl.ds(wg * 16, 16)]
                colq = jnp.clip((pk >> 21) - (pc0 - c0), 0, _CPP - 1)
                lane = (pk >> 14) & 127
                for d in range(_D):
                    dcol = jnp.full((_L,), d, jnp.int32)
                    v = plsc.load_gather(chunk, [colq, dcol, lane])
                    plsc.store_scatter(stage, [boff + e16 * _D + d], v)
                return 0

            lax.fori_loop(0, _WCAP // 16, gather, 0)
            block = w * (_NPASS * 2) + b
            pltpu.async_copy(
                stage.at[pl.ds(boff, _WCAP * _D)],
                packed_hbm.at[pl.ds(block * (_WCAP * _D), _WCAP * _D)],
                sem_sc)

            def wlmv(wg, _):
                sl = pl.ds(wg * 16, 16)
                wl_all[b, sl] = wl_pos[sl]
                return 0

            lax.fori_loop(0, _WCAP // 16, wlmv, 0)

        side(lid_n, ne_n, 0, True)
        side(lid_b, ne_b, 1, False)
        return 0

    lax.fori_loop(0, _NPASS, do_pass, 0)

    def drain(b, _):
        boff = b * (_WCAP * _D)
        block = w * (_NPASS * 2) + b
        pltpu.make_async_copy(
            stage.at[pl.ds(boff, _WCAP * _D)],
            packed_hbm.at[pl.ds(block * (_WCAP * _D), _WCAP * _D)],
            sem_sc).wait()
        return 0

    lax.fori_loop(0, _NPASS * 2, drain, 0)
    pltpu.sync_copy(
        wl_all, posmap_hbm.at[pl.ds(w * (_NPASS * 2), _NPASS * 2), :])


_k1 = functools.partial(
    pl.kernel,
    mesh=plsc.VectorSubcoreMesh(core_axis_name="c", subcore_axis_name="s"),
    compiler_params=pltpu.CompilerParams(
        needs_layout_passes=False, use_tc_tiling_on_sc=True
    ),
    out_type=[
        jax.ShapeDtypeStruct((_NW * _NPASS * 2 * _WCAP * _D,), jnp.float32),
        jax.ShapeDtypeStruct((_NW * _NPASS * 2, _WCAP), jnp.int32),
    ],
    scratch_types=[
        pltpu.VMEM((2048,), jnp.int32),
        pltpu.VMEM((_LCAP,), jnp.int32),
        pltpu.VMEM((_LCAP,), jnp.int32),
        pltpu.VMEM((_CPP, _D, 128), jnp.float32),
        pltpu.VMEM((_NPASS * 2 * _WCAP * _D,), jnp.float32),
        pltpu.VMEM((_WCAP,), jnp.int32),
        pltpu.VMEM((_WCAP,), jnp.int32),
        pltpu.VMEM((_NPASS * 2, _WCAP), jnp.int32),
        pltpu.SemaphoreType.DMA,
        pltpu.SemaphoreType.DMA,
    ],
)(_k1_body)


_NROWS = _NW * _NPASS * 2 * _WCAP
_NSTG2 = _B + _NW * _WCAP


def _k1b_body(packed2d_hbm, posmap_hbm, rows_n_hbm, rows_b_hbm,
              posv, stage_a, stage_b, sem_ld, sem_sc):
    w = lax.axis_index("s") * _NC + lax.axis_index("c")
    pltpu.sync_copy(posmap_hbm.at[pl.ds(w * _NPASS * 2, _NPASS * 2), :], posv)

    def do_block(b, _):
        bf = w * (_NPASS * 2) + b

        @pl.when(b % 2 == 0)
        def _even():
            pltpu.sync_copy(
                packed2d_hbm.at[pl.ds(bf * _WCAP, _WCAP), :], stage_a)
            pltpu.async_copy(
                stage_a, rows_n_hbm.at[posv.at[b]], sem_sc).wait()

        @pl.when(b % 2 == 1)
        def _odd():
            pltpu.sync_copy(
                packed2d_hbm.at[pl.ds(bf * _WCAP, _WCAP), :], stage_b)
            pltpu.async_copy(
                stage_b, rows_b_hbm.at[posv.at[b]], sem_sc).wait()

        return 0

    lax.fori_loop(0, _NPASS * 2, do_block, 0)


_k1b = functools.partial(
    pl.kernel,
    mesh=plsc.VectorSubcoreMesh(core_axis_name="c", subcore_axis_name="s"),
    compiler_params=pltpu.CompilerParams(
        needs_layout_passes=False, use_tc_tiling_on_sc=False
    ),
    out_type=[
        jax.ShapeDtypeStruct((_NSTG2, _D), jnp.float32),
        jax.ShapeDtypeStruct((_NSTG2, _D), jnp.float32),
    ],
    scratch_types=[
        pltpu.VMEM((_NPASS * 2, _WCAP), jnp.int32),
        pltpu.VMEM((_WCAP, _D), jnp.float32),
        pltpu.VMEM((_WCAP, _D), jnp.float32),
        pltpu.SemaphoreType.DMA,
        pltpu.SemaphoreType.DMA,
    ],
)(_k1b_body)


def _k2_body(rows_n_hbm, rows_b_hbm, nid_hbm, bid_hbm, left_hbm,
             bias_hbm, score_hbm, sq_hbm,
             idn_v, idb_v,
             rown_v, rowb_v, bias_v, left_v, score_v, sq_stage,
             sem_n, sem_b, sem_bias):
    w = lax.axis_index("s") * _NC + lax.axis_index("c")
    base = w * _BPW
    lanes = lax.iota(jnp.int32, _L)

    pltpu.sync_copy(nid_hbm.at[pl.ds(base, _BPW)], idn_v)
    pltpu.sync_copy(bid_hbm.at[pl.ds(base, _BPW)], idb_v)
    cp_n = pltpu.async_copy(rows_n_hbm.at[pl.ds(base, _BPW), :], rown_v, sem_n)
    cp_b = pltpu.async_copy(rows_b_hbm.at[pl.ds(base, _BPW), :], rowb_v, sem_b)
    cp_bias = pltpu.async_copy(bias_hbm.at[idb_v], bias_v, sem_bias)
    pltpu.sync_copy(left_hbm, left_v)
    cp_n.wait()
    cp_b.wait()
    cp_bias.wait()

    def group(g, sq_acc):
        row0 = g * _L
        rows_idx = row0 + lanes
        i_n = idn_v[pl.ds(row0, _L)]
        i_b = idb_v[pl.ds(row0, _L)]
        m_n = i_n >= _LEFT
        m_b = i_b >= _LEFT
        any_left = jnp.any(m_n | m_b)
        off_n = jnp.clip(i_n - _LEFT, 0, 63) * _D
        off_b = jnp.clip(i_b - _LEFT, 0, 63) * _D
        acc = jnp.zeros((_L,), jnp.float32)

        def slow(d, carry):
            acc, sq_acc = carry
            dcol = jnp.full((_L,), d, jnp.int32)
            a = plsc.load_gather(rown_v, [rows_idx, dcol])
            b = plsc.load_gather(rowb_v, [rows_idx, dcol])
            al = plsc.load_gather(left_v, [off_n + d])
            bl = plsc.load_gather(left_v, [off_b + d])
            a = jnp.where(m_n, al, a)
            b = jnp.where(m_b, bl, b)
            return acc + a * b, sq_acc + a * a + b * b

        def fast(d, carry):
            acc, sq_acc = carry
            dcol = jnp.full((_L,), d, jnp.int32)
            a = plsc.load_gather(rown_v, [rows_idx, dcol])
            b = plsc.load_gather(rowb_v, [rows_idx, dcol])
            return acc + a * b, sq_acc + a * a + b * b

        acc, sq_acc = lax.cond(
            any_left,
            lambda c: lax.fori_loop(0, _D, slow, c),
            lambda c: lax.fori_loop(0, _D, fast, c),
            (acc, sq_acc),
        )
        bv = bias_v[pl.ds(row0, _L)]
        sq_acc = sq_acc + bv * bv
        score_v[pl.ds(row0, _L)] = acc + bv
        return sq_acc

    sq_acc = lax.fori_loop(0, _BPW // _L, group,
                           jnp.zeros((_L,), jnp.float32))
    sq_stage[...] = sq_acc

    pltpu.sync_copy(score_v, score_hbm.at[pl.ds(base, _BPW)])
    pltpu.sync_copy(sq_stage, sq_hbm.at[w])


_k2 = functools.partial(
    pl.kernel,
    mesh=plsc.VectorSubcoreMesh(core_axis_name="c", subcore_axis_name="s"),
    compiler_params=pltpu.CompilerParams(
        needs_layout_passes=False, use_tc_tiling_on_sc=False
    ),
    out_type=[
        jax.ShapeDtypeStruct((_B,), jnp.float32),
        jax.ShapeDtypeStruct((_NW, _L), jnp.float32),
    ],
    scratch_types=[
        pltpu.VMEM((_BPW,), jnp.int32),
        pltpu.VMEM((_BPW,), jnp.int32),
        pltpu.VMEM((_BPW, _D), jnp.float32),
        pltpu.VMEM((_BPW, _D), jnp.float32),
        pltpu.VMEM((_BPW,), jnp.float32),
        pltpu.VMEM((64 * _D,), jnp.float32),
        pltpu.VMEM((_BPW,), jnp.float32),
        pltpu.VMEM((_L,), jnp.float32),
        pltpu.SemaphoreType.DMA,
        pltpu.SemaphoreType.DMA,
        pltpu.SemaphoreType.DMA,
    ],
)(_k2_body)


def _tc_loss_body(score_ref, label_ref, sq_ref, out_ref):
    x = score_ref[...]
    y = label_ref[...]
    bce = jnp.maximum(x, 0.0) - x * y + jnp.log1p(jnp.exp(-jnp.abs(x)))
    loss = jnp.sum(bce) / _B + (0.5 * _LAMBDA) * jnp.sum(sq_ref[...])
    out_ref[...] = loss.reshape(1, 1)


def kernel(node_ids, neighbor_ids, label, node_emd, bias_vector):
    emd_t = node_emd.T
    leftover = node_emd[_LEFT:].reshape(-1)
    packed, posmap = _k1(node_ids, neighbor_ids, emd_t)
    packed2d = packed.reshape(_NROWS, _D)
    rows_n, rows_b = _k1b(packed2d, posmap)
    score, sq = _k2(rows_n, rows_b, node_ids, neighbor_ids, leftover,
                    bias_vector)
    loss = pl.pallas_call(
        _tc_loss_body,
        out_shape=jax.ShapeDtypeStruct((1, 1), jnp.float32),
    )(score.reshape(128, 128), label.reshape(128, 128), sq)
    return loss[0, 0]

# --- scband reference (transcript-rebuilt; emitter-appended) ---
"""Pipeline reference for scband-discriminator-9483287790183 (READ-ONLY COPY).

The authoritative reference and input builder live on the scoring server;
editing this copy changes nothing except your own understanding.
"""

import jax, jax.numpy as jnp
import numpy as np

LAMBDA_DIS = 1e-05
N_NODE = 1000000
EMD_SIZE = 16
BATCH = 16384


def setup_inputs(seed: int = 0) -> dict:
    key = jax.random.key(seed)
    k1, k2, k3, k4 = jax.random.split(key, 4)
    node_ids = jax.random.randint(k1, (BATCH,), 0, N_NODE, dtype=jnp.int64 if jax.config.jax_enable_x64 else jnp.int32).astype(jnp.int32)
    neighbor_ids = jax.random.randint(k2, (BATCH,), 0, N_NODE).astype(jnp.int32)
    label = (jax.random.uniform(k3, (BATCH,), dtype=jnp.float32) > 0.5).astype(jnp.float32)
    # learned parameters (node_emd_init -> embedding table; bias initialized to zeros)
    node_emd = jax.random.normal(k4, (N_NODE, EMD_SIZE), dtype=jnp.float32) * 0.1
    bias_vector = jnp.zeros((N_NODE,), dtype=jnp.float32)
    return {
        "node_ids": node_ids,
        "neighbor_ids": neighbor_ids,
        "label": label,
        "node_emd": node_emd,
        "bias_vector": bias_vector,
    }


def _bce_with_logits(x, y):
    # numerically-stable binary_cross_entropy_with_logits, elementwise
    return jnp.maximum(x, 0.0) - x * y + jnp.log1p(jnp.exp(-jnp.abs(x)))


def _l2_loss(t):
    return 0.5 * jnp.sum(t ** 2)


def reference(node_ids, neighbor_ids, label, node_emd, bias_vector):
    node_embedding = jnp.take(node_emd, node_ids, axis=0)
    neighbor_node_embedding = jnp.take(node_emd, neighbor_ids, axis=0)
    bias = jnp.take(bias_vector, neighbor_ids, axis=0)
    score = jnp.sum(node_embedding * neighbor_node_embedding, axis=1) + bias
    loss = jnp.mean(_bce_with_logits(score, label)) + LAMBDA_DIS * (
        _l2_loss(node_embedding) + _l2_loss(neighbor_node_embedding) + _l2_loss(bias)
    )
    return loss

if __name__ == "__main__":
    import jax
    _d = setup_inputs()
    print(jax.jit(kernel)(*tuple(_d.values())))

</pallas_src>

<mosaic_0001>
#map = affine_map<(d0, d1) -> (0, 0)>
module attributes {stable_mosaic.version = 14 : i64} {
  func.func @_k1b_body(%arg0: i32, %arg1: i32, %arg2: memref<131072x16xf32, #tpu.memory_space<hbm>>, %arg3: memref<1024x128xi32, #tpu.memory_space<hbm>>, %arg4: memref<20480x16xf32, #tpu.memory_space<hbm>>, %arg5: memref<20480x16xf32, #tpu.memory_space<hbm>>, %arg6: memref<32x128xi32, #tpu.memory_space<vmem>>, %arg7: memref<128x16xf32, #tpu.memory_space<vmem>>, %arg8: memref<128x16xf32, #tpu.memory_space<vmem>>, %arg9: memref<!tpu.dma_semaphore, #tpu.memory_space<semaphore_mem>>, %arg10: memref<!tpu.dma_semaphore, #tpu.memory_space<semaphore_mem>>) attributes {dimension_semantics = [#tpu.dimension_semantics<core_parallel>, #tpu.dimension_semantics<subcore_parallel>], iteration_bounds = array<i64: 2, 16>, scalar_prefetch = 0 : i64, scratch_operands = 5 : i64, tpu.core_type = #tpu.core_type<sc_vector_subcore>, window_params = [{transform_indices = #map}, {transform_indices = #map}, {transform_indices = #map}, {transform_indices = #map}]} {
    %mul3A = arith.constant 2 : i32
    %mul3A_0 = arith.muli %arg1, %mul3A : i32
    %add3A = arith.addi %mul3A_0, %arg0 : i32
    %mul3A_1 = arith.constant 16 : i32
    %mul3A_2 = arith.muli %add3A, %mul3A_1 : i32
    %mul3A_3 = arith.constant 2 : i32
    %mul3A_4 = arith.muli %mul3A_2, %mul3A_3 : i32
    "tpu.region"() ({
      %run_scoped3A = tpu.sem_alloc : memref<!tpu.dma_semaphore, #tpu.memory_space<semaphore_mem>>
      %dma_start3A = arith.constant 0 : i32
      %dma_start3A_11 = tpu.memref_slice %arg3[%mul3A_4, %dma_start3A] : memref<1024x128xi32, #tpu.memory_space<hbm>> -> memref<32x128xi32, #tpu.memory_space<hbm>>
      %dma_start3A_12 = arith.constant 0 : i32
      %dma_start3A_13 = tpu.memref_slice %arg3[%mul3A_4, %dma_start3A_12] : memref<1024x128xi32, #tpu.memory_space<hbm>> -> memref<32x128xi32, #tpu.memory_space<hbm>>
      tpu.enqueue_dma source(%dma_start3A_13 : memref<32x128xi32, #tpu.memory_space<hbm>>) target(%arg6 : memref<32x128xi32, #tpu.memory_space<vmem>>) target_semaphore(%run_scoped3A : memref<!tpu.dma_semaphore, #tpu.memory_space<semaphore_mem>>)
      %dma_wait3A = arith.constant 0 : i32
      %dma_wait3A_14 = tpu.memref_slice %arg3[%mul3A_4, %dma_wait3A] : memref<1024x128xi32, #tpu.memory_space<hbm>> -> memref<32x128xi32, #tpu.memory_space<hbm>>
      %dma_wait3A_15 = arith.constant 0 : i32
      %dma_wait3A_16 = tpu.memref_slice %arg3[%mul3A_4, %dma_wait3A_15] : memref<1024x128xi32, #tpu.memory_space<hbm>> -> memref<32x128xi32, #tpu.memory_space<hbm>>
      tpu.wait_dma2 semaphore(%run_scoped3A : memref<!tpu.dma_semaphore, #tpu.memory_space<semaphore_mem>>) src(%dma_wait3A_16 : memref<32x128xi32, #tpu.memory_space<hbm>>) dst(%arg6 : memref<32x128xi32, #tpu.memory_space<vmem>>)
      tpu.yield
    }) : () -> ()
    %scan3A = arith.constant 0 : i32
    %scan3A_5 = arith.constant 0 : i32
    %scan3A_6 = arith.constant 32 : i32
    %scan3A_7 = arith.addi %scan3A_5, %scan3A_6 : i32
    %scan3A_8 = arith.constant 1 : i32
    %scan3A_9 = scf.for %scan3A_11 = %scan3A_5 to %scan3A_7 step %scan3A_8 iter_args(%scan3A_12 = %scan3A) -> (i32)  : i32 {
      %mul3A_13 = arith.constant 32 : i32
      %mul3A_14 = arith.muli %add3A, %mul3A_13 : i32
      %add3A_15 = arith.addi %mul3A_14, %scan3A_11 : i32
      %jit3A = arith.constant 2 : i32
      %eq3A = arith.constant 0 : i32
      %eq3A_16 = arith.cmpi eq, %jit3A, %eq3A : i32
      %jit3A_17 = arith.constant 1 : i32
      %select_n3A = arith.select %eq3A_16, %jit3A_17, %jit3A : i32
      %rem3A = arith.remsi %scan3A_11, %select_n3A : i32
      %ne3A = arith.constant 0 : i32
      %ne3A_18 = arith.cmpi ne, %rem3A, %ne3A : i32
      %lt3A = arith.constant 0 : i32
      %lt3A_19 = arith.cmpi slt, %rem3A, %lt3A : i32
      %lt3A_20 = arith.constant 0 : i32
      %lt3A_21 = arith.cmpi slt, %select_n3A, %lt3A_20 : i32
      %ne3A_22 = arith.xori %lt3A_19, %lt3A_21 : i1
      %and3A = arith.andi %ne3A_22, %ne3A_18 : i1
      %add3A_23 = arith.addi %rem3A, %select_n3A : i32
      %select_n3A_24 = arith.select %and3A, %add3A_23, %rem3A : i32
      %eq3A_25 = arith.constant 0 : i32
      %eq3A_26 = arith.cmpi eq, %select_n3A_24, %eq3A_25 : i32
      %convert_element_type3A = arith.extui %eq3A_26 : i1 to i32
      %cond3A = arith.constant 0 : i32
      %cond3A_27 = arith.cmpi ne, %convert_element_type3A, %cond3A : i32
      scf.if %cond3A_27 {
        %mul3A_50 = arith.constant 128 : i32
        %mul3A_51 = arith.muli %add3A_15, %mul3A_50 : i32
        "tpu.region"() ({
          %run_scoped3A = tpu.sem_alloc : memref<!tpu.dma_semaphore, #tpu.memory_space<semaphore_mem>>
          %dma_start3A_62 = arith.constant 0 : i32
          %dma_start3A_63 = tpu.memref_slice %arg2[%mul3A_51, %dma_start3A_62] : memref<131072x16xf32, #tpu.memory_space<hbm>> -> memref<128x16xf32, #tpu.memory_space<hbm>>
          %dma_start3A_64 = arith.constant 0 : i32
          %dma_start3A_65 = tpu.memref_slice %arg2[%mul3A_51, %dma_start3A_64] : memref<131072x16xf32, #tpu.memory_space<hbm>> -> memref<128x16xf32, #tpu.memory_space<hbm>>
          tpu.enqueue_dma source(%dma_start3A_65 : memref<128x16xf32, #tpu.memory_space<hbm>>) target(%arg7 : memref<128x16xf32, #tpu.memory_space<vmem>>) target_semaphore(%run_scoped3A : memref<!tpu.dma_semaphore, #tpu.memory_space<semaphore_mem>>)
          %dma_wait3A_66 = arith.constant 0 : i32
          %dma_wait3A_67 = tpu.memref_slice %arg2[%mul3A_51, %dma_wait3A_66] : memref<131072x16xf32, #tpu.memory_space<hbm>> -> memref<128x16xf32, #tpu.memory_space<hbm>>
          %dma_wait3A_68 = arith.constant 0 : i32
          %dma_wait3A_69 = tpu.memref_slice %arg2[%mul3A_51, %dma_wait3A_68] : memref<131072x16xf32, #tpu.memory_space<hbm>> -> memref<128x16xf32, #tpu.memory_space<hbm>>
          tpu.wait_dma2 semaphore(%run_scoped3A : memref<!tpu.dma_semaphore, #tpu.memory_space<semaphore_mem>>) src(%dma_wait3A_69 : memref<128x16xf32, #tpu.memory_space<hbm>>) dst(%arg7 : memref<128x16xf32, #tpu.memory_space<vmem>>)
          tpu.yield
        }) : () -> ()
        %dma_start3A = arith.constant 0 : i32
        %dma_start3A_52 = tpu.memref_slice %arg6[%scan3A_11, %dma_start3A] : memref<32x128xi32, #tpu.memory_space<vmem>> -> memref<1x128xi32, #tpu.memory_space<vmem>>
        %dma_start3A_53 = tpu.memref_squeeze %dma_start3A_52 : memref<1x128xi32, #tpu.memory_space<vmem>> -> memref<128xi32, #tpu.memory_space<vmem>>
        %dma_start3A_54 = arith.constant 0 : i32
        %dma_start3A_55 = arith.constant 0 : i32
        %dma_start3A_56 = tpu.memref_slice %arg4[%dma_start3A_54, %dma_start3A_55] : memref<20480x16xf32, #tpu.memory_space<hbm>> -> memref<20480x16xf32, #tpu.memory_space<hbm>>
        tpu.enqueue_indirect_dma source(%arg7 : memref<128x16xf32, #tpu.memory_space<vmem>>) target(%dma_start3A_56 : memref<20480x16xf32, #tpu.memory_space<hbm>>) offsets(%dma_start3A_53 : memref<128xi32, #tpu.memory_space<vmem>>) semaphore(%arg10 : memref<!tpu.dma_semaphore, #tpu.memory_space<semaphore_mem>>)
        %dma_wait3A = arith.constant 0 : i32
        %dma_wait3A_57 = tpu.memref_slice %arg6[%scan3A_11, %dma_wait3A] : memref<32x128xi32, #tpu.memory_space<vmem>> -> memref<1x128xi32, #tpu.memory_space<vmem>>
        %dma_wait3A_58 = tpu.memref_squeeze %dma_wait3A_57 : memref<1x128xi32, #tpu.memory_space<vmem>> -> memref<128xi32, #tpu.memory_space<vmem>>
        %dma_wait3A_59 = arith.constant 0 : i32
        %dma_wait3A_60 = arith.constant 0 : i32
        %dma_wait3A_61 = tpu.memref_slice %arg4[%dma_wait3A_59, %dma_wait3A_60] : memref<20480x16xf32, #tpu.memory_space<hbm>> -> memref<20480x16xf32, #tpu.memory_space<hbm>>
        tpu.wait_indirect_dma semaphore(%arg10 : memref<!tpu.dma_semaphore, #tpu.memory_space<semaphore_mem>>) src(%arg7 : memref<128x16xf32, #tpu.memory_space<vmem>>) dst(%dma_wait3A_61 : memref<20480x16xf32, #tpu.memory_space<hbm>>)
      } else {
      }
      %jit3A_28 = arith.constant 2 : i32
      %eq3A_29 = arith.constant 0 : i32
      %eq3A_30 = arith.cmpi eq, %jit3A_28, %eq3A_29 : i32
      %jit3A_31 = arith.constant 1 : i32
      %select_n3A_32 = arith.select %eq3A_30, %jit3A_31, %jit3A_28 : i32
      %rem3A_33 = arith.remsi %scan3A_11, %select_n3A_32 : i32
      %ne3A_34 = arith.constant 0 : i32
      %ne3A_35 = arith.cmpi ne, %rem3A_33, %ne3A_34 : i32
      %lt3A_36 = arith.constant 0 : i32
      %lt3A_37 = arith.cmpi slt, %rem3A_33, %lt3A_36 : i32
      %lt3A_38 = arith.constant 0 : i32
      %lt3A_39 = arith.cmpi slt, %select_n3A_32, %lt3A_38 : i32
      %ne3A_40 = arith.xori %lt3A_37, %lt3A_39 : i1
      %and3A_41 = arith.andi %ne3A_40, %ne3A_35 : i1
      %add3A_42 = arith.addi %rem3A_33, %select_n3A_32 : i32
      %select_n3A_43 = arith.select %and3A_41, %add3A_42, %rem3A_33 : i32
      %eq3A_44 = arith.constant 1 : i32
      %eq3A_45 = arith.cmpi eq, %select_n3A_43, %eq3A_44 : i32
      %convert_element_type3A_46 = arith.extui %eq3A_45 : i1 to i32
      %cond3A_47 = arith.constant 0 : i32
      %cond3A_48 = arith.cmpi ne, %convert_element_type3A_46, %cond3A_47 : i32
      scf.if %cond3A_48 {
        %mul3A_50 = arith.constant 128 : i32
        %mul3A_51 = arith.muli %add3A_15, %mul3A_50 : i32
        "tpu.region"() ({
          %run_scoped3A = tpu.sem_alloc : memref<!tpu.dma_semaphore, #tpu.memory_space<semaphore_mem>>
          %dma_start3A_62 = arith.constant 0 : i32
          %dma_start3A_63 = tpu.memref_slice %arg2[%mul3A_51, %dma_start3A_62] : memref<131072x16xf32, #tpu.memory_space<hbm>> -> memref<128x16xf32, #tpu.memory_space<hbm>>
          %dma_start3A_64 = arith.constant 0 : i32
          %dma_start3A_65 = tpu.memref_slice %arg2[%mul3A_51, %dma_start3A_64] : memref<131072x16xf32, #tpu.memory_space<hbm>> -> memref<128x16xf32, #tpu.memory_space<hbm>>
          tpu.enqueue_dma source(%dma_start3A_65 : memref<128x16xf32, #tpu.memory_space<hbm>>) target(%arg8 : memref<128x16xf32, #tpu.memory_space<vmem>>) target_semaphore(%run_scoped3A : memref<!tpu.dma_semaphore, #tpu.memory_space<semaphore_mem>>)
          %dma_wait3A_66 = arith.constant 0 : i32
          %dma_wait3A_67 = tpu.memref_slice %arg2[%mul3A_51, %dma_wait3A_66] : memref<131072x16xf32, #tpu.memory_space<hbm>> -> memref<128x16xf32, #tpu.memory_space<hbm>>
          %dma_wait3A_68 = arith.constant 0 : i32
          %dma_wait3A_69 = tpu.memref_slice %arg2[%mul3A_51, %dma_wait3A_68] : memref<131072x16xf32, #tpu.memory_space<hbm>> -> memref<128x16xf32, #tpu.memory_space<hbm>>
          tpu.wait_dma2 semaphore(%run_scoped3A : memref<!tpu.dma_semaphore, #tpu.memory_space<semaphore_mem>>) src(%dma_wait3A_69 : memref<128x16xf32, #tpu.memory_space<hbm>>) dst(%arg8 : memref<128x16xf32, #tpu.memory_space<vmem>>)
          tpu.yield
        }) : () -> ()
        %dma_start3A = arith.constant 0 : i32
        %dma_start3A_52 = tpu.memref_slice %arg6[%scan3A_11, %dma_start3A] : memref<32x128xi32, #tpu.memory_space<vmem>> -> memref<1x128xi32, #tpu.memory_space<vmem>>
        %dma_start3A_53 = tpu.memref_squeeze %dma_start3A_52 : memref<1x128xi32, #tpu.memory_space<vmem>> -> memref<128xi32, #tpu.memory_space<vmem>>
        %dma_start3A_54 = arith.constant 0 : i32
        %dma_start3A_55 = arith.constant 0 : i32
        %dma_start3A_56 = tpu.memref_slice %arg5[%dma_start3A_54, %dma_start3A_55] : memref<20480x16xf32, #tpu.memory_space<hbm>> -> memref<20480x16xf32, #tpu.memory_space<hbm>>
        tpu.enqueue_indirect_dma source(%arg8 : memref<128x16xf32, #tpu.memory_space<vmem>>) target(%dma_start3A_56 : memref<20480x16xf32, #tpu.memory_space<hbm>>) offsets(%dma_start3A_53 : memref<128xi32, #tpu.memory_space<vmem>>) semaphore(%arg10 : memref<!tpu.dma_semaphore, #tpu.memory_space<semaphore_mem>>)
        %dma_wait3A = arith.constant 0 : i32
        %dma_wait3A_57 = tpu.memref_slice %arg6[%scan3A_11, %dma_wait3A] : memref<32x128xi32, #tpu.memory_space<vmem>> -> memref<1x128xi32, #tpu.memory_space<vmem>>
        %dma_wait3A_58 = tpu.memref_squeeze %dma_wait3A_57 : memref<1x128xi32, #tpu.memory_space<vmem>> -> memref<128xi32, #tpu.memory_space<vmem>>
        %dma_wait3A_59 = arith.constant 0 : i32
        %dma_wait3A_60 = arith.constant 0 : i32
        %dma_wait3A_61 = tpu.memref_slice %arg5[%dma_wait3A_59, %dma_wait3A_60] : memref<20480x16xf32, #tpu.memory_space<hbm>> -> memref<20480x16xf32, #tpu.memory_space<hbm>>
        tpu.wait_indirect_dma semaphore(%arg10 : memref<!tpu.dma_semaphore, #tpu.memory_space<semaphore_mem>>) src(%arg8 : memref<128x16xf32, #tpu.memory_space<vmem>>) dst(%dma_wait3A_61 : memref<20480x16xf32, #tpu.memory_space<hbm>>)
      } else {
      }
      %scan3A_49 = arith.constant 0 : i32
      scf.yield %scan3A_49 : i32
    }
    %scan3A_10 = arith.constant 32 : i32
    return
  }
}

#map = affine_map<(d0, d1) -> (0, 0)>
#map1 = affine_map<(d0, d1) -> (0)>
module attributes {stable_mosaic.version = 14 : i64} {
  func.func @_k2_body(%arg0: i32, %arg1: i32, %arg2: memref<20480x16xf32, #tpu.memory_space<hbm>>, %arg3: memref<20480x16xf32, #tpu.memory_space<hbm>>, %arg4: memref<16384xi32, #tpu.memory_space<hbm>>, %arg5: memref<16384xi32, #tpu.memory_space<hbm>>, %arg6: memref<1024xf32, #tpu.memory_space<hbm>>, %arg7: memref<1000000xf32, #tpu.memory_space<hbm>>, %arg8: memref<16384xf32, #tpu.memory_space<hbm>>, %arg9: memref<32x16xf32, #tpu.memory_space<hbm>>, %arg10: memref<512xi32, #tpu.memory_space<vmem>>, %arg11: memref<512xi32, #tpu.memory_space<vmem>>, %arg12: memref<512x16xf32, #tpu.memory_space<vmem>>, %arg13: memref<512x16xf32, #tpu.memory_space<vmem>>, %arg14: memref<512xf32, #tpu.memory_space<vmem>>, %arg15: memref<1024xf32, #tpu.memory_space<vmem>>, %arg16: memref<512xf32, #tpu.memory_space<vmem>>, %arg17: memref<16xf32, #tpu.memory_space<vmem>>, %arg18: memref<!tpu.dma_semaphore, #tpu.memory_space<semaphore_mem>>, %arg19: memref<!tpu.dma_semaphore, #tpu.memory_space<semaphore_mem>>, %arg20: memref<!tpu.dma_semaphore, #tpu.memory_space<semaphore_mem>>) attributes {dimension_semantics = [#tpu.dimension_semantics<core_parallel>, #tpu.dimension_semantics<subcore_parallel>], iteration_bounds = array<i64: 2, 16>, scalar_prefetch = 0 : i64, scratch_operands = 11 : i64, tpu.core_type = #tpu.core_type<sc_vector_subcore>, window_params = [{transform_indices = #map}, {transform_indices = #map}, {transform_indices = #map1}, {transform_indices = #map1}, {transform_indices = #map1}, {transform_indices = #map1}, {transform_indices = #map1}, {transform_indices = #map}]} {
    %mul3A = arith.constant 2 : i32
    %mul3A_0 = arith.muli %arg1, %mul3A : i32
    %add3A = arith.addi %mul3A_0, %arg0 : i32
    %mul3A_1 = arith.constant 512 : i32
    %mul3A_2 = arith.muli %add3A, %mul3A_1 : i32
    %iota3A = tpu.iota {dimensions = array<i32: 0>} : vector<16xi32>
    "tpu.region"() ({
      %run_scoped3A = tpu.sem_alloc : memref<!tpu.dma_semaphore, #tpu.memory_space<semaphore_mem>>
      %dma_start3A_28 = tpu.memref_slice %arg4[%mul3A_2] : memref<16384xi32, #tpu.memory_space<hbm>> -> memref<512xi32, #tpu.memory_space<hbm>>
      %dma_start3A_29 = tpu.memref_slice %arg4[%mul3A_2] : memref<16384xi32, #tpu.memory_space<hbm>> -> memref<512xi32, #tpu.memory_space<hbm>>
      tpu.enqueue_dma source(%dma_start3A_29 : memref<512xi32, #tpu.memory_space<hbm>>) target(%arg10 : memref<512xi32, #tpu.memory_space<vmem>>) target_semaphore(%run_scoped3A : memref<!tpu.dma_semaphore, #tpu.memory_space<semaphore_mem>>)
      %dma_wait3A_30 = tpu.memref_slice %arg4[%mul3A_2] : memref<16384xi32, #tpu.memory_space<hbm>> -> memref<512xi32, #tpu.memory_space<hbm>>
      %dma_wait3A_31 = tpu.memref_slice %arg4[%mul3A_2] : memref<16384xi32, #tpu.memory_space<hbm>> -> memref<512xi32, #tpu.memory_space<hbm>>
      tpu.wait_dma2 semaphore(%run_scoped3A : memref<!tpu.dma_semaphore, #tpu.memory_space<semaphore_mem>>) src(%dma_wait3A_31 : memref<512xi32, #tpu.memory_space<hbm>>) dst(%arg10 : memref<512xi32, #tpu.memory_space<vmem>>)
      tpu.yield
    }) : () -> ()
    "tpu.region"() ({
      %run_scoped3A = tpu.sem_alloc : memref<!tpu.dma_semaphore, #tpu.memory_space<semaphore_mem>>
      %dma_start3A_28 = tpu.memref_slice %arg5[%mul3A_2] : memref<16384xi32, #tpu.memory_space<hbm>> -> memref<512xi32, #tpu.memory_space<hbm>>
      %dma_start3A_29 = tpu.memref_slice %arg5[%mul3A_2] : memref<16384xi32, #tpu.memory_space<hbm>> -> memref<512xi32, #tpu.memory_space<hbm>>
      tpu.enqueue_dma source(%dma_start3A_29 : memref<512xi32, #tpu.memory_space<hbm>>) target(%arg11 : memref<512xi32, #tpu.memory_space<vmem>>) target_semaphore(%run_scoped3A : memref<!tpu.dma_semaphore, #tpu.memory_space<semaphore_mem>>)
      %dma_wait3A_30 = tpu.memref_slice %arg5[%mul3A_2] : memref<16384xi32, #tpu.memory_space<hbm>> -> memref<512xi32, #tpu.memory_space<hbm>>
      %dma_wait3A_31 = tpu.memref_slice %arg5[%mul3A_2] : memref<16384xi32, #tpu.memory_space<hbm>> -> memref<512xi32, #tpu.memory_space<hbm>>
      tpu.wait_dma2 semaphore(%run_scoped3A : memref<!tpu.dma_semaphore, #tpu.memory_space<semaphore_mem>>) src(%dma_wait3A_31 : memref<512xi32, #tpu.memory_space<hbm>>) dst(%arg11 : memref<512xi32, #tpu.memory_space<vmem>>)
      tpu.yield
    }) : () -> ()
    %dma_start3A = arith.constant 0 : i32
    %dma_start3A_3 = tpu.memref_slice %arg2[%mul3A_2, %dma_start3A] : memref<20480x16xf32, #tpu.memory_space<hbm>> -> memref<512x16xf32, #tpu.memory_space<hbm>>
    %dma_start3A_4 = arith.constant 0 : i32
    %dma_start3A_5 = tpu.memref_slice %arg2[%mul3A_2, %dma_start3A_4] : memref<20480x16xf32, #tpu.memory_space<hbm>> -> memref<512x16xf32, #tpu.memory_space<hbm>>
    tpu.enqueue_dma source(%dma_start3A_5 : memref<512x16xf32, #tpu.memory_space<hbm>>) target(%arg12 : memref<512x16xf32, #tpu.memory_space<vmem>>) target_semaphore(%arg18 : memref<!tpu.dma_semaphore, #tpu.memory_space<semaphore_mem>>)
    %dma_start3A_6 = arith.constant 0 : i32
    %dma_start3A_7 = tpu.memref_slice %arg3[%mul3A_2, %dma_start3A_6] : memref<20480x16xf32, #tpu.memory_space<hbm>> -> memref<512x16xf32, #tpu.memory_space<hbm>>
    %dma_start3A_8 = arith.constant 0 : i32
    %dma_start3A_9 = tpu.memref_slice %arg3[%mul3A_2, %dma_start3A_8] : memref<20480x16xf32, #tpu.memory_space<hbm>> -> memref<512x16xf32, #tpu.memory_space<hbm>>
    tpu.enqueue_dma source(%dma_start3A_9 : memref<512x16xf32, #tpu.memory_space<hbm>>) target(%arg13 : memref<512x16xf32, #tpu.memory_space<vmem>>) target_semaphore(%arg19 : memref<!tpu.dma_semaphore, #tpu.memory_space<semaphore_mem>>)
    %dma_start3A_10 = arith.constant 0 : i32
    %dma_start3A_11 = tpu.memref_slice %arg7[%dma_start3A_10] : memref<1000000xf32, #tpu.memory_space<hbm>> -> memref<1000000xf32, #tpu.memory_space<hbm>>
    tpu.enqueue_indirect_dma source(%dma_start3A_11 : memref<1000000xf32, #tpu.memory_space<hbm>>) target(%arg14 : memref<512xf32, #tpu.memory_space<vmem>>) offsets(%arg11 : memref<512xi32, #tpu.memory_space<vmem>>) semaphore(%arg20 : memref<!tpu.dma_semaphore, #tpu.memory_space<semaphore_mem>>)
    "tpu.region"() ({
      %run_scoped3A = tpu.sem_alloc : memref<!tpu.dma_semaphore, #tpu.memory_space<semaphore_mem>>
      tpu.enqueue_dma source(%arg6 : memref<1024xf32, #tpu.memory_space<hbm>>) target(%arg15 : memref<1024xf32, #tpu.memory_space<vmem>>) target_semaphore(%run_scoped3A : memref<!tpu.dma_semaphore, #tpu.memory_space<semaphore_mem>>)
      tpu.wait_dma2 semaphore(%run_scoped3A : memref<!tpu.dma_semaphore, #tpu.memory_space<semaphore_mem>>) src(%arg6 : memref<1024xf32, #tpu.memory_space<hbm>>) dst(%arg15 : memref<1024xf32, #tpu.memory_space<vmem>>)
      tpu.yield
    }) : () -> ()
    %dma_wait3A = arith.constant 0 : i32
    %dma_wait3A_12 = tpu.memref_slice %arg2[%mul3A_2, %dma_wait3A] : memref<20480x16xf32, #tpu.memory_space<hbm>> -> memref<512x16xf32, #tpu.memory_space<hbm>>
    %dma_wait3A_13 = arith.constant 0 : i32
    %dma_wait3A_14 = tpu.memref_slice %arg2[%mul3A_2, %dma_wait3A_13] : memref<20480x16xf32, #tpu.memory_space<hbm>> -> memref<512x16xf32, #tpu.memory_space<hbm>>
    tpu.wait_dma2 semaphore(%arg18 : memref<!tpu.dma_semaphore, #tpu.memory_space<semaphore_mem>>) src(%dma_wait3A_14 : memref<512x16xf32, #tpu.memory_space<hbm>>) dst(%arg12 : memref<512x16xf32, #tpu.memory_space<vmem>>)
    %dma_wait3A_15 = arith.constant 0 : i32
    %dma_wait3A_16 = tpu.memref_slice %arg3[%mul3A_2, %dma_wait3A_15] : memref<20480x16xf32, #tpu.memory_space<hbm>> -> memref<512x16xf32, #tpu.memory_space<hbm>>
    %dma_wait3A_17 = arith.constant 0 : i32
    %dma_wait3A_18 = tpu.memref_slice %arg3[%mul3A_2, %dma_wait3A_17] : memref<20480x16xf32, #tpu.memory_space<hbm>> -> memref<512x16xf32, #tpu.memory_space<hbm>>
    tpu.wait_dma2 semaphore(%arg19 : memref<!tpu.dma_semaphore, #tpu.memory_space<semaphore_mem>>) src(%dma_wait3A_18 : memref<512x16xf32, #tpu.memory_space<hbm>>) dst(%arg13 : memref<512x16xf32, #tpu.memory_space<vmem>>)
    %dma_wait3A_19 = arith.constant 0 : i32
    %dma_wait3A_20 = tpu.memref_slice %arg7[%dma_wait3A_19] : memref<1000000xf32, #tpu.memory_space<hbm>> -> memref<1000000xf32, #tpu.memory_space<hbm>>
    tpu.wait_indirect_dma semaphore(%arg20 : memref<!tpu.dma_semaphore, #tpu.memory_space<semaphore_mem>>) src(%dma_wait3A_20 : memref<1000000xf32, #tpu.memory_space<hbm>>) dst(%arg14 : memref<512xf32, #tpu.memory_space<vmem>>)
    %broadcast_in_dim3A = arith.constant 0.000000e+00 : f32
    %broadcast_in_dim3A_21 = vector.broadcast %broadcast_in_dim3A : f32 to vector<16xf32>
    %scan3A = arith.constant 0 : i32
    %scan3A_22 = arith.constant 32 : i32
    %scan3A_23 = arith.addi %scan3A, %scan3A_22 : i32
    %scan3A_24 = arith.constant 1 : i32
    %scan3A_25 = scf.for %scan3A_28 = %scan3A to %scan3A_23 step %scan3A_24 iter_args(%scan3A_29 = %broadcast_in_dim3A_21) -> (vector<16xf32>)  : i32 {
      %mul3A_30 = arith.constant 16 : i32
      %mul3A_31 = arith.muli %scan3A_28, %mul3A_30 : i32
      %add3A_32 = vector.broadcast %mul3A_31 : i32 to vector<16xi32>
      %add3A_33 = arith.addi %add3A_32, %iota3A : vector<16xi32>
      %get3A = arith.index_cast %mul3A_31 : i32 to index
      %get3A_34 = tpu.vector_load %arg10[%get3A] {strides = array<i32>} : memref<512xi32, #tpu.memory_space<vmem>>, vector<16xi32>,
      %get3A_35 = arith.index_cast %mul3A_31 : i32 to index
      %get3A_36 = tpu.vector_load %arg11[%get3A_35] {strides = array<i32>} : memref<512xi32, #tpu.memory_space<vmem>>, vector<16xi32>,
      %ge3A = arith.constant 999936 : i32
      %ge3A_37 = vector.broadcast %ge3A : i32 to vector<16xi32>
      %ge3A_38 = arith.cmpi sge, %get3A_34, %ge3A_37 : vector<16xi32>
      %ge3A_39 = arith.constant 999936 : i32
      %ge3A_40 = vector.broadcast %ge3A_39 : i32 to vector<16xi32>
      %ge3A_41 = arith.cmpi sge, %get3A_36, %ge3A_40 : vector<16xi32>
      %or3A = arith.ori %ge3A_38, %ge3A_41 : vector<16xi1>
      %reduce_or3A = arith.constant 1.000000e+00 : f32
      %reduce_or3A_42 = arith.constant 0.000000e+00 : f32
      %reduce_or3A_43 = vector.broadcast %reduce_or3A : f32 to vector<16xf32>
      %reduce_or3A_44 = vector.broadcast %reduce_or3A_42 : f32 to vector<16xf32>
      %reduce_or3A_45 = arith.select %or3A, %reduce_or3A_43, %reduce_or3A_44 : vector<16xi1>, vector<16xf32>
      %reduce_or3A_46 = arith.constant true
      %reduce_or3A_47 = vector.broadcast %reduce_or3A_46 : i1 to vector<16xi1>
      %reduce_or3A_48 = tpu.scan <max>, %reduce_or3A_45 masked %reduce_or3A_47 : vector<16xf32>, vector<16xi1> -> vector<16xf32>
      %reduce_or3A_49 = vector.extract %reduce_or3A_48[15] : f32 from vector<16xf32>
      %reduce_or3A_50 = arith.constant 0.000000e+00 : f32
      %reduce_or3A_51 = arith.cmpf ogt, %reduce_or3A_49, %reduce_or3A_50 : f32
      %sub3A = arith.constant 999936 : i32
      %sub3A_52 = vector.broadcast %sub3A : i32 to vector<16xi32>
      %sub3A_53 = arith.subi %get3A_34, %sub3A_52 : vector<16xi32>
      %jit3A = arith.constant 0 : i32
      %jit3A_54 = arith.constant 63 : i32
      %max3A = vector.broadcast %jit3A : i32 to vector<16xi32>
      %max3A_55 = arith.maxsi %max3A, %sub3A_53 : vector<16xi32>
      %min3A = vector.broadcast %jit3A_54 : i32 to vector<16xi32>
      %min3A_56 = arith.minsi %min3A, %max3A_55 : vector<16xi32>
      %mul3A_57 = arith.constant 16 : i32
      %mul3A_58 = vector.broadcast %mul3A_57 : i32 to vector<16xi32>
      %mul3A_59 = arith.muli %min3A_56, %mul3A_58 : vector<16xi32>
      %sub3A_60 = arith.constant 999936 : i32
      %sub3A_61 = vector.broadcast %sub3A_60 : i32 to vector<16xi32>
      %sub3A_62 = arith.subi %get3A_36, %sub3A_61 : vector<16xi32>
      %jit3A_63 = arith.constant 0 : i32
      %jit3A_64 = arith.constant 63 : i32
      %max3A_65 = vector.broadcast %jit3A_63 : i32 to vector<16xi32>
      %max3A_66 = arith.maxsi %max3A_65, %sub3A_62 : vector<16xi32>
      %min3A_67 = vector.broadcast %jit3A_64 : i32 to vector<16xi32>
      %min3A_68 = arith.minsi %min3A_67, %max3A_66 : vector<16xi32>
      %mul3A_69 = arith.constant 16 : i32
      %mul3A_70 = vector.broadcast %mul3A_69 : i32 to vector<16xi32>
      %mul3A_71 = arith.muli %min3A_68, %mul3A_70 : vector<16xi32>
      %broadcast_in_dim3A_72 = arith.constant 0.000000e+00 : f32
      %broadcast_in_dim3A_73 = vector.broadcast %broadcast_in_dim3A_72 : f32 to vector<16xf32>
      %convert_element_type3A = arith.extui %reduce_or3A_51 : i1 to i32
      %cond3A = arith.constant 0 : i32
      %cond3A_74 = arith.cmpi ne, %convert_element_type3A, %cond3A : i32
      %cond3A_75:2 = scf.if %cond3A_74 -> (vector<16xf32>, vector<16xf32>) {
        %scan3A_83 = arith.constant 0 : i32
        %scan3A_84 = arith.constant 16 : i32
        %scan3A_85 = arith.addi %scan3A_83, %scan3A_84 : i32
        %scan3A_86 = arith.constant 1 : i32
        %scan3A_87:2 = scf.for %scan3A_89 = %scan3A_83 to %scan3A_85 step %scan3A_86 iter_args(%scan3A_90 = %broadcast_in_dim3A_73, %scan3A_91 = %scan3A_29) -> (vector<16xf32>, vector<16xf32>)  : i32 {
          %broadcast_in_dim3A_92 = vector.broadcast %scan3A_89 : i32 to vector<16xi32>
          %gather3A = tpu.vector_load_idx %arg12[%add3A_33, %broadcast_in_dim3A_92] : memref<512x16xf32, #tpu.memory_space<vmem>>[vector<16xi32>, vector<16xi32>], vector<16xf32>,
          %gather3A_93 = tpu.vector_load_idx %arg13[%add3A_33, %broadcast_in_dim3A_92] : memref<512x16xf32, #tpu.memory_space<vmem>>[vector<16xi32>, vector<16xi32>], vector<16xf32>,
          %add3A_94 = vector.broadcast %scan3A_89 : i32 to vector<16xi32>
          %add3A_95 = arith.addi %mul3A_59, %add3A_94 : vector<16xi32>
          %gather3A_96 = tpu.vector_load_idx %arg15[%add3A_95] : memref<1024xf32, #tpu.memory_space<vmem>>[vector<16xi32>], vector<16xf32>,
          %add3A_97 = vector.broadcast %scan3A_89 : i32 to vector<16xi32>
          %add3A_98 = arith.addi %mul3A_71, %add3A_97 : vector<16xi32>
          %gather3A_99 = tpu.vector_load_idx %arg15[%add3A_98] : memref<1024xf32, #tpu.memory_space<vmem>>[vector<16xi32>], vector<16xf32>,
          %select_n3A = arith.select %ge3A_38, %gather3A_96, %gather3A : vector<16xi1>, vector<16xf32>
          %select_n3A_100 = arith.select %ge3A_41, %gather3A_99, %gather3A_93 : vector<16xi1>, vector<16xf32>
          %mul3A_101 = arith.mulf %select_n3A, %select_n3A_100 : vector<16xf32>
          %add3A_102 = arith.addf %scan3A_90, %mul3A_101 : vector<16xf32>
          %mul3A_103 = arith.mulf %select_n3A, %select_n3A : vector<16xf32>
          %add3A_104 = arith.addf %scan3A_91, %mul3A_103 : vector<16xf32>
          %mul3A_105 = arith.mulf %select_n3A_100, %select_n3A_100 : vector<16xf32>
          %add3A_106 = arith.addf %add3A_104, %mul3A_105 : vector<16xf32>
          scf.yield %add3A_102, %add3A_106 : vector<16xf32>, vector<16xf32>
        }
        %scan3A_88 = arith.constant 16 : i32
        scf.yield %scan3A_87#0, %scan3A_87#1 : vector<16xf32>, vector<16xf32>
      } else {
        %scan3A_83 = arith.constant 0 : i32
        %scan3A_84 = arith.constant 16 : i32
        %scan3A_85 = arith.addi %scan3A_83, %scan3A_84 : i32
        %scan3A_86 = arith.constant 1 : i32
        %scan3A_87:2 = scf.for %scan3A_89 = %scan3A_83 to %scan3A_85 step %scan3A_86 iter_args(%scan3A_90 = %broadcast_in_dim3A_73, %scan3A_91 = %scan3A_29) -> (vector<16xf32>, vector<16xf32>)  : i32 {
          %broadcast_in_dim3A_92 = vector.broadcast %scan3A_89 : i32 to vector<16xi32>
          %gather3A = tpu.vector_load_idx %arg12[%add3A_33, %broadcast_in_dim3A_92] : memref<512x16xf32, #tpu.memory_space<vmem>>[vector<16xi32>, vector<16xi32>], vector<16xf32>,
          %gather3A_93 = tpu.vector_load_idx %arg13[%add3A_33, %broadcast_in_dim3A_92] : memref<512x16xf32, #tpu.memory_space<vmem>>[vector<16xi32>, vector<16xi32>], vector<16xf32>,
          %mul3A_94 = arith.mulf %gather3A, %gather3A_93 : vector<16xf32>
          %add3A_95 = arith.addf %scan3A_90, %mul3A_94 : vector<16xf32>
          %mul3A_96 = arith.mulf %gather3A, %gather3A : vector<16xf32>
          %add3A_97 = arith.addf %scan3A_91, %mul3A_96 : vector<16xf32>
          %mul3A_98 = arith.mulf %gather3A_93, %gather3A_93 : vector<16xf32>
          %add3A_99 = arith.addf %add3A_97, %mul3A_98 : vector<16xf32>
          scf.yield %add3A_95, %add3A_99 : vector<16xf32>, vector<16xf32>
        }
        %scan3A_88 = arith.constant 16 : i32
        scf.yield %scan3A_87#0, %scan3A_87#1 : vector<16xf32>, vector<16xf32>
      }
      %get3A_76 = arith.index_cast %mul3A_31 : i32 to index
      %get3A_77 = tpu.vector_load %arg14[%get3A_76] {strides = array<i32>} : memref<512xf32, #tpu.memory_space<vmem>>, vector<16xf32>,
      %mul3A_78 = arith.mulf %get3A_77, %get3A_77 : vector<16xf32>
      %add3A_79 = arith.addf %cond3A_75#1, %mul3A_78 : vector<16xf32>
      %add3A_80 = arith.addf %cond3A_75#0, %get3A_77 : vector<16xf32>
      %swap3A_81 = arith.index_cast %mul3A_31 : i32 to index
      %swap3A_82 = tpu.vector_load %arg16[%swap3A_81] {strides = array<i32>} : memref<512xf32, #tpu.memory_space<vmem>>, vector<16xf32>,
      tpu.vector_store %arg16[%swap3A_81], %add3A_80 {strides = array<i32>} : memref<512xf32, #tpu.memory_space<vmem>>, vector<16xf32>,
      scf.yield %add3A_79 : vector<16xf32>
    }
    %scan3A_26 = arith.constant 32 : i32
    %swap3A = arith.constant 0 : index
    %swap3A_27 = tpu.vector_load %arg17[%swap3A] {strides = array<i32>} : memref<16xf32, #tpu.memory_space<vmem>>, vector<16xf32>,
    tpu.vector_store %arg17[%swap3A], %scan3A_25 {strides = array<i32>} : memref<16xf32, #tpu.memory_space<vmem>>, vector<16xf32>,
    "tpu.region"() ({
      %run_scoped3A = tpu.sem_alloc : memref<!tpu.dma_semaphore, #tpu.memory_space<semaphore_mem>>
      %dma_start3A_28 = tpu.memref_slice %arg8[%mul3A_2] : memref<16384xf32, #tpu.memory_space<hbm>> -> memref<512xf32, #tpu.memory_space<hbm>>
      %dma_start3A_29 = tpu.memref_slice %arg8[%mul3A_2] : memref<16384xf32, #tpu.memory_space<hbm>> -> memref<512xf32, #tpu.memory_space<hbm>>
      tpu.enqueue_dma source(%arg16 : memref<512xf32, #tpu.memory_space<vmem>>) target(%dma_start3A_29 : memref<512xf32, #tpu.memory_space<hbm>>) target_semaphore(%run_scoped3A : memref<!tpu.dma_semaphore, #tpu.memory_space<semaphore_mem>>)
      %dma_wait3A_30 = tpu.memref_slice %arg8[%mul3A_2] : memref<16384xf32, #tpu.memory_space<hbm>> -> memref<512xf32, #tpu.memory_space<hbm>>
      %dma_wait3A_31 = tpu.memref_slice %arg8[%mul3A_2] : memref<16384xf32, #tpu.memory_space<hbm>> -> memref<512xf32, #tpu.memory_space<hbm>>
      tpu.wait_dma2 semaphore(%run_scoped3A : memref<!tpu.dma_semaphore, #tpu.memory_space<semaphore_mem>>) src(%arg16 : memref<512xf32, #tpu.memory_space<vmem>>) dst(%dma_wait3A_31 : memref<512xf32, #tpu.memory_space<hbm>>)
      tpu.yield
    }) : () -> ()
    "tpu.region"() ({
      %run_scoped3A = tpu.sem_alloc : memref<!tpu.dma_semaphore, #tpu.memory_space<semaphore_mem>>
      %dma_start3A_28 = arith.constant 0 : i32
      %dma_start3A_29 = tpu.memref_slice %arg9[%add3A, %dma_start3A_28] : memref<32x16xf32, #tpu.memory_space<hbm>> -> memref<1x16xf32, #tpu.memory_space<hbm>>
      %dma_start3A_30 = tpu.memref_squeeze %dma_start3A_29 : memref<1x16xf32, #tpu.memory_space<hbm>> -> memref<16xf32, #tpu.memory_space<hbm>>
      %dma_start3A_31 = arith.constant 0 : i32
      %dma_start3A_32 = tpu.memref_slice %arg9[%add3A, %dma_start3A_31] : memref<32x16xf32, #tpu.memory_space<hbm>> -> memref<1x16xf32, #tpu.memory_space<hbm>>
      %dma_start3A_33 = tpu.memref_squeeze %dma_start3A_32 : memref<1x16xf32, #tpu.memory_space<hbm>> -> memref<16xf32, #tpu.memory_space<hbm>>
      tpu.enqueue_dma source(%arg17 : memref<16xf32, #tpu.memory_space<vmem>>) target(%dma_start3A_33 : memref<16xf32, #tpu.memory_space<hbm>>) target_semaphore(%run_scoped3A : memref<!tpu.dma_semaphore, #tpu.memory_space<semaphore_mem>>)
      %dma_wait3A_34 = arith.constant 0 : i32
      %dma_wait3A_35 = tpu.memref_slice %arg9[%add3A, %dma_wait3A_34] : memref<32x16xf32, #tpu.memory_space<hbm>> -> memref<1x16xf32, #tpu.memory_space<hbm>>
      %dma_wait3A_36 = tpu.memref_squeeze %dma_wait3A_35 : memref<1x16xf32, #tpu.memory_space<hbm>> -> memref<16xf32, #tpu.memory_space<hbm>>
      %dma_wait3A_37 = arith.constant 0 : i32
      %dma_wait3A_38 = tpu.memref_slice %arg9[%add3A, %dma_wait3A_37] : memref<32x16xf32, #tpu.memory_space<hbm>> -> memref<1x16xf32, #tpu.memory_space<hbm>>
      %dma_wait3A_39 = tpu.memref_squeeze %dma_wait3A_38 : memref<1x16xf32, #tpu.memory_space<hbm>> -> memref<16xf32, #tpu.memory_space<hbm>>
      tpu.wait_dma2 semaphore(%run_scoped3A : memref<!tpu.dma_semaphore, #tpu.memory_space<semaphore_mem>>) src(%arg17 : memref<16xf32, #tpu.memory_space<vmem>>) dst(%dma_wait3A_39 : memref<16xf32, #tpu.memory_space<hbm>>)
      tpu.yield
    }) : () -> ()
    return
  }
}

#map = affine_map<(d0, d1) -> (0)>
#map1 = affine_map<(d0, d1) -> (0, 0)>
module attributes {stable_mosaic.version = 14 : i64} {
  func.func @_k1_body(%arg0: i32, %arg1: i32, %arg2: memref<16384xi32, #tpu.memory_space<hbm>>, %arg3: memref<16384xi32, #tpu.memory_space<hbm>>, %arg4: memref<16x1000000xf32, #tpu.memory_space<hbm>>, %arg5: memref<2097152xf32, #tpu.memory_space<hbm>>, %arg6: memref<1024x128xi32, #tpu.memory_space<hbm>>, %arg7: memref<2048xi32, #tpu.memory_space<vmem>>, %arg8: memref<1040xi32, #tpu.memory_space<vmem>>, %arg9: memref<1040xi32, #tpu.memory_space<vmem>>, %arg10: memref<16x16x128xf32, #tpu.memory_space<vmem>>, %arg11: memref<65536xf32, #tpu.memory_space<vmem>>, %arg12: memref<128xi32, #tpu.memory_space<vmem>>, %arg13: memref<128xi32, #tpu.memory_space<vmem>>, %arg14: memref<32x128xi32, #tpu.memory_space<vmem>>, %arg15: memref<!tpu.dma_semaphore, #tpu.memory_space<semaphore_mem>>, %arg16: memref<!tpu.dma_semaphore, #tpu.memory_space<semaphore_mem>>) attributes {dimension_semantics = [#tpu.dimension_semantics<core_parallel>, #tpu.dimension_semantics<subcore_parallel>], iteration_bounds = array<i64: 2, 16>, scalar_prefetch = 0 : i64, scratch_operands = 10 : i64, tpu.core_type = #tpu.core_type<sc_vector_subcore>, window_params = [{transform_indices = #map}, {transform_indices = #map}, {transform_indices = #map1}, {transform_indices = #map}, {transform_indices = #map1}]} {
    %mul3A = arith.constant 2 : i32
    %mul3A_0 = arith.muli %arg1, %mul3A : i32
    %add3A = arith.addi %mul3A_0, %arg0 : i32
    %mul3A_1 = arith.constant 245 : i32
    %mul3A_2 = arith.muli %add3A, %mul3A_1 : i32
    %add3A_3 = arith.constant 245 : i32
    %add3A_4 = arith.addi %mul3A_2, %add3A_3 : i32
    %min3A = arith.constant 7812 : i32
    %min3A_5 = arith.minsi %add3A_4, %min3A : i32
    %mul3A_6 = arith.constant 128 : i32
    %mul3A_7 = arith.muli %mul3A_2, %mul3A_6 : i32
    %mul3A_8 = arith.constant 128 : i32
    %mul3A_9 = arith.muli %min3A_5, %mul3A_8 : i32
    %iota3A = tpu.iota {dimensions = array<i32: 0>} : vector<16xi32>
    %scan3A = arith.constant 0 : i32
    %scan3A_10 = arith.constant 0 : i32
    %scan3A_11 = arith.constant 8 : i32
    %scan3A_12 = arith.addi %scan3A_10, %scan3A_11 : i32
    %scan3A_13 = arith.constant 1 : i32
    %scan3A_14 = scf.for %scan3A_39 = %scan3A_10 to %scan3A_12 step %scan3A_13 iter_args(%scan3A_40 = %scan3A) -> (i32)  : i32 {
      %mul3A_41 = arith.constant 2048 : i32
      %mul3A_42 = arith.muli %scan3A_39, %mul3A_41 : i32
      "tpu.region"() ({
        %run_scoped3A = tpu.sem_alloc : memref<!tpu.dma_semaphore, #tpu.memory_space<semaphore_mem>>
        %dma_start3A = tpu.memref_slice %arg2[%mul3A_42] : memref<16384xi32, #tpu.memory_space<hbm>> -> memref<2048xi32, #tpu.memory_space<hbm>>
        %dma_start3A_49 = tpu.memref_slice %arg2[%mul3A_42] : memref<16384xi32, #tpu.memory_space<hbm>> -> memref<2048xi32, #tpu.memory_space<hbm>>
        tpu.enqueue_dma source(%dma_start3A_49 : memref<2048xi32, #tpu.memory_space<hbm>>) target(%arg7 : memref<2048xi32, #tpu.memory_space<vmem>>) target_semaphore(%run_scoped3A : memref<!tpu.dma_semaphore, #tpu.memory_space<semaphore_mem>>)
        %dma_wait3A = tpu.memref_slice %arg2[%mul3A_42] : memref<16384xi32, #tpu.memory_space<hbm>> -> memref<2048xi32, #tpu.memory_space<hbm>>
        %dma_wait3A_50 = tpu.memref_slice %arg2[%mul3A_42] : memref<16384xi32, #tpu.memory_space<hbm>> -> memref<2048xi32, #tpu.memory_space<hbm>>
        tpu.wait_dma2 semaphore(%run_scoped3A : memref<!tpu.dma_semaphore, #tpu.memory_space<semaphore_mem>>) src(%dma_wait3A_50 : memref<2048xi32, #tpu.memory_space<hbm>>) dst(%arg7 : memref<2048xi32, #tpu.memory_space<vmem>>)
        tpu.yield
      }) : () -> ()
      %scan3A_43 = arith.constant 0 : i32
      %scan3A_44 = arith.constant 128 : i32
      %scan3A_45 = arith.addi %scan3A_43, %scan3A_44 : i32
      %scan3A_46 = arith.constant 1 : i32
      %scan3A_47 = scf.for %scan3A_49 = %scan3A_43 to %scan3A_45 step %scan3A_46 iter_args(%scan3A_50 = %scan3A_40) -> (i32)  : i32 {
        %mul3A_51 = arith.constant 16 : i32
        %mul3A_52 = arith.muli %scan3A_49, %mul3A_51 : i32
        %get3A = arith.index_cast %mul3A_52 : i32 to index
        %get3A_53 = tpu.vector_load %arg7[%get3A] {strides = array<i32>} : memref<2048xi32, #tpu.memory_space<vmem>>, vector<16xi32>,
        %ge3A = vector.broadcast %mul3A_7 : i32 to vector<16xi32>
        %ge3A_54 = arith.cmpi sge, %get3A_53, %ge3A : vector<16xi32>
        %lt3A = vector.broadcast %mul3A_9 : i32 to vector<16xi32>
        %lt3A_55 = arith.cmpi slt, %get3A_53, %lt3A : vector<16xi32>
        %and3A = arith.andi %ge3A_54, %lt3A_55 : vector<16xi1>
        %min3A_56 = arith.constant 1024 : i32
        %min3A_57 = arith.minsi %scan3A_50, %min3A_56 : i32
        %sub3A = vector.broadcast %mul3A_7 : i32 to vector<16xi32>
        %sub3A_58 = arith.subi %get3A_53, %sub3A : vector<16xi32>
        %shift_left3A = arith.constant 14 : i32
        %shift_left3A_59 = vector.broadcast %shift_left3A : i32 to vector<16xi32>
        %shift_left3A_60 = arith.shli %sub3A_58, %shift_left3A_59 : vector<16xi32>
        %mul3A_61 = arith.constant 2048 : i32
        %mul3A_62 = arith.muli %scan3A_39, %mul3A_61 : i32
        %mul3A_63 = arith.constant 16 : i32
        %mul3A_64 = arith.muli %scan3A_49, %mul3A_63 : i32
        %add3A_65 = arith.addi %mul3A_62, %mul3A_64 : i32
        %add3A_66 = vector.broadcast %add3A_65 : i32 to vector<16xi32>
        %add3A_67 = arith.addi %add3A_66, %iota3A : vector<16xi32>
        %or3A = arith.ori %shift_left3A_60, %add3A_67 : vector<16xi32>
        %swap3A = arith.index_cast %min3A_57 : i32 to index
        %swap3A_68 = tpu.vector_load %arg8[%swap3A] masked %and3A {strides = array<i32>} : memref<1040xi32, #tpu.memory_space<vmem>>, vector<16xi32>, vector<16xi1>
        tpu.vector_store %arg8[%swap3A], %or3A masked %and3A {strides = array<i32>} : memref<1040xi32, #tpu.memory_space<vmem>>, vector<16xi32>, vector<16xi1>
        %all_reduce_population_count3A = tpu.all_reduce %and3A {dim = 0 : i64, kind = #tpu.reduction_kind<sum>} : vector<16xi1> -> vector<16xi32>
        %slice3A = vector.extract_strided_slice %all_reduce_population_count3A {offsets = [0], sizes = [1], strides = [1]} : vector<16xi32> to vector<1xi32>
        %squeeze3A = vector.extract %slice3A[0] : i32 from vector<1xi32>
        %add3A_69 = arith.addi %scan3A_50, %squeeze3A : i32
        scf.yield %add3A_69 : i32
      }
      %scan3A_48 = arith.constant 128 : i32
      scf.yield %scan3A_47 : i32
    }
    %scan3A_15 = arith.constant 8 : i32
    %scan3A_16 = arith.constant 0 : i32
    %scan3A_17 = arith.constant 0 : i32
    %scan3A_18 = arith.constant 8 : i32
    %scan3A_19 = arith.addi %scan3A_17, %scan3A_18 : i32
    %scan3A_20 = arith.constant 1 : i32
    %scan3A_21 = scf.for %scan3A_39 = %scan3A_17 to %scan3A_19 step %scan3A_20 iter_args(%scan3A_40 = %scan3A_16) -> (i32)  : i32 {
      %mul3A_41 = arith.constant 2048 : i32
      %mul3A_42 = arith.muli %scan3A_39, %mul3A_41 : i32
      "tpu.region"() ({
        %run_scoped3A = tpu.sem_alloc : memref<!tpu.dma_semaphore, #tpu.memory_space<semaphore_mem>>
        %dma_start3A = tpu.memref_slice %arg3[%mul3A_42] : memref<16384xi32, #tpu.memory_space<hbm>> -> memref<2048xi32, #tpu.memory_space<hbm>>
        %dma_start3A_49 = tpu.memref_slice %arg3[%mul3A_42] : memref<16384xi32, #tpu.memory_space<hbm>> -> memref<2048xi32, #tpu.memory_space<hbm>>
        tpu.enqueue_dma source(%dma_start3A_49 : memref<2048xi32, #tpu.memory_space<hbm>>) target(%arg7 : memref<2048xi32, #tpu.memory_space<vmem>>) target_semaphore(%run_scoped3A : memref<!tpu.dma_semaphore, #tpu.memory_space<semaphore_mem>>)
        %dma_wait3A = tpu.memref_slice %arg3[%mul3A_42] : memref<16384xi32, #tpu.memory_space<hbm>> -> memref<2048xi32, #tpu.memory_space<hbm>>
        %dma_wait3A_50 = tpu.memref_slice %arg3[%mul3A_42] : memref<16384xi32, #tpu.memory_space<hbm>> -> memref<2048xi32, #tpu.memory_space<hbm>>
        tpu.wait_dma2 semaphore(%run_scoped3A : memref<!tpu.dma_semaphore, #tpu.memory_space<semaphore_mem>>) src(%dma_wait3A_50 : memref<2048xi32, #tpu.memory_space<hbm>>) dst(%arg7 : memref<2048xi32, #tpu.memory_space<vmem>>)
        tpu.yield
      }) : () -> ()
      %scan3A_43 = arith.constant 0 : i32
      %scan3A_44 = arith.constant 128 : i32
      %scan3A_45 = arith.addi %scan3A_43, %scan3A_44 : i32
      %scan3A_46 = arith.constant 1 : i32
      %scan3A_47 = scf.for %scan3A_49 = %scan3A_43 to %scan3A_45 step %scan3A_46 iter_args(%scan3A_50 = %scan3A_40) -> (i32)  : i32 {
        %mul3A_51 = arith.constant 16 : i32
        %mul3A_52 = arith.muli %scan3A_49, %mul3A_51 : i32
        %get3A = arith.index_cast %mul3A_52 : i32 to index
        %get3A_53 = tpu.vector_load %arg7[%get3A] {strides = array<i32>} : memref<2048xi32, #tpu.memory_space<vmem>>, vector<16xi32>,
        %ge3A = vector.broadcast %mul3A_7 : i32 to vector<16xi32>
        %ge3A_54 = arith.cmpi sge, %get3A_53, %ge3A : vector<16xi32>
        %lt3A = vector.broadcast %mul3A_9 : i32 to vector<16xi32>
        %lt3A_55 = arith.cmpi slt, %get3A_53, %lt3A : vector<16xi32>
        %and3A = arith.andi %ge3A_54, %lt3A_55 : vector<16xi1>
        %min3A_56 = arith.constant 1024 : i32
        %min3A_57 = arith.minsi %scan3A_50, %min3A_56 : i32
        %sub3A = vector.broadcast %mul3A_7 : i32 to vector<16xi32>
        %sub3A_58 = arith.subi %get3A_53, %sub3A : vector<16xi32>
        %shift_left3A = arith.constant 14 : i32
        %shift_left3A_59 = vector.broadcast %shift_left3A : i32 to vector<16xi32>
        %shift_left3A_60 = arith.shli %sub3A_58, %shift_left3A_59 : vector<16xi32>
        %mul3A_61 = arith.constant 2048 : i32
        %mul3A_62 = arith.muli %scan3A_39, %mul3A_61 : i32
        %mul3A_63 = arith.constant 16 : i32
        %mul3A_64 = arith.muli %scan3A_49, %mul3A_63 : i32
        %add3A_65 = arith.addi %mul3A_62, %mul3A_64 : i32
        %add3A_66 = vector.broadcast %add3A_65 : i32 to vector<16xi32>
        %add3A_67 = arith.addi %add3A_66, %iota3A : vector<16xi32>
        %or3A = arith.ori %shift_left3A_60, %add3A_67 : vector<16xi32>
        %swap3A = arith.index_cast %min3A_57 : i32 to index
        %swap3A_68 = tpu.vector_load %arg9[%swap3A] masked %and3A {strides = array<i32>} : memref<1040xi32, #tpu.memory_space<vmem>>, vector<16xi32>, vector<16xi1>
        tpu.vector_store %arg9[%swap3A], %or3A masked %and3A {strides = array<i32>} : memref<1040xi32, #tpu.memory_space<vmem>>, vector<16xi32>, vector<16xi1>
        %all_reduce_population_count3A = tpu.all_reduce %and3A {dim = 0 : i64, kind = #tpu.reduction_kind<sum>} : vector<16xi1> -> vector<16xi32>
        %slice3A = vector.extract_strided_slice %all_reduce_population_count3A {offsets = [0], sizes = [1], strides = [1]} : vector<16xi32> to vector<1xi32>
        %squeeze3A = vector.extract %slice3A[0] : i32 from vector<1xi32>
        %add3A_69 = arith.addi %scan3A_50, %squeeze3A : i32
        scf.yield %add3A_69 : i32
      }
      %scan3A_48 = arith.constant 128 : i32
      scf.yield %scan3A_47 : i32
    }
    %scan3A_22 = arith.constant 8 : i32
    %scan3A_23 = arith.constant 0 : i32
    %scan3A_24 = arith.constant 0 : i32
    %scan3A_25 = arith.constant 16 : i32
    %scan3A_26 = arith.addi %scan3A_24, %scan3A_25 : i32
    %scan3A_27 = arith.constant 1 : i32
    %scan3A_28 = scf.for %scan3A_39 = %scan3A_24 to %scan3A_26 step %scan3A_27 iter_args(%scan3A_40 = %scan3A_23) -> (i32)  : i32 {
      %mul3A_41 = arith.constant 16 : i32
      %mul3A_42 = arith.muli %scan3A_39, %mul3A_41 : i32
      %add3A_43 = arith.addi %mul3A_2, %mul3A_42 : i32
      %add3A_44 = arith.constant 0 : i32
      %add3A_45 = arith.addi %add3A_43, %add3A_44 : i32
      %lt3A = arith.cmpi slt, %add3A_45, %min3A_5 : i32
      %convert_element_type3A = arith.extui %lt3A : i1 to i32
      %cond3A = arith.constant 0 : i32
      %cond3A_46 = arith.cmpi ne, %convert_element_type3A, %cond3A : i32
      scf.if %cond3A_46 {
        %add3A_372 = arith.constant 0 : i32
        %add3A_373 = arith.addi %add3A_43, %add3A_372 : i32
        %mul3A_374 = arith.constant 128 : i32
        %mul3A_375 = arith.muli %add3A_373, %mul3A_374 : i32
        %dma_start3A_376 = arith.constant 0 : i32
        %dma_start3A_377 = arith.constant 0 : i32
        %dma_start3A_378 = arith.constant 0 : i32
        %dma_start3A_379 = tpu.memref_slice %arg10[%dma_start3A_376, %dma_start3A_377, %dma_start3A_378] : memref<16x16x128xf32, #tpu.memory_space<vmem>> -> memref<1x16x128xf32, #tpu.memory_space<vmem>>
        %dma_start3A_380 = tpu.memref_squeeze %dma_start3A_379 : memref<1x16x128xf32, #tpu.memory_space<vmem>> -> memref<16x128xf32, #tpu.memory_space<vmem>>
        %dma_start3A_381 = arith.constant 0 : i32
        %dma_start3A_382 = tpu.memref_slice %arg4[%dma_start3A_381, %mul3A_375] : memref<16x1000000xf32, #tpu.memory_space<hbm>> -> memref<16x128xf32, #tpu.memory_space<hbm>>
        %dma_start3A_383 = arith.constant 0 : i32
        %dma_start3A_384 = arith.constant 0 : i32
        %dma_start3A_385 = tpu.memref_slice %arg10[%dma_start3A_376, %dma_start3A_383, %dma_start3A_384] : memref<16x16x128xf32, #tpu.memory_space<vmem>> -> memref<1x16x128xf32, #tpu.memory_space<vmem>>
        %dma_start3A_386 = tpu.memref_squeeze %dma_start3A_385 : memref<1x16x128xf32, #tpu.memory_space<vmem>> -> memref<16x128xf32, #tpu.memory_space<vmem>>
        %dma_start3A_387 = arith.constant 0 : i32
        %dma_start3A_388 = tpu.memref_slice %arg4[%dma_start3A_387, %mul3A_375] : memref<16x1000000xf32, #tpu.memory_space<hbm>> -> memref<16x128xf32, #tpu.memory_space<hbm>>
        tpu.enqueue_dma source(%dma_start3A_388 : memref<16x128xf32, #tpu.memory_space<hbm>>) target(%dma_start3A_386 : memref<16x128xf32, #tpu.memory_space<vmem>>) target_semaphore(%arg15 : memref<!tpu.dma_semaphore, #tpu.memory_space<semaphore_mem>>)
      } else {
      }
      %add3A_47 = arith.constant 1 : i32
      %add3A_48 = arith.addi %add3A_43, %add3A_47 : i32
      %lt3A_49 = arith.cmpi slt, %add3A_48, %min3A_5 : i32
      %convert_element_type3A_50 = arith.extui %lt3A_49 : i1 to i32
      %cond3A_51 = arith.constant 0 : i32
      %cond3A_52 = arith.cmpi ne, %convert_element_type3A_50, %cond3A_51 : i32
      scf.if %cond3A_52 {
        %add3A_372 = arith.constant 1 : i32
        %add3A_373 = arith.addi %add3A_43, %add3A_372 : i32
        %mul3A_374 = arith.constant 128 : i32
        %mul3A_375 = arith.muli %add3A_373, %mul3A_374 : i32
        %dma_start3A_376 = arith.constant 1 : i32
        %dma_start3A_377 = arith.constant 0 : i32
        %dma_start3A_378 = arith.constant 0 : i32
        %dma_start3A_379 = tpu.memref_slice %arg10[%dma_start3A_376, %dma_start3A_377, %dma_start3A_378] : memref<16x16x128xf32, #tpu.memory_space<vmem>> -> memref<1x16x128xf32, #tpu.memory_space<vmem>>
        %dma_start3A_380 = tpu.memref_squeeze %dma_start3A_379 : memref<1x16x128xf32, #tpu.memory_space<vmem>> -> memref<16x128xf32, #tpu.memory_space<vmem>>
        %dma_start3A_381 = arith.constant 0 : i32
        %dma_start3A_382 = tpu.memref_slice %arg4[%dma_start3A_381, %mul3A_375] : memref<16x1000000xf32, #tpu.memory_space<hbm>> -> memref<16x128xf32, #tpu.memory_space<hbm>>
        %dma_start3A_383 = arith.constant 0 : i32
        %dma_start3A_384 = arith.constant 0 : i32
        %dma_start3A_385 = tpu.memref_slice %arg10[%dma_start3A_376, %dma_start3A_383, %dma_start3A_384] : memref<16x16x128xf32, #tpu.memory_space<vmem>> -> memref<1x16x128xf32, #tpu.memory_space<vmem>>
        %dma_start3A_386 = tpu.memref_squeeze %dma_start3A_385 : memref<1x16x128xf32, #tpu.memory_space<vmem>> -> memref<16x128xf32, #tpu.memory_space<vmem>>
        %dma_start3A_387 = arith.constant 0 : i32
        %dma_start3A_388 = tpu.memref_slice %arg4[%dma_start3A_387, %mul3A_375] : memref<16x1000000xf32, #tpu.memory_space<hbm>> -> memref<16x128xf32, #tpu.memory_space<hbm>>
        tpu.enqueue_dma source(%dma_start3A_388 : memref<16x128xf32, #tpu.memory_space<hbm>>) target(%dma_start3A_386 : memref<16x128xf32, #tpu.memory_space<vmem>>) target_semaphore(%arg15 : memref<!tpu.dma_semaphore, #tpu.memory_space<semaphore_mem>>)
      } else {
      }
      %add3A_53 = arith.constant 2 : i32
      %add3A_54 = arith.addi %add3A_43, %add3A_53 : i32
      %lt3A_55 = arith.cmpi slt, %add3A_54, %min3A_5 : i32
      %convert_element_type3A_56 = arith.extui %lt3A_55 : i1 to i32
      %cond3A_57 = arith.constant 0 : i32
      %cond3A_58 = arith.cmpi ne, %convert_element_type3A_56, %cond3A_57 : i32
      scf.if %cond3A_58 {
        %add3A_372 = arith.constant 2 : i32
        %add3A_373 = arith.addi %add3A_43, %add3A_372 : i32
        %mul3A_374 = arith.constant 128 : i32
        %mul3A_375 = arith.muli %add3A_373, %mul3A_374 : i32
        %dma_start3A_376 = arith.constant 2 : i32
        %dma_start3A_377 = arith.constant 0 : i32
        %dma_start3A_378 = arith.constant 0 : i32
        %dma_start3A_379 = tpu.memref_slice %arg10[%dma_start3A_376, %dma_start3A_377, %dma_start3A_378] : memref<16x16x128xf32, #tpu.memory_space<vmem>> -> memref<1x16x128xf32, #tpu.memory_space<vmem>>
        %dma_start3A_380 = tpu.memref_squeeze %dma_start3A_379 : memref<1x16x128xf32, #tpu.memory_space<vmem>> -> memref<16x128xf32, #tpu.memory_space<vmem>>
        %dma_start3A_381 = arith.constant 0 : i32
        %dma_start3A_382 = tpu.memref_slice %arg4[%dma_start3A_381, %mul3A_375] : memref<16x1000000xf32, #tpu.memory_space<hbm>> -> memref<16x128xf32, #tpu.memory_space<hbm>>
        %dma_start3A_383 = arith.constant 0 : i32
        %dma_start3A_384 = arith.constant 0 : i32
        %dma_start3A_385 = tpu.memref_slice %arg10[%dma_start3A_376, %dma_start3A_383, %dma_start3A_384] : memref<16x16x128xf32, #tpu.memory_space<vmem>> -> memref<1x16x128xf32, #tpu.memory_space<vmem>>
        %dma_start3A_386 = tpu.memref_squeeze %dma_start3A_385 : memref<1x16x128xf32, #tpu.memory_space<vmem>> -> memref<16x128xf32, #tpu.memory_space<vmem>>
        %dma_start3A_387 = arith.constant 0 : i32
        %dma_start3A_388 = tpu.memref_slice %arg4[%dma_start3A_387, %mul3A_375] : memref<16x1000000xf32, #tpu.memory_space<hbm>> -> memref<16x128xf32, #tpu.memory_space<hbm>>
        tpu.enqueue_dma source(%dma_start3A_388 : memref<16x128xf32, #tpu.memory_space<hbm>>) target(%dma_start3A_386 : memref<16x128xf32, #tpu.memory_space<vmem>>) target_semaphore(%arg15 : memref<!tpu.dma_semaphore, #tpu.memory_space<semaphore_mem>>)
      } else {
      }
      %add3A_59 = arith.constant 3 : i32
      %add3A_60 = arith.addi %add3A_43, %add3A_59 : i32
      %lt3A_61 = arith.cmpi slt, %add3A_60, %min3A_5 : i32
      %convert_element_type3A_62 = arith.extui %lt3A_61 : i1 to i32
      %cond3A_63 = arith.constant 0 : i32
      %cond3A_64 = arith.cmpi ne, %convert_element_type3A_62, %cond3A_63 : i32
      scf.if %cond3A_64 {
        %add3A_372 = arith.constant 3 : i32
        %add3A_373 = arith.addi %add3A_43, %add3A_372 : i32
        %mul3A_374 = arith.constant 128 : i32
        %mul3A_375 = arith.muli %add3A_373, %mul3A_374 : i32
        %dma_start3A_376 = arith.constant 3 : i32
        %dma_start3A_377 = arith.constant 0 : i32
        %dma_start3A_378 = arith.constant 0 : i32
        %dma_start3A_379 = tpu.memref_slice %arg10[%dma_start3A_376, %dma_start3A_377, %dma_start3A_378] : memref<16x16x128xf32, #tpu.memory_space<vmem>> -> memref<1x16x128xf32, #tpu.memory_space<vmem>>
        %dma_start3A_380 = tpu.memref_squeeze %dma_start3A_379 : memref<1x16x128xf32, #tpu.memory_space<vmem>> -> memref<16x128xf32, #tpu.memory_space<vmem>>
        %dma_start3A_381 = arith.constant 0 : i32
        %dma_start3A_382 = tpu.memref_slice %arg4[%dma_start3A_381, %mul3A_375] : memref<16x1000000xf32, #tpu.memory_space<hbm>> -> memref<16x128xf32, #tpu.memory_space<hbm>>
        %dma_start3A_383 = arith.constant 0 : i32
        %dma_start3A_384 = arith.constant 0 : i32
        %dma_start3A_385 = tpu.memref_slice %arg10[%dma_start3A_376, %dma_start3A_383, %dma_start3A_384] : memref<16x16x128xf32, #tpu.memory_space<vmem>> -> memref<1x16x128xf32, #tpu.memory_space<vmem>>
        %dma_start3A_386 = tpu.memref_squeeze %dma_start3A_385 : memref<1x16x128xf32, #tpu.memory_space<vmem>> -> memref<16x128xf32, #tpu.memory_space<vmem>>
        %dma_start3A_387 = arith.constant 0 : i32
        %dma_start3A_388 = tpu.memref_slice %arg4[%dma_start3A_387, %mul3A_375] : memref<16x1000000xf32, #tpu.memory_space<hbm>> -> memref<16x128xf32, #tpu.memory_space<hbm>>
        tpu.enqueue_dma source(%dma_start3A_388 : memref<16x128xf32, #tpu.memory_space<hbm>>) target(%dma_start3A_386 : memref<16x128xf32, #tpu.memory_space<vmem>>) target_semaphore(%arg15 : memref<!tpu.dma_semaphore, #tpu.memory_space<semaphore_mem>>)
      } else {
      }
      %add3A_65 = arith.constant 4 : i32
      %add3A_66 = arith.addi %add3A_43, %add3A_65 : i32
      %lt3A_67 = arith.cmpi slt, %add3A_66, %min3A_5 : i32
      %convert_element_type3A_68 = arith.extui %lt3A_67 : i1 to i32
      %cond3A_69 = arith.constant 0 : i32
      %cond3A_70 = arith.cmpi ne, %convert_element_type3A_68, %cond3A_69 : i32
      scf.if %cond3A_70 {
        %add3A_372 = arith.constant 4 : i32
        %add3A_373 = arith.addi %add3A_43, %add3A_372 : i32
        %mul3A_374 = arith.constant 128 : i32
        %mul3A_375 = arith.muli %add3A_373, %mul3A_374 : i32
        %dma_start3A_376 = arith.constant 4 : i32
        %dma_start3A_377 = arith.constant 0 : i32
        %dma_start3A_378 = arith.constant 0 : i32
        %dma_start3A_379 = tpu.memref_slice %arg10[%dma_start3A_376, %dma_start3A_377, %dma_start3A_378] : memref<16x16x128xf32, #tpu.memory_space<vmem>> -> memref<1x16x128xf32, #tpu.memory_space<vmem>>
        %dma_start3A_380 = tpu.memref_squeeze %dma_start3A_379 : memref<1x16x128xf32, #tpu.memory_space<vmem>> -> memref<16x128xf32, #tpu.memory_space<vmem>>
        %dma_start3A_381 = arith.constant 0 : i32
        %dma_start3A_382 = tpu.memref_slice %arg4[%dma_start3A_381, %mul3A_375] : memref<16x1000000xf32, #tpu.memory_space<hbm>> -> memref<16x128xf32, #tpu.memory_space<hbm>>
        %dma_start3A_383 = arith.constant 0 : i32
        %dma_start3A_384 = arith.constant 0 : i32
        %dma_start3A_385 = tpu.memref_slice %arg10[%dma_start3A_376, %dma_start3A_383, %dma_start3A_384] : memref<16x16x128xf32, #tpu.memory_space<vmem>> -> memref<1x16x128xf32, #tpu.memory_space<vmem>>
        %dma_start3A_386 = tpu.memref_squeeze %dma_start3A_385 : memref<1x16x128xf32, #tpu.memory_space<vmem>> -> memref<16x128xf32, #tpu.memory_space<vmem>>
        %dma_start3A_387 = arith.constant 0 : i32
        %dma_start3A_388 = tpu.memref_slice %arg4[%dma_start3A_387, %mul3A_375] : memref<16x1000000xf32, #tpu.memory_space<hbm>> -> memref<16x128xf32, #tpu.memory_space<hbm>>
        tpu.enqueue_dma source(%dma_start3A_388 : memref<16x128xf32, #tpu.memory_space<hbm>>) target(%dma_start3A_386 : memref<16x128xf32, #tpu.memory_space<vmem>>) target_semaphore(%arg15 : memref<!tpu.dma_semaphore, #tpu.memory_space<semaphore_mem>>)
      } else {
      }
      %add3A_71 = arith.constant 5 : i32
      %add3A_72 = arith.addi %add3A_43, %add3A_71 : i32
      %lt3A_73 = arith.cmpi slt, %add3A_72, %min3A_5 : i32
      %convert_element_type3A_74 = arith.extui %lt3A_73 : i1 to i32
      %cond3A_75 = arith.constant 0 : i32
      %cond3A_76 = arith.cmpi ne, %convert_element_type3A_74, %cond3A_75 : i32
      scf.if %cond3A_76 {
        %add3A_372 = arith.constant 5 : i32
        %add3A_373 = arith.addi %add3A_43, %add3A_372 : i32
        %mul3A_374 = arith.constant 128 : i32
        %mul3A_375 = arith.muli %add3A_373, %mul3A_374 : i32
        %dma_start3A_376 = arith.constant 5 : i32
        %dma_start3A_377 = arith.constant 0 : i32
        %dma_start3A_378 = arith.constant 0 : i32
        %dma_start3A_379 = tpu.memref_slice %arg10[%dma_start3A_376, %dma_start3A_377, %dma_start3A_378] : memref<16x16x128xf32, #tpu.memory_space<vmem>> -> memref<1x16x128xf32, #tpu.memory_space<vmem>>
        %dma_start3A_380 = tpu.memref_squeeze %dma_start3A_379 : memref<1x16x128xf32, #tpu.memory_space<vmem>> -> memref<16x128xf32, #tpu.memory_space<vmem>>
        %dma_start3A_381 = arith.constant 0 : i32
        %dma_start3A_382 = tpu.memref_slice %arg4[%dma_start3A_381, %mul3A_375] : memref<16x1000000xf32, #tpu.memory_space<hbm>> -> memref<16x128xf32, #tpu.memory_space<hbm>>
        %dma_start3A_383 = arith.constant 0 : i32
        %dma_start3A_384 = arith.constant 0 : i32
        %dma_start3A_385 = tpu.memref_slice %arg10[%dma_start3A_376, %dma_start3A_383, %dma_start3A_384] : memref<16x16x128xf32, #tpu.memory_space<vmem>> -> memref<1x16x128xf32, #tpu.memory_space<vmem>>
        %dma_start3A_386 = tpu.memref_squeeze %dma_start3A_385 : memref<1x16x128xf32, #tpu.memory_space<vmem>> -> memref<16x128xf32, #tpu.memory_space<vmem>>
        %dma_start3A_387 = arith.constant 0 : i32
        %dma_start3A_388 = tpu.memref_slice %arg4[%dma_start3A_387, %mul3A_375] : memref<16x1000000xf32, #tpu.memory_space<hbm>> -> memref<16x128xf32, #tpu.memory_space<hbm>>
        tpu.enqueue_dma source(%dma_start3A_388 : memref<16x128xf32, #tpu.memory_space<hbm>>) target(%dma_start3A_386 : memref<16x128xf32, #tpu.memory_space<vmem>>) target_semaphore(%arg15 : memref<!tpu.dma_semaphore, #tpu.memory_space<semaphore_mem>>)
      } else {
      }
      %add3A_77 = arith.constant 6 : i32
      %add3A_78 = arith.addi %add3A_43, %add3A_77 : i32
      %lt3A_79 = arith.cmpi slt, %add3A_78, %min3A_5 : i32
      %convert_element_type3A_80 = arith.extui %lt3A_79 : i1 to i32
      %cond3A_81 = arith.constant 0 : i32
      %cond3A_82 = arith.cmpi ne, %convert_element_type3A_80, %cond3A_81 : i32
      scf.if %cond3A_82 {
        %add3A_372 = arith.constant 6 : i32
        %add3A_373 = arith.addi %add3A_43, %add3A_372 : i32
        %mul3A_374 = arith.constant 128 : i32
        %mul3A_375 = arith.muli %add3A_373, %mul3A_374 : i32
        %dma_start3A_376 = arith.constant 6 : i32
        %dma_start3A_377 = arith.constant 0 : i32
        %dma_start3A_378 = arith.constant 0 : i32
        %dma_start3A_379 = tpu.memref_slice %arg10[%dma_start3A_376, %dma_start3A_377, %dma_start3A_378] : memref<16x16x128xf32, #tpu.memory_space<vmem>> -> memref<1x16x128xf32, #tpu.memory_space<vmem>>
        %dma_start3A_380 = tpu.memref_squeeze %dma_start3A_379 : memref<1x16x128xf32, #tpu.memory_space<vmem>> -> memref<16x128xf32, #tpu.memory_space<vmem>>
        %dma_start3A_381 = arith.constant 0 : i32
        %dma_start3A_382 = tpu.memref_slice %arg4[%dma_start3A_381, %mul3A_375] : memref<16x1000000xf32, #tpu.memory_space<hbm>> -> memref<16x128xf32, #tpu.memory_space<hbm>>
        %dma_start3A_383 = arith.constant 0 : i32
        %dma_start3A_384 = arith.constant 0 : i32
        %dma_start3A_385 = tpu.memref_slice %arg10[%dma_start3A_376, %dma_start3A_383, %dma_start3A_384] : memref<16x16x128xf32, #tpu.memory_space<vmem>> -> memref<1x16x128xf32, #tpu.memory_space<vmem>>
        %dma_start3A_386 = tpu.memref_squeeze %dma_start3A_385 : memref<1x16x128xf32, #tpu.memory_space<vmem>> -> memref<16x128xf32, #tpu.memory_space<vmem>>
        %dma_start3A_387 = arith.constant 0 : i32
        %dma_start3A_388 = tpu.memref_slice %arg4[%dma_start3A_387, %mul3A_375] : memref<16x1000000xf32, #tpu.memory_space<hbm>> -> memref<16x128xf32, #tpu.memory_space<hbm>>
        tpu.enqueue_dma source(%dma_start3A_388 : memref<16x128xf32, #tpu.memory_space<hbm>>) target(%dma_start3A_386 : memref<16x128xf32, #tpu.memory_space<vmem>>) target_semaphore(%arg15 : memref<!tpu.dma_semaphore, #tpu.memory_space<semaphore_mem>>)
      } else {
      }
      %add3A_83 = arith.constant 7 : i32
      %add3A_84 = arith.addi %add3A_43, %add3A_83 : i32
      %lt3A_85 = arith.cmpi slt, %add3A_84, %min3A_5 : i32
      %convert_element_type3A_86 = arith.extui %lt3A_85 : i1 to i32
      %cond3A_87 = arith.constant 0 : i32
      %cond3A_88 = arith.cmpi ne, %convert_element_type3A_86, %cond3A_87 : i32
      scf.if %cond3A_88 {
        %add3A_372 = arith.constant 7 : i32
        %add3A_373 = arith.addi %add3A_43, %add3A_372 : i32
        %mul3A_374 = arith.constant 128 : i32
        %mul3A_375 = arith.muli %add3A_373, %mul3A_374 : i32
        %dma_start3A_376 = arith.constant 7 : i32
        %dma_start3A_377 = arith.constant 0 : i32
        %dma_start3A_378 = arith.constant 0 : i32
        %dma_start3A_379 = tpu.memref_slice %arg10[%dma_start3A_376, %dma_start3A_377, %dma_start3A_378] : memref<16x16x128xf32, #tpu.memory_space<vmem>> -> memref<1x16x128xf32, #tpu.memory_space<vmem>>
        %dma_start3A_380 = tpu.memref_squeeze %dma_start3A_379 : memref<1x16x128xf32, #tpu.memory_space<vmem>> -> memref<16x128xf32, #tpu.memory_space<vmem>>
        %dma_start3A_381 = arith.constant 0 : i32
        %dma_start3A_382 = tpu.memref_slice %arg4[%dma_start3A_381, %mul3A_375] : memref<16x1000000xf32, #tpu.memory_space<hbm>> -> memref<16x128xf32, #tpu.memory_space<hbm>>
        %dma_start3A_383 = arith.constant 0 : i32
        %dma_start3A_384 = arith.constant 0 : i32
        %dma_start3A_385 = tpu.memref_slice %arg10[%dma_start3A_376, %dma_start3A_383, %dma_start3A_384] : memref<16x16x128xf32, #tpu.memory_space<vmem>> -> memref<1x16x128xf32, #tpu.memory_space<vmem>>
        %dma_start3A_386 = tpu.memref_squeeze %dma_start3A_385 : memref<1x16x128xf32, #tpu.memory_space<vmem>> -> memref<16x128xf32, #tpu.memory_space<vmem>>
        %dma_start3A_387 = arith.constant 0 : i32
        %dma_start3A_388 = tpu.memref_slice %arg4[%dma_start3A_387, %mul3A_375] : memref<16x1000000xf32, #tpu.memory_space<hbm>> -> memref<16x128xf32, #tpu.memory_space<hbm>>
        tpu.enqueue_dma source(%dma_start3A_388 : memref<16x128xf32, #tpu.memory_space<hbm>>) target(%dma_start3A_386 : memref<16x128xf32, #tpu.memory_space<vmem>>) target_semaphore(%arg15 : memref<!tpu.dma_semaphore, #tpu.memory_space<semaphore_mem>>)
      } else {
      }
      %add3A_89 = arith.constant 8 : i32
      %add3A_90 = arith.addi %add3A_43, %add3A_89 : i32
      %lt3A_91 = arith.cmpi slt, %add3A_90, %min3A_5 : i32
      %convert_element_type3A_92 = arith.extui %lt3A_91 : i1 to i32
      %cond3A_93 = arith.constant 0 : i32
      %cond3A_94 = arith.cmpi ne, %convert_element_type3A_92, %cond3A_93 : i32
      scf.if %cond3A_94 {
        %add3A_372 = arith.constant 8 : i32
        %add3A_373 = arith.addi %add3A_43, %add3A_372 : i32
        %mul3A_374 = arith.constant 128 : i32
        %mul3A_375 = arith.muli %add3A_373, %mul3A_374 : i32
        %dma_start3A_376 = arith.constant 8 : i32
        %dma_start3A_377 = arith.constant 0 : i32
        %dma_start3A_378 = arith.constant 0 : i32
        %dma_start3A_379 = tpu.memref_slice %arg10[%dma_start3A_376, %dma_start3A_377, %dma_start3A_378] : memref<16x16x128xf32, #tpu.memory_space<vmem>> -> memref<1x16x128xf32, #tpu.memory_space<vmem>>
        %dma_start3A_380 = tpu.memref_squeeze %dma_start3A_379 : memref<1x16x128xf32, #tpu.memory_space<vmem>> -> memref<16x128xf32, #tpu.memory_space<vmem>>
        %dma_start3A_381 = arith.constant 0 : i32
        %dma_start3A_382 = tpu.memref_slice %arg4[%dma_start3A_381, %mul3A_375] : memref<16x1000000xf32, #tpu.memory_space<hbm>> -> memref<16x128xf32, #tpu.memory_space<hbm>>
        %dma_start3A_383 = arith.constant 0 : i32
        %dma_start3A_384 = arith.constant 0 : i32
        %dma_start3A_385 = tpu.memref_slice %arg10[%dma_start3A_376, %dma_start3A_383, %dma_start3A_384] : memref<16x16x128xf32, #tpu.memory_space<vmem>> -> memref<1x16x128xf32, #tpu.memory_space<vmem>>
        %dma_start3A_386 = tpu.memref_squeeze %dma_start3A_385 : memref<1x16x128xf32, #tpu.memory_space<vmem>> -> memref<16x128xf32, #tpu.memory_space<vmem>>
        %dma_start3A_387 = arith.constant 0 : i32
        %dma_start3A_388 = tpu.memref_slice %arg4[%dma_start3A_387, %mul3A_375] : memref<16x1000000xf32, #tpu.memory_space<hbm>> -> memref<16x128xf32, #tpu.memory_space<hbm>>
        tpu.enqueue_dma source(%dma_start3A_388 : memref<16x128xf32, #tpu.memory_space<hbm>>) target(%dma_start3A_386 : memref<16x128xf32, #tpu.memory_space<vmem>>) target_semaphore(%arg15 : memref<!tpu.dma_semaphore, #tpu.memory_space<semaphore_mem>>)
      } else {
      }
      %add3A_95 = arith.constant 9 : i32
      %add3A_96 = arith.addi %add3A_43, %add3A_95 : i32
      %lt3A_97 = arith.cmpi slt, %add3A_96, %min3A_5 : i32
      %convert_element_type3A_98 = arith.extui %lt3A_97 : i1 to i32
      %cond3A_99 = arith.constant 0 : i32
      %cond3A_100 = arith.cmpi ne, %convert_element_type3A_98, %cond3A_99 : i32
      scf.if %cond3A_100 {
        %add3A_372 = arith.constant 9 : i32
        %add3A_373 = arith.addi %add3A_43, %add3A_372 : i32
        %mul3A_374 = arith.constant 128 : i32
        %mul3A_375 = arith.muli %add3A_373, %mul3A_374 : i32
        %dma_start3A_376 = arith.constant 9 : i32
        %dma_start3A_377 = arith.constant 0 : i32
        %dma_start3A_378 = arith.constant 0 : i32
        %dma_start3A_379 = tpu.memref_slice %arg10[%dma_start3A_376, %dma_start3A_377, %dma_start3A_378] : memref<16x16x128xf32, #tpu.memory_space<vmem>> -> memref<1x16x128xf32, #tpu.memory_space<vmem>>
        %dma_start3A_380 = tpu.memref_squeeze %dma_start3A_379 : memref<1x16x128xf32, #tpu.memory_space<vmem>> -> memref<16x128xf32, #tpu.memory_space<vmem>>
        %dma_start3A_381 = arith.constant 0 : i32
        %dma_start3A_382 = tpu.memref_slice %arg4[%dma_start3A_381, %mul3A_375] : memref<16x1000000xf32, #tpu.memory_space<hbm>> -> memref<16x128xf32, #tpu.memory_space<hbm>>
        %dma_start3A_383 = arith.constant 0 : i32
        %dma_start3A_384 = arith.constant 0 : i32
        %dma_start3A_385 = tpu.memref_slice %arg10[%dma_start3A_376, %dma_start3A_383, %dma_start3A_384] : memref<16x16x128xf32, #tpu.memory_space<vmem>> -> memref<1x16x128xf32, #tpu.memory_space<vmem>>
        %dma_start3A_386 = tpu.memref_squeeze %dma_start3A_385 : memref<1x16x128xf32, #tpu.memory_space<vmem>> -> memref<16x128xf32, #tpu.memory_space<vmem>>
        %dma_start3A_387 = arith.constant 0 : i32
        %dma_start3A_388 = tpu.memref_slice %arg4[%dma_start3A_387, %mul3A_375] : memref<16x1000000xf32, #tpu.memory_space<hbm>> -> memref<16x128xf32, #tpu.memory_space<hbm>>
        tpu.enqueue_dma source(%dma_start3A_388 : memref<16x128xf32, #tpu.memory_space<hbm>>) target(%dma_start3A_386 : memref<16x128xf32, #tpu.memory_space<vmem>>) target_semaphore(%arg15 : memref<!tpu.dma_semaphore, #tpu.memory_space<semaphore_mem>>)
      } else {
      }
      %add3A_101 = arith.constant 10 : i32
      %add3A_102 = arith.addi %add3A_43, %add3A_101 : i32
      %lt3A_103 = arith.cmpi slt, %add3A_102, %min3A_5 : i32
      %convert_element_type3A_104 = arith.extui %lt3A_103 : i1 to i32
      %cond3A_105 = arith.constant 0 : i32
      %cond3A_106 = arith.cmpi ne, %convert_element_type3A_104, %cond3A_105 : i32
      scf.if %cond3A_106 {
        %add3A_372 = arith.constant 10 : i32
        %add3A_373 = arith.addi %add3A_43, %add3A_372 : i32
        %mul3A_374 = arith.constant 128 : i32
        %mul3A_375 = arith.muli %add3A_373, %mul3A_374 : i32
        %dma_start3A_376 = arith.constant 10 : i32
        %dma_start3A_377 = arith.constant 0 : i32
        %dma_start3A_378 = arith.constant 0 : i32
        %dma_start3A_379 = tpu.memref_slice %arg10[%dma_start3A_376, %dma_start3A_377, %dma_start3A_378] : memref<16x16x128xf32, #tpu.memory_space<vmem>> -> memref<1x16x128xf32, #tpu.memory_space<vmem>>
        %dma_start3A_380 = tpu.memref_squeeze %dma_start3A_379 : memref<1x16x128xf32, #tpu.memory_space<vmem>> -> memref<16x128xf32, #tpu.memory_space<vmem>>
        %dma_start3A_381 = arith.constant 0 : i32
        %dma_start3A_382 = tpu.memref_slice %arg4[%dma_start3A_381, %mul3A_375] : memref<16x1000000xf32, #tpu.memory_space<hbm>> -> memref<16x128xf32, #tpu.memory_space<hbm>>
        %dma_start3A_383 = arith.constant 0 : i32
        %dma_start3A_384 = arith.constant 0 : i32
        %dma_start3A_385 = tpu.memref_slice %arg10[%dma_start3A_376, %dma_start3A_383, %dma_start3A_384] : memref<16x16x128xf32, #tpu.memory_space<vmem>> -> memref<1x16x128xf32, #tpu.memory_space<vmem>>
        %dma_start3A_386 = tpu.memref_squeeze %dma_start3A_385 : memref<1x16x128xf32, #tpu.memory_space<vmem>> -> memref<16x128xf32, #tpu.memory_space<vmem>>
        %dma_start3A_387 = arith.constant 0 : i32
        %dma_start3A_388 = tpu.memref_slice %arg4[%dma_start3A_387, %mul3A_375] : memref<16x1000000xf32, #tpu.memory_space<hbm>> -> memref<16x128xf32, #tpu.memory_space<hbm>>
        tpu.enqueue_dma source(%dma_start3A_388 : memref<16x128xf32, #tpu.memory_space<hbm>>) target(%dma_start3A_386 : memref<16x128xf32, #tpu.memory_space<vmem>>) target_semaphore(%arg15 : memref<!tpu.dma_semaphore, #tpu.memory_space<semaphore_mem>>)
      } else {
      }
      %add3A_107 = arith.constant 11 : i32
      %add3A_108 = arith.addi %add3A_43, %add3A_107 : i32
      %lt3A_109 = arith.cmpi slt, %add3A_108, %min3A_5 : i32
      %convert_element_type3A_110 = arith.extui %lt3A_109 : i1 to i32
      %cond3A_111 = arith.constant 0 : i32
      %cond3A_112 = arith.cmpi ne, %convert_element_type3A_110, %cond3A_111 : i32
      scf.if %cond3A_112 {
        %add3A_372 = arith.constant 11 : i32
        %add3A_373 = arith.addi %add3A_43, %add3A_372 : i32
        %mul3A_374 = arith.constant 128 : i32
        %mul3A_375 = arith.muli %add3A_373, %mul3A_374 : i32
        %dma_start3A_376 = arith.constant 11 : i32
        %dma_start3A_377 = arith.constant 0 : i32
        %dma_start3A_378 = arith.constant 0 : i32
        %dma_start3A_379 = tpu.memref_slice %arg10[%dma_start3A_376, %dma_start3A_377, %dma_start3A_378] : memref<16x16x128xf32, #tpu.memory_space<vmem>> -> memref<1x16x128xf32, #tpu.memory_space<vmem>>
        %dma_start3A_380 = tpu.memref_squeeze %dma_start3A_379 : memref<1x16x128xf32, #tpu.memory_space<vmem>> -> memref<16x128xf32, #tpu.memory_space<vmem>>
        %dma_start3A_381 = arith.constant 0 : i32
        %dma_start3A_382 = tpu.memref_slice %arg4[%dma_start3A_381, %mul3A_375] : memref<16x1000000xf32, #tpu.memory_space<hbm>> -> memref<16x128xf32, #tpu.memory_space<hbm>>
        %dma_start3A_383 = arith.constant 0 : i32
        %dma_start3A_384 = arith.constant 0 : i32
        %dma_start3A_385 = tpu.memref_slice %arg10[%dma_start3A_376, %dma_start3A_383, %dma_start3A_384] : memref<16x16x128xf32, #tpu.memory_space<vmem>> -> memref<1x16x128xf32, #tpu.memory_space<vmem>>
        %dma_start3A_386 = tpu.memref_squeeze %dma_start3A_385 : memref<1x16x128xf32, #tpu.memory_space<vmem>> -> memref<16x128xf32, #tpu.memory_space<vmem>>
        %dma_start3A_387 = arith.constant 0 : i32
        %dma_start3A_388 = tpu.memref_slice %arg4[%dma_start3A_387, %mul3A_375] : memref<16x1000000xf32, #tpu.memory_space<hbm>> -> memref<16x128xf32, #tpu.memory_space<hbm>>
        tpu.enqueue_dma source(%dma_start3A_388 : memref<16x128xf32, #tpu.memory_space<hbm>>) target(%dma_start3A_386 : memref<16x128xf32, #tpu.memory_space<vmem>>) target_semaphore(%arg15 : memref<!tpu.dma_semaphore, #tpu.memory_space<semaphore_mem>>)
      } else {
      }
      %add3A_113 = arith.constant 12 : i32
      %add3A_114 = arith.addi %add3A_43, %add3A_113 : i32
      %lt3A_115 = arith.cmpi slt, %add3A_114, %min3A_5 : i32
      %convert_element_type3A_116 = arith.extui %lt3A_115 : i1 to i32
      %cond3A_117 = arith.constant 0 : i32
      %cond3A_118 = arith.cmpi ne, %convert_element_type3A_116, %cond3A_117 : i32
      scf.if %cond3A_118 {
        %add3A_372 = arith.constant 12 : i32
        %add3A_373 = arith.addi %add3A_43, %add3A_372 : i32
        %mul3A_374 = arith.constant 128 : i32
        %mul3A_375 = arith.muli %add3A_373, %mul3A_374 : i32
        %dma_start3A_376 = arith.constant 12 : i32
        %dma_start3A_377 = arith.constant 0 : i32
        %dma_start3A_378 = arith.constant 0 : i32
        %dma_start3A_379 = tpu.memref_slice %arg10[%dma_start3A_376, %dma_start3A_377, %dma_start3A_378] : memref<16x16x128xf32, #tpu.memory_space<vmem>> -> memref<1x16x128xf32, #tpu.memory_space<vmem>>
        %dma_start3A_380 = tpu.memref_squeeze %dma_start3A_379 : memref<1x16x128xf32, #tpu.memory_space<vmem>> -> memref<16x128xf32, #tpu.memory_space<vmem>>
        %dma_start3A_381 = arith.constant 0 : i32
        %dma_start3A_382 = tpu.memref_slice %arg4[%dma_start3A_381, %mul3A_375] : memref<16x1000000xf32, #tpu.memory_space<hbm>> -> memref<16x128xf32, #tpu.memory_space<hbm>>
        %dma_start3A_383 = arith.constant 0 : i32
        %dma_start3A_384 = arith.constant 0 : i32
        %dma_start3A_385 = tpu.memref_slice %arg10[%dma_start3A_376, %dma_start3A_383, %dma_start3A_384] : memref<16x16x128xf32, #tpu.memory_space<vmem>> -> memref<1x16x128xf32, #tpu.memory_space<vmem>>
        %dma_start3A_386 = tpu.memref_squeeze %dma_start3A_385 : memref<1x16x128xf32, #tpu.memory_space<vmem>> -> memref<16x128xf32, #tpu.memory_space<vmem>>
        %dma_start3A_387 = arith.constant 0 : i32
        %dma_start3A_388 = tpu.memref_slice %arg4[%dma_start3A_387, %mul3A_375] : memref<16x1000000xf32, #tpu.memory_space<hbm>> -> memref<16x128xf32, #tpu.memory_space<hbm>>
        tpu.enqueue_dma source(%dma_start3A_388 : memref<16x128xf32, #tpu.memory_space<hbm>>) target(%dma_start3A_386 : memref<16x128xf32, #tpu.memory_space<vmem>>) target_semaphore(%arg15 : memref<!tpu.dma_semaphore, #tpu.memory_space<semaphore_mem>>)
      } else {
      }
      %add3A_119 = arith.constant 13 : i32
      %add3A_120 = arith.addi %add3A_43, %add3A_119 : i32
      %lt3A_121 = arith.cmpi slt, %add3A_120, %min3A_5 : i32
      %convert_element_type3A_122 = arith.extui %lt3A_121 : i1 to i32
      %cond3A_123 = arith.constant 0 : i32
      %cond3A_124 = arith.cmpi ne, %convert_element_type3A_122, %cond3A_123 : i32
      scf.if %cond3A_124 {
        %add3A_372 = arith.constant 13 : i32
        %add3A_373 = arith.addi %add3A_43, %add3A_372 : i32
        %mul3A_374 = arith.constant 128 : i32
        %mul3A_375 = arith.muli %add3A_373, %mul3A_374 : i32
        %dma_start3A_376 = arith.constant 13 : i32
        %dma_start3A_377 = arith.constant 0 : i32
        %dma_start3A_378 = arith.constant 0 : i32
        %dma_start3A_379 = tpu.memref_slice %arg10[%dma_start3A_376, %dma_start3A_377, %dma_start3A_378] : memref<16x16x128xf32, #tpu.memory_space<vmem>> -> memref<1x16x128xf32, #tpu.memory_space<vmem>>
        %dma_start3A_380 = tpu.memref_squeeze %dma_start3A_379 : memref<1x16x128xf32, #tpu.memory_space<vmem>> -> memref<16x128xf32, #tpu.memory_space<vmem>>
        %dma_start3A_381 = arith.constant 0 : i32
        %dma_start3A_382 = tpu.memref_slice %arg4[%dma_start3A_381, %mul3A_375] : memref<16x1000000xf32, #tpu.memory_space<hbm>> -> memref<16x128xf32, #tpu.memory_space<hbm>>
        %dma_start3A_383 = arith.constant 0 : i32
        %dma_start3A_384 = arith.constant 0 : i32
        %dma_start3A_385 = tpu.memref_slice %arg10[%dma_start3A_376, %dma_start3A_383, %dma_start3A_384] : memref<16x16x128xf32, #tpu.memory_space<vmem>> -> memref<1x16x128xf32, #tpu.memory_space<vmem>>
        %dma_start3A_386 = tpu.memref_squeeze %dma_start3A_385 : memref<1x16x128xf32, #tpu.memory_space<vmem>> -> memref<16x128xf32, #tpu.memory_space<vmem>>
        %dma_start3A_387 = arith.constant 0 : i32
        %dma_start3A_388 = tpu.memref_slice %arg4[%dma_start3A_387, %mul3A_375] : memref<16x1000000xf32, #tpu.memory_space<hbm>> -> memref<16x128xf32, #tpu.memory_space<hbm>>
        tpu.enqueue_dma source(%dma_start3A_388 : memref<16x128xf32, #tpu.memory_space<hbm>>) target(%dma_start3A_386 : memref<16x128xf32, #tpu.memory_space<vmem>>) target_semaphore(%arg15 : memref<!tpu.dma_semaphore, #tpu.memory_space<semaphore_mem>>)
      } else {
      }
      %add3A_125 = arith.constant 14 : i32
      %add3A_126 = arith.addi %add3A_43, %add3A_125 : i32
      %lt3A_127 = arith.cmpi slt, %add3A_126, %min3A_5 : i32
      %convert_element_type3A_128 = arith.extui %lt3A_127 : i1 to i32
      %cond3A_129 = arith.constant 0 : i32
      %cond3A_130 = arith.cmpi ne, %convert_element_type3A_128, %cond3A_129 : i32
      scf.if %cond3A_130 {
        %add3A_372 = arith.constant 14 : i32
        %add3A_373 = arith.addi %add3A_43, %add3A_372 : i32
        %mul3A_374 = arith.constant 128 : i32
        %mul3A_375 = arith.muli %add3A_373, %mul3A_374 : i32
        %dma_start3A_376 = arith.constant 14 : i32
        %dma_start3A_377 = arith.constant 0 : i32
        %dma_start3A_378 = arith.constant 0 : i32
        %dma_start3A_379 = tpu.memref_slice %arg10[%dma_start3A_376, %dma_start3A_377, %dma_start3A_378] : memref<16x16x128xf32, #tpu.memory_space<vmem>> -> memref<1x16x128xf32, #tpu.memory_space<vmem>>
        %dma_start3A_380 = tpu.memref_squeeze %dma_start3A_379 : memref<1x16x128xf32, #tpu.memory_space<vmem>> -> memref<16x128xf32, #tpu.memory_space<vmem>>
        %dma_start3A_381 = arith.constant 0 : i32
        %dma_start3A_382 = tpu.memref_slice %arg4[%dma_start3A_381, %mul3A_375] : memref<16x1000000xf32, #tpu.memory_space<hbm>> -> memref<16x128xf32, #tpu.memory_space<hbm>>
        %dma_start3A_383 = arith.constant 0 : i32
        %dma_start3A_384 = arith.constant 0 : i32
        %dma_start3A_385 = tpu.memref_slice %arg10[%dma_start3A_376, %dma_start3A_383, %dma_start3A_384] : memref<16x16x128xf32, #tpu.memory_space<vmem>> -> memref<1x16x128xf32, #tpu.memory_space<vmem>>
        %dma_start3A_386 = tpu.memref_squeeze %dma_start3A_385 : memref<1x16x128xf32, #tpu.memory_space<vmem>> -> memref<16x128xf32, #tpu.memory_space<vmem>>
        %dma_start3A_387 = arith.constant 0 : i32
        %dma_start3A_388 = tpu.memref_slice %arg4[%dma_start3A_387, %mul3A_375] : memref<16x1000000xf32, #tpu.memory_space<hbm>> -> memref<16x128xf32, #tpu.memory_space<hbm>>
        tpu.enqueue_dma source(%dma_start3A_388 : memref<16x128xf32, #tpu.memory_space<hbm>>) target(%dma_start3A_386 : memref<16x128xf32, #tpu.memory_space<vmem>>) target_semaphore(%arg15 : memref<!tpu.dma_semaphore, #tpu.memory_space<semaphore_mem>>)
      } else {
      }
      %add3A_131 = arith.constant 15 : i32
      %add3A_132 = arith.addi %add3A_43, %add3A_131 : i32
      %lt3A_133 = arith.cmpi slt, %add3A_132, %min3A_5 : i32
      %convert_element_type3A_134 = arith.extui %lt3A_133 : i1 to i32
      %cond3A_135 = arith.constant 0 : i32
      %cond3A_136 = arith.cmpi ne, %convert_element_type3A_134, %cond3A_135 : i32
      scf.if %cond3A_136 {
        %add3A_372 = arith.constant 15 : i32
        %add3A_373 = arith.addi %add3A_43, %add3A_372 : i32
        %mul3A_374 = arith.constant 128 : i32
        %mul3A_375 = arith.muli %add3A_373, %mul3A_374 : i32
        %dma_start3A_376 = arith.constant 15 : i32
        %dma_start3A_377 = arith.constant 0 : i32
        %dma_start3A_378 = arith.constant 0 : i32
        %dma_start3A_379 = tpu.memref_slice %arg10[%dma_start3A_376, %dma_start3A_377, %dma_start3A_378] : memref<16x16x128xf32, #tpu.memory_space<vmem>> -> memref<1x16x128xf32, #tpu.memory_space<vmem>>
        %dma_start3A_380 = tpu.memref_squeeze %dma_start3A_379 : memref<1x16x128xf32, #tpu.memory_space<vmem>> -> memref<16x128xf32, #tpu.memory_space<vmem>>
        %dma_start3A_381 = arith.constant 0 : i32
        %dma_start3A_382 = tpu.memref_slice %arg4[%dma_start3A_381, %mul3A_375] : memref<16x1000000xf32, #tpu.memory_space<hbm>> -> memref<16x128xf32, #tpu.memory_space<hbm>>
        %dma_start3A_383 = arith.constant 0 : i32
        %dma_start3A_384 = arith.constant 0 : i32
        %dma_start3A_385 = tpu.memref_slice %arg10[%dma_start3A_376, %dma_start3A_383, %dma_start3A_384] : memref<16x16x128xf32, #tpu.memory_space<vmem>> -> memref<1x16x128xf32, #tpu.memory_space<vmem>>
        %dma_start3A_386 = tpu.memref_squeeze %dma_start3A_385 : memref<1x16x128xf32, #tpu.memory_space<vmem>> -> memref<16x128xf32, #tpu.memory_space<vmem>>
        %dma_start3A_387 = arith.constant 0 : i32
        %dma_start3A_388 = tpu.memref_slice %arg4[%dma_start3A_387, %mul3A_375] : memref<16x1000000xf32, #tpu.memory_space<hbm>> -> memref<16x128xf32, #tpu.memory_space<hbm>>
        tpu.enqueue_dma source(%dma_start3A_388 : memref<16x128xf32, #tpu.memory_space<hbm>>) target(%dma_start3A_386 : memref<16x128xf32, #tpu.memory_space<vmem>>) target_semaphore(%arg15 : memref<!tpu.dma_semaphore, #tpu.memory_space<semaphore_mem>>)
      } else {
      }
      %add3A_137 = arith.constant 15 : i32
      %add3A_138 = arith.addi %scan3A_14, %add3A_137 : i32
      %jit3A = arith.constant 16 : i32
      %div3A = arith.divsi %add3A_138, %jit3A : i32
      %sign3A = arith.constant 0 : i32
      %sign3A_139 = arith.cmpi sgt, %add3A_138, %sign3A : i32
      %sign3A_140 = arith.extui %sign3A_139 : i1 to i32
      %sign3A_141 = arith.constant 0 : i32
      %sign3A_142 = arith.cmpi slt, %add3A_138, %sign3A_141 : i32
      %sign3A_143 = arith.extui %sign3A_142 : i1 to i32
      %sign3A_144 = arith.subi %sign3A_140, %sign3A_143 : i32
      %sign3A_145 = arith.constant 0 : i32
      %sign3A_146 = arith.cmpi sgt, %jit3A, %sign3A_145 : i32
      %sign3A_147 = arith.extui %sign3A_146 : i1 to i32
      %sign3A_148 = arith.constant 0 : i32
      %sign3A_149 = arith.cmpi slt, %jit3A, %sign3A_148 : i32
      %sign3A_150 = arith.extui %sign3A_149 : i1 to i32
      %sign3A_151 = arith.subi %sign3A_147, %sign3A_150 : i32
      %ne3A = arith.cmpi ne, %sign3A_144, %sign3A_151 : i32
      %rem3A = arith.remsi %add3A_138, %jit3A : i32
      %ne3A_152 = arith.constant 0 : i32
      %ne3A_153 = arith.cmpi ne, %rem3A, %ne3A_152 : i32
      %and3A = arith.andi %ne3A, %ne3A_153 : i1
      %sub3A = arith.constant 1 : i32
      %sub3A_154 = arith.subi %div3A, %sub3A : i32
      %select_n3A = arith.select %and3A, %sub3A_154, %div3A : i32
      %while3A = arith.constant 0 : i32
      %while3A_155 = arith.constant 0 : i32
      %while3A_156 = arith.subi %select_n3A, %while3A : i32
      %while3A_157 = arith.addi %while3A, %while3A_156 : i32
      %while3A_158 = arith.constant 1 : i32
      %while3A_159 = arith.divsi %while3A_156, %while3A_158 : i32
      %while3A_160 = arith.muli %while3A_159, %while3A_158 : i32
      %while3A_161 = arith.addi %while3A, %while3A_160 : i32
      %while3A_162 = arith.constant 1 : i32
      %while3A_163 = scf.for %while3A_372 = %while3A to %while3A_161 step %while3A_162 iter_args(%while3A_373 = %while3A_155) -> (i32)  : i32 {
        %mul3A_374 = arith.constant 16 : i32
        %mul3A_375 = arith.muli %while3A_372, %mul3A_374 : i32
        %add3A_376 = vector.broadcast %mul3A_375 : i32 to vector<16xi32>
        %add3A_377 = arith.addi %add3A_376, %iota3A : vector<16xi32>
        %mul3A_378 = arith.constant 16 : i32
        %mul3A_379 = arith.muli %while3A_372, %mul3A_378 : i32
        %get3A = arith.index_cast %mul3A_379 : i32 to index
        %get3A_380 = tpu.vector_load %arg8[%get3A] {strides = array<i32>} : memref<1040xi32, #tpu.memory_space<vmem>>, vector<16xi32>,
        %shift_right_arithmetic3A = arith.constant 21 : i32
        %shift_right_arithmetic3A_381 = vector.broadcast %shift_right_arithmetic3A : i32 to vector<16xi32>
        %shift_right_arithmetic3A_382 = arith.shrsi %get3A_380, %shift_right_arithmetic3A_381 : vector<16xi32>
        %sub3A_383 = arith.subi %add3A_43, %mul3A_2 : i32
        %lt3A_384 = vector.broadcast %scan3A_14 : i32 to vector<16xi32>
        %lt3A_385 = arith.cmpi slt, %add3A_377, %lt3A_384 : vector<16xi32>
        %ge3A = vector.broadcast %sub3A_383 : i32 to vector<16xi32>
        %ge3A_386 = arith.cmpi sge, %shift_right_arithmetic3A_382, %ge3A : vector<16xi32>
        %and3A_387 = arith.andi %lt3A_385, %ge3A_386 : vector<16xi1>
        %add3A_388 = arith.constant 16 : i32
        %add3A_389 = arith.addi %sub3A_383, %add3A_388 : i32
        %lt3A_390 = vector.broadcast %add3A_389 : i32 to vector<16xi32>
        %lt3A_391 = arith.cmpi slt, %shift_right_arithmetic3A_382, %lt3A_390 : vector<16xi32>
        %and3A_392 = arith.andi %and3A_387, %lt3A_391 : vector<16xi1>
        %min3A_393 = arith.constant 112 : i32
        %min3A_394 = arith.minsi %while3A_373, %min3A_393 : i32
        %swap3A = arith.index_cast %min3A_394 : i32 to index
        %swap3A_395 = tpu.vector_load %arg12[%swap3A] masked %and3A_392 {strides = array<i32>} : memref<128xi32, #tpu.memory_space<vmem>>, vector<16xi32>, vector<16xi1>
        tpu.vector_store %arg12[%swap3A], %get3A_380 masked %and3A_392 {strides = array<i32>} : memref<128xi32, #tpu.memory_space<vmem>>, vector<16xi32>, vector<16xi1>
        %all_reduce_population_count3A = tpu.all_reduce %and3A_392 {dim = 0 : i64, kind = #tpu.reduction_kind<sum>} : vector<16xi1> -> vector<16xi32>
        %slice3A = vector.extract_strided_slice %all_reduce_population_count3A {offsets = [0], sizes = [1], strides = [1]} : vector<16xi32> to vector<1xi32>
        %squeeze3A = vector.extract %slice3A[0] : i32 from vector<1xi32>
        %add3A_396 = arith.addi %while3A_373, %squeeze3A : i32
        scf.yield %add3A_396 : i32
      }
      %while3A_164 = arith.constant 1 : i32
      %while3A_165 = scf.for %while3A_372 = %while3A_161 to %while3A_157 step %while3A_164 iter_args(%while3A_373 = %while3A_163) -> (i32)  : i32 {
        %mul3A_374 = arith.constant 16 : i32
        %mul3A_375 = arith.muli %while3A_372, %mul3A_374 : i32
        %add3A_376 = vector.broadcast %mul3A_375 : i32 to vector<16xi32>
        %add3A_377 = arith.addi %add3A_376, %iota3A : vector<16xi32>
        %mul3A_378 = arith.constant 16 : i32
        %mul3A_379 = arith.muli %while3A_372, %mul3A_378 : i32
        %get3A = arith.index_cast %mul3A_379 : i32 to index
        %get3A_380 = tpu.vector_load %arg8[%get3A] {strides = array<i32>} : memref<1040xi32, #tpu.memory_space<vmem>>, vector<16xi32>,
        %shift_right_arithmetic3A = arith.constant 21 : i32
        %shift_right_arithmetic3A_381 = vector.broadcast %shift_right_arithmetic3A : i32 to vector<16xi32>
        %shift_right_arithmetic3A_382 = arith.shrsi %get3A_380, %shift_right_arithmetic3A_381 : vector<16xi32>
        %sub3A_383 = arith.subi %add3A_43, %mul3A_2 : i32
        %lt3A_384 = vector.broadcast %scan3A_14 : i32 to vector<16xi32>
        %lt3A_385 = arith.cmpi slt, %add3A_377, %lt3A_384 : vector<16xi32>
        %ge3A = vector.broadcast %sub3A_383 : i32 to vector<16xi32>
        %ge3A_386 = arith.cmpi sge, %shift_right_arithmetic3A_382, %ge3A : vector<16xi32>
        %and3A_387 = arith.andi %lt3A_385, %ge3A_386 : vector<16xi1>
        %add3A_388 = arith.constant 16 : i32
        %add3A_389 = arith.addi %sub3A_383, %add3A_388 : i32
        %lt3A_390 = vector.broadcast %add3A_389 : i32 to vector<16xi32>
        %lt3A_391 = arith.cmpi slt, %shift_right_arithmetic3A_382, %lt3A_390 : vector<16xi32>
        %and3A_392 = arith.andi %and3A_387, %lt3A_391 : vector<16xi1>
        %min3A_393 = arith.constant 112 : i32
        %min3A_394 = arith.minsi %while3A_373, %min3A_393 : i32
        %swap3A = arith.index_cast %min3A_394 : i32 to index
        %swap3A_395 = tpu.vector_load %arg12[%swap3A] masked %and3A_392 {strides = array<i32>} : memref<128xi32, #tpu.memory_space<vmem>>, vector<16xi32>, vector<16xi1>
        tpu.vector_store %arg12[%swap3A], %get3A_380 masked %and3A_392 {strides = array<i32>} : memref<128xi32, #tpu.memory_space<vmem>>, vector<16xi32>, vector<16xi1>
        %all_reduce_population_count3A = tpu.all_reduce %and3A_392 {dim = 0 : i64, kind = #tpu.reduction_kind<sum>} : vector<16xi1> -> vector<16xi32>
        %slice3A = vector.extract_strided_slice %all_reduce_population_count3A {offsets = [0], sizes = [1], strides = [1]} : vector<16xi32> to vector<1xi32>
        %squeeze3A = vector.extract %slice3A[0] : i32 from vector<1xi32>
        %add3A_396 = arith.addi %while3A_373, %squeeze3A : i32
        scf.yield %add3A_396 : i32
      }
      %scan3A_166 = arith.constant 0 : i32
      %scan3A_167 = arith.constant 0 : i32
      %scan3A_168 = arith.constant 8 : i32
      %scan3A_169 = arith.addi %scan3A_167, %scan3A_168 : i32
      %scan3A_170 = arith.constant 1 : i32
      %scan3A_171 = scf.for %scan3A_372 = %scan3A_167 to %scan3A_169 step %scan3A_170 iter_args(%scan3A_373 = %scan3A_166) -> (i32)  : i32 {
        %mul3A_374 = arith.constant 16 : i32
        %mul3A_375 = arith.muli %scan3A_372, %mul3A_374 : i32
        %mul3A_376 = arith.constant 16 : i32
        %mul3A_377 = arith.muli %scan3A_372, %mul3A_376 : i32
        %add3A_378 = vector.broadcast %mul3A_377 : i32 to vector<16xi32>
        %add3A_379 = arith.addi %add3A_378, %iota3A : vector<16xi32>
        %ge3A = vector.broadcast %while3A_165 : i32 to vector<16xi32>
        %ge3A_380 = arith.cmpi sge, %add3A_379, %ge3A : vector<16xi32>
        %get3A = arith.index_cast %mul3A_375 : i32 to index
        %get3A_381 = tpu.vector_load %arg12[%get3A] {strides = array<i32>} : memref<128xi32, #tpu.memory_space<vmem>>, vector<16xi32>,
        %jit3A_382 = arith.constant 0 : i32
        %broadcast_in_dim3A = vector.broadcast %jit3A_382 : i32 to vector<16xi32>
        %select_n3A_383 = arith.select %ge3A_380, %broadcast_in_dim3A, %get3A_381 : vector<16xi1>, vector<16xi32>
        %swap3A = arith.index_cast %mul3A_375 : i32 to index
        %swap3A_384 = tpu.vector_load %arg12[%swap3A] {strides = array<i32>} : memref<128xi32, #tpu.memory_space<vmem>>, vector<16xi32>,
        tpu.vector_store %arg12[%swap3A], %select_n3A_383 {strides = array<i32>} : memref<128xi32, #tpu.memory_space<vmem>>, vector<16xi32>,
        %mul3A_385 = arith.constant 128 : i32
        %mul3A_386 = arith.muli %add3A, %mul3A_385 : i32
        %add3A_387 = arith.constant 16384 : i32
        %add3A_388 = arith.addi %add3A_387, %mul3A_386 : i32
        %add3A_389 = vector.broadcast %add3A_388 : i32 to vector<16xi32>
        %add3A_390 = arith.addi %add3A_389, %add3A_379 : vector<16xi32>
        %and3A_391 = arith.constant 16383 : i32
        %and3A_392 = vector.broadcast %and3A_391 : i32 to vector<16xi32>
        %and3A_393 = arith.andi %select_n3A_383, %and3A_392 : vector<16xi32>
        %select_n3A_394 = arith.select %ge3A_380, %add3A_390, %and3A_393 : vector<16xi1>, vector<16xi32>
        %swap3A_395 = arith.index_cast %mul3A_375 : i32 to index
        %swap3A_396 = tpu.vector_load %arg13[%swap3A_395] {strides = array<i32>} : memref<128xi32, #tpu.memory_space<vmem>>, vector<16xi32>,
        tpu.vector_store %arg13[%swap3A_395], %select_n3A_394 {strides = array<i32>} : memref<128xi32, #tpu.memory_space<vmem>>, vector<16xi32>,
        %scan3A_397 = arith.constant 0 : i32
        scf.yield %scan3A_397 : i32
      }
      %scan3A_172 = arith.constant 8 : i32
      %add3A_173 = arith.constant 0 : i32
      %add3A_174 = arith.addi %add3A_43, %add3A_173 : i32
      %lt3A_175 = arith.cmpi slt, %add3A_174, %min3A_5 : i32
      %convert_element_type3A_176 = arith.extui %lt3A_175 : i1 to i32
      %cond3A_177 = arith.constant 0 : i32
      %cond3A_178 = arith.cmpi ne, %convert_element_type3A_176, %cond3A_177 : i32
      scf.if %cond3A_178 {
        %add3A_372 = arith.constant 0 : i32
        %add3A_373 = arith.addi %add3A_43, %add3A_372 : i32
        %mul3A_374 = arith.constant 128 : i32
        %mul3A_375 = arith.muli %add3A_373, %mul3A_374 : i32
        %dma_wait3A = arith.constant 0 : i32
        %dma_wait3A_376 = arith.constant 0 : i32
        %dma_wait3A_377 = arith.constant 0 : i32
        %dma_wait3A_378 = tpu.memref_slice %arg10[%dma_wait3A, %dma_wait3A_376, %dma_wait3A_377] : memref<16x16x128xf32, #tpu.memory_space<vmem>> -> memref<1x16x128xf32, #tpu.memory_space<vmem>>
        %dma_wait3A_379 = tpu.memref_squeeze %dma_wait3A_378 : memref<1x16x128xf32, #tpu.memory_space<vmem>> -> memref<16x128xf32, #tpu.memory_space<vmem>>
        %dma_wait3A_380 = arith.constant 0 : i32
        %dma_wait3A_381 = tpu.memref_slice %arg4[%dma_wait3A_380, %mul3A_375] : memref<16x1000000xf32, #tpu.memory_space<hbm>> -> memref<16x128xf32, #tpu.memory_space<hbm>>
        %dma_wait3A_382 = arith.constant 0 : i32
        %dma_wait3A_383 = arith.constant 0 : i32
        %dma_wait3A_384 = tpu.memref_slice %arg10[%dma_wait3A, %dma_wait3A_382, %dma_wait3A_383] : memref<16x16x128xf32, #tpu.memory_space<vmem>> -> memref<1x16x128xf32, #tpu.memory_space<vmem>>
        %dma_wait3A_385 = tpu.memref_squeeze %dma_wait3A_384 : memref<1x16x128xf32, #tpu.memory_space<vmem>> -> memref<16x128xf32, #tpu.memory_space<vmem>>
        %dma_wait3A_386 = arith.constant 0 : i32
        %dma_wait3A_387 = tpu.memref_slice %arg4[%dma_wait3A_386, %mul3A_375] : memref<16x1000000xf32, #tpu.memory_space<hbm>> -> memref<16x128xf32, #tpu.memory_space<hbm>>
        tpu.wait_dma2 semaphore(%arg15 : memref<!tpu.dma_semaphore, #tpu.memory_space<semaphore_mem>>) src(%dma_wait3A_387 : memref<16x128xf32, #tpu.memory_space<hbm>>) dst(%dma_wait3A_385 : memref<16x128xf32, #tpu.memory_space<vmem>>)
      } else {
      }
      %add3A_179 = arith.constant 1 : i32
      %add3A_180 = arith.addi %add3A_43, %add3A_179 : i32
      %lt3A_181 = arith.cmpi slt, %add3A_180, %min3A_5 : i32
      %convert_element_type3A_182 = arith.extui %lt3A_181 : i1 to i32
      %cond3A_183 = arith.constant 0 : i32
      %cond3A_184 = arith.cmpi ne, %convert_element_type3A_182, %cond3A_183 : i32
      scf.if %cond3A_184 {
        %add3A_372 = arith.constant 1 : i32
        %add3A_373 = arith.addi %add3A_43, %add3A_372 : i32
        %mul3A_374 = arith.constant 128 : i32
        %mul3A_375 = arith.muli %add3A_373, %mul3A_374 : i32
        %dma_wait3A = arith.constant 1 : i32
        %dma_wait3A_376 = arith.constant 0 : i32
        %dma_wait3A_377 = arith.constant 0 : i32
        %dma_wait3A_378 = tpu.memref_slice %arg10[%dma_wait3A, %dma_wait3A_376, %dma_wait3A_377] : memref<16x16x128xf32, #tpu.memory_space<vmem>> -> memref<1x16x128xf32, #tpu.memory_space<vmem>>
        %dma_wait3A_379 = tpu.memref_squeeze %dma_wait3A_378 : memref<1x16x128xf32, #tpu.memory_space<vmem>> -> memref<16x128xf32, #tpu.memory_space<vmem>>
        %dma_wait3A_380 = arith.constant 0 : i32
        %dma_wait3A_381 = tpu.memref_slice %arg4[%dma_wait3A_380, %mul3A_375] : memref<16x1000000xf32, #tpu.memory_space<hbm>> -> memref<16x128xf32, #tpu.memory_space<hbm>>
        %dma_wait3A_382 = arith.constant 0 : i32
        %dma_wait3A_383 = arith.constant 0 : i32
        %dma_wait3A_384 = tpu.memref_slice %arg10[%dma_wait3A, %dma_wait3A_382, %dma_wait3A_383] : memref<16x16x128xf32, #tpu.memory_space<vmem>> -> memref<1x16x128xf32, #tpu.memory_space<vmem>>
        %dma_wait3A_385 = tpu.memref_squeeze %dma_wait3A_384 : memref<1x16x128xf32, #tpu.memory_space<vmem>> -> memref<16x128xf32, #tpu.memory_space<vmem>>
        %dma_wait3A_386 = arith.constant 0 : i32
        %dma_wait3A_387 = tpu.memref_slice %arg4[%dma_wait3A_386, %mul3A_375] : memref<16x1000000xf32, #tpu.memory_space<hbm>> -> memref<16x128xf32, #tpu.memory_space<hbm>>
        tpu.wait_dma2 semaphore(%arg15 : memref<!tpu.dma_semaphore, #tpu.memory_space<semaphore_mem>>) src(%dma_wait3A_387 : memref<16x128xf32, #tpu.memory_space<hbm>>) dst(%dma_wait3A_385 : memref<16x128xf32, #tpu.memory_space<vmem>>)
      } else {
      }
      %add3A_185 = arith.constant 2 : i32
      %add3A_186 = arith.addi %add3A_43, %add3A_185 : i32
      %lt3A_187 = arith.cmpi slt, %add3A_186, %min3A_5 : i32
      %convert_element_type3A_188 = arith.extui %lt3A_187 : i1 to i32
      %cond3A_189 = arith.constant 0 : i32
      %cond3A_190 = arith.cmpi ne, %convert_element_type3A_188, %cond3A_189 : i32
      scf.if %cond3A_190 {
        %add3A_372 = arith.constant 2 : i32
        %add3A_373 = arith.addi %add3A_43, %add3A_372 : i32
        %mul3A_374 = arith.constant 128 : i32
        %mul3A_375 = arith.muli %add3A_373, %mul3A_374 : i32
        %dma_wait3A = arith.constant 2 : i32
        %dma_wait3A_376 = arith.constant 0 : i32
        %dma_wait3A_377 = arith.constant 0 : i32
        %dma_wait3A_378 = tpu.memref_slice %arg10[%dma_wait3A, %dma_wait3A_376, %dma_wait3A_377] : memref<16x16x128xf32, #tpu.memory_space<vmem>> -> memref<1x16x128xf32, #tpu.memory_space<vmem>>
        %dma_wait3A_379 = tpu.memref_squeeze %dma_wait3A_378 : memref<1x16x128xf32, #tpu.memory_space<vmem>> -> memref<16x128xf32, #tpu.memory_space<vmem>>
        %dma_wait3A_380 = arith.constant 0 : i32
        %dma_wait3A_381 = tpu.memref_slice %arg4[%dma_wait3A_380, %mul3A_375] : memref<16x1000000xf32, #tpu.memory_space<hbm>> -> memref<16x128xf32, #tpu.memory_space<hbm>>
        %dma_wait3A_382 = arith.constant 0 : i32
        %dma_wait3A_383 = arith.constant 0 : i32
        %dma_wait3A_384 = tpu.memref_slice %arg10[%dma_wait3A, %dma_wait3A_382, %dma_wait3A_383] : memref<16x16x128xf32, #tpu.memory_space<vmem>> -> memref<1x16x128xf32, #tpu.memory_space<vmem>>
        %dma_wait3A_385 = tpu.memref_squeeze %dma_wait3A_384 : memref<1x16x128xf32, #tpu.memory_space<vmem>> -> memref<16x128xf32, #tpu.memory_space<vmem>>
        %dma_wait3A_386 = arith.constant 0 : i32
        %dma_wait3A_387 = tpu.memref_slice %arg4[%dma_wait3A_386, %mul3A_375] : memref<16x1000000xf32, #tpu.memory_space<hbm>> -> memref<16x128xf32, #tpu.memory_space<hbm>>
        tpu.wait_dma2 semaphore(%arg15 : memref<!tpu.dma_semaphore, #tpu.memory_space<semaphore_mem>>) src(%dma_wait3A_387 : memref<16x128xf32, #tpu.memory_space<hbm>>) dst(%dma_wait3A_385 : memref<16x128xf32, #tpu.memory_space<vmem>>)
      } else {
      }
      %add3A_191 = arith.constant 3 : i32
      %add3A_192 = arith.addi %add3A_43, %add3A_191 : i32
      %lt3A_193 = arith.cmpi slt, %add3A_192, %min3A_5 : i32
      %convert_element_type3A_194 = arith.extui %lt3A_193 : i1 to i32
      %cond3A_195 = arith.constant 0 : i32
      %cond3A_196 = arith.cmpi ne, %convert_element_type3A_194, %cond3A_195 : i32
      scf.if %cond3A_196 {
        %add3A_372 = arith.constant 3 : i32
        %add3A_373 = arith.addi %add3A_43, %add3A_372 : i32
        %mul3A_374 = arith.constant 128 : i32
        %mul3A_375 = arith.muli %add3A_373, %mul3A_374 : i32
        %dma_wait3A = arith.constant 3 : i32
        %dma_wait3A_376 = arith.constant 0 : i32
        %dma_wait3A_377 = arith.constant 0 : i32
        %dma_wait3A_378 = tpu.memref_slice %arg10[%dma_wait3A, %dma_wait3A_376, %dma_wait3A_377] : memref<16x16x128xf32, #tpu.memory_space<vmem>> -> memref<1x16x128xf32, #tpu.memory_space<vmem>>
        %dma_wait3A_379 = tpu.memref_squeeze %dma_wait3A_378 : memref<1x16x128xf32, #tpu.memory_space<vmem>> -> memref<16x128xf32, #tpu.memory_space<vmem>>
        %dma_wait3A_380 = arith.constant 0 : i32
        %dma_wait3A_381 = tpu.memref_slice %arg4[%dma_wait3A_380, %mul3A_375] : memref<16x1000000xf32, #tpu.memory_space<hbm>> -> memref<16x128xf32, #tpu.memory_space<hbm>>
        %dma_wait3A_382 = arith.constant 0 : i32
        %dma_wait3A_383 = arith.constant 0 : i32
        %dma_wait3A_384 = tpu.memref_slice %arg10[%dma_wait3A, %dma_wait3A_382, %dma_wait3A_383] : memref<16x16x128xf32, #tpu.memory_space<vmem>> -> memref<1x16x128xf32, #tpu.memory_space<vmem>>
        %dma_wait3A_385 = tpu.memref_squeeze %dma_wait3A_384 : memref<1x16x128xf32, #tpu.memory_space<vmem>> -> memref<16x128xf32, #tpu.memory_space<vmem>>
        %dma_wait3A_386 = arith.constant 0 : i32
        %dma_wait3A_387 = tpu.memref_slice %arg4[%dma_wait3A_386, %mul3A_375] : memref<16x1000000xf32, #tpu.memory_space<hbm>> -> memref<16x128xf32, #tpu.memory_space<hbm>>
        tpu.wait_dma2 semaphore(%arg15 : memref<!tpu.dma_semaphore, #tpu.memory_space<semaphore_mem>>) src(%dma_wait3A_387 : memref<16x128xf32, #tpu.memory_space<hbm>>) dst(%dma_wait3A_385 : memref<16x128xf32, #tpu.memory_space<vmem>>)
      } else {
      }
      %add3A_197 = arith.constant 4 : i32
      %add3A_198 = arith.addi %add3A_43, %add3A_197 : i32
      %lt3A_199 = arith.cmpi slt, %add3A_198, %min3A_5 : i32
      %convert_element_type3A_200 = arith.extui %lt3A_199 : i1 to i32
      %cond3A_201 = arith.constant 0 : i32
      %cond3A_202 = arith.cmpi ne, %convert_element_type3A_200, %cond3A_201 : i32
      scf.if %cond3A_202 {
        %add3A_372 = arith.constant 4 : i32
        %add3A_373 = arith.addi %add3A_43, %add3A_372 : i32
        %mul3A_374 = arith.constant 128 : i32
        %mul3A_375 = arith.muli %add3A_373, %mul3A_374 : i32
        %dma_wait3A = arith.constant 4 : i32
        %dma_wait3A_376 = arith.constant 0 : i32
        %dma_wait3A_377 = arith.constant 0 : i32
        %dma_wait3A_378 = tpu.memref_slice %arg10[%dma_wait3A, %dma_wait3A_376, %dma_wait3A_377] : memref<16x16x128xf32, #tpu.memory_space<vmem>> -> memref<1x16x128xf32, #tpu.memory_space<vmem>>
        %dma_wait3A_379 = tpu.memref_squeeze %dma_wait3A_378 : memref<1x16x128xf32, #tpu.memory_space<vmem>> -> memref<16x128xf32, #tpu.memory_space<vmem>>
        %dma_wait3A_380 = arith.constant 0 : i32
        %dma_wait3A_381 = tpu.memref_slice %arg4[%dma_wait3A_380, %mul3A_375] : memref<16x1000000xf32, #tpu.memory_space<hbm>> -> memref<16x128xf32, #tpu.memory_space<hbm>>
        %dma_wait3A_382 = arith.constant 0 : i32
        %dma_wait3A_383 = arith.constant 0 : i32
        %dma_wait3A_384 = tpu.memref_slice %arg10[%dma_wait3A, %dma_wait3A_382, %dma_wait3A_383] : memref<16x16x128xf32, #tpu.memory_space<vmem>> -> memref<1x16x128xf32, #tpu.memory_space<vmem>>
        %dma_wait3A_385 = tpu.memref_squeeze %dma_wait3A_384 : memref<1x16x128xf32, #tpu.memory_space<vmem>> -> memref<16x128xf32, #tpu.memory_space<vmem>>
        %dma_wait3A_386 = arith.constant 0 : i32
        %dma_wait3A_387 = tpu.memref_slice %arg4[%dma_wait3A_386, %mul3A_375] : memref<16x1000000xf32, #tpu.memory_space<hbm>> -> memref<16x128xf32, #tpu.memory_space<hbm>>
        tpu.wait_dma2 semaphore(%arg15 : memref<!tpu.dma_semaphore, #tpu.memory_space<semaphore_mem>>) src(%dma_wait3A_387 : memref<16x128xf32, #tpu.memory_space<hbm>>) dst(%dma_wait3A_385 : memref<16x128xf32, #tpu.memory_space<vmem>>)
      } else {
      }
      %add3A_203 = arith.constant 5 : i32
      %add3A_204 = arith.addi %add3A_43, %add3A_203 : i32
      %lt3A_205 = arith.cmpi slt, %add3A_204, %min3A_5 : i32
      %convert_element_type3A_206 = arith.extui %lt3A_205 : i1 to i32
      %cond3A_207 = arith.constant 0 : i32
      %cond3A_208 = arith.cmpi ne, %convert_element_type3A_206, %cond3A_207 : i32
      scf.if %cond3A_208 {
        %add3A_372 = arith.constant 5 : i32
        %add3A_373 = arith.addi %add3A_43, %add3A_372 : i32
        %mul3A_374 = arith.constant 128 : i32
        %mul3A_375 = arith.muli %add3A_373, %mul3A_374 : i32
        %dma_wait3A = arith.constant 5 : i32
        %dma_wait3A_376 = arith.constant 0 : i32
        %dma_wait3A_377 = arith.constant 0 : i32
        %dma_wait3A_378 = tpu.memref_slice %arg10[%dma_wait3A, %dma_wait3A_376, %dma_wait3A_377] : memref<16x16x128xf32, #tpu.memory_space<vmem>> -> memref<1x16x128xf32, #tpu.memory_space<vmem>>
        %dma_wait3A_379 = tpu.memref_squeeze %dma_wait3A_378 : memref<1x16x128xf32, #tpu.memory_space<vmem>> -> memref<16x128xf32, #tpu.memory_space<vmem>>
        %dma_wait3A_380 = arith.constant 0 : i32
        %dma_wait3A_381 = tpu.memref_slice %arg4[%dma_wait3A_380, %mul3A_375] : memref<16x1000000xf32, #tpu.memory_space<hbm>> -> memref<16x128xf32, #tpu.memory_space<hbm>>
        %dma_wait3A_382 = arith.constant 0 : i32
        %dma_wait3A_383 = arith.constant 0 : i32
        %dma_wait3A_384 = tpu.memref_slice %arg10[%dma_wait3A, %dma_wait3A_382, %dma_wait3A_383] : memref<16x16x128xf32, #tpu.memory_space<vmem>> -> memref<1x16x128xf32, #tpu.memory_space<vmem>>
        %dma_wait3A_385 = tpu.memref_squeeze %dma_wait3A_384 : memref<1x16x128xf32, #tpu.memory_space<vmem>> -> memref<16x128xf32, #tpu.memory_space<vmem>>
        %dma_wait3A_386 = arith.constant 0 : i32
        %dma_wait3A_387 = tpu.memref_slice %arg4[%dma_wait3A_386, %mul3A_375] : memref<16x1000000xf32, #tpu.memory_space<hbm>> -> memref<16x128xf32, #tpu.memory_space<hbm>>
        tpu.wait_dma2 semaphore(%arg15 : memref<!tpu.dma_semaphore, #tpu.memory_space<semaphore_mem>>) src(%dma_wait3A_387 : memref<16x128xf32, #tpu.memory_space<hbm>>) dst(%dma_wait3A_385 : memref<16x128xf32, #tpu.memory_space<vmem>>)
      } else {
      }
      %add3A_209 = arith.constant 6 : i32
      %add3A_210 = arith.addi %add3A_43, %add3A_209 : i32
      %lt3A_211 = arith.cmpi slt, %add3A_210, %min3A_5 : i32
      %convert_element_type3A_212 = arith.extui %lt3A_211 : i1 to i32
      %cond3A_213 = arith.constant 0 : i32
      %cond3A_214 = arith.cmpi ne, %convert_element_type3A_212, %cond3A_213 : i32
      scf.if %cond3A_214 {
        %add3A_372 = arith.constant 6 : i32
        %add3A_373 = arith.addi %add3A_43, %add3A_372 : i32
        %mul3A_374 = arith.constant 128 : i32
        %mul3A_375 = arith.muli %add3A_373, %mul3A_374 : i32
        %dma_wait3A = arith.constant 6 : i32
        %dma_wait3A_376 = arith.constant 0 : i32
        %dma_wait3A_377 = arith.constant 0 : i32
        %dma_wait3A_378 = tpu.memref_slice %arg10[%dma_wait3A, %dma_wait3A_376, %dma_wait3A_377] : memref<16x16x128xf32, #tpu.memory_space<vmem>> -> memref<1x16x128xf32, #tpu.memory_space<vmem>>
        %dma_wait3A_379 = tpu.memref_squeeze %dma_wait3A_378 : memref<1x16x128xf32, #tpu.memory_space<vmem>> -> memref<16x128xf32, #tpu.memory_space<vmem>>
        %dma_wait3A_380 = arith.constant 0 : i32
        %dma_wait3A_381 = tpu.memref_slice %arg4[%dma_wait3A_380, %mul3A_375] : memref<16x1000000xf32, #tpu.memory_space<hbm>> -> memref<16x128xf32, #tpu.memory_space<hbm>>
        %dma_wait3A_382 = arith.constant 0 : i32
        %dma_wait3A_383 = arith.constant 0 : i32
        %dma_wait3A_384 = tpu.memref_slice %arg10[%dma_wait3A, %dma_wait3A_382, %dma_wait3A_383] : memref<16x16x128xf32, #tpu.memory_space<vmem>> -> memref<1x16x128xf32, #tpu.memory_space<vmem>>
        %dma_wait3A_385 = tpu.memref_squeeze %dma_wait3A_384 : memref<1x16x128xf32, #tpu.memory_space<vmem>> -> memref<16x128xf32, #tpu.memory_space<vmem>>
        %dma_wait3A_386 = arith.constant 0 : i32
        %dma_wait3A_387 = tpu.memref_slice %arg4[%dma_wait3A_386, %mul3A_375] : memref<16x1000000xf32, #tpu.memory_space<hbm>> -> memref<16x128xf32, #tpu.memory_space<hbm>>
        tpu.wait_dma2 semaphore(%arg15 : memref<!tpu.dma_semaphore, #tpu.memory_space<semaphore_mem>>) src(%dma_wait3A_387 : memref<16x128xf32, #tpu.memory_space<hbm>>) dst(%dma_wait3A_385 : memref<16x128xf32, #tpu.memory_space<vmem>>)
      } else {
      }
      %add3A_215 = arith.constant 7 : i32
      %add3A_216 = arith.addi %add3A_43, %add3A_215 : i32
      %lt3A_217 = arith.cmpi slt, %add3A_216, %min3A_5 : i32
      %convert_element_type3A_218 = arith.extui %lt3A_217 : i1 to i32
      %cond3A_219 = arith.constant 0 : i32
      %cond3A_220 = arith.cmpi ne, %convert_element_type3A_218, %cond3A_219 : i32
      scf.if %cond3A_220 {
        %add3A_372 = arith.constant 7 : i32
        %add3A_373 = arith.addi %add3A_43, %add3A_372 : i32
        %mul3A_374 = arith.constant 128 : i32
        %mul3A_375 = arith.muli %add3A_373, %mul3A_374 : i32
        %dma_wait3A = arith.constant 7 : i32
        %dma_wait3A_376 = arith.constant 0 : i32
        %dma_wait3A_377 = arith.constant 0 : i32
        %dma_wait3A_378 = tpu.memref_slice %arg10[%dma_wait3A, %dma_wait3A_376, %dma_wait3A_377] : memref<16x16x128xf32, #tpu.memory_space<vmem>> -> memref<1x16x128xf32, #tpu.memory_space<vmem>>
        %dma_wait3A_379 = tpu.memref_squeeze %dma_wait3A_378 : memref<1x16x128xf32, #tpu.memory_space<vmem>> -> memref<16x128xf32, #tpu.memory_space<vmem>>
        %dma_wait3A_380 = arith.constant 0 : i32
        %dma_wait3A_381 = tpu.memref_slice %arg4[%dma_wait3A_380, %mul3A_375] : memref<16x1000000xf32, #tpu.memory_space<hbm>> -> memref<16x128xf32, #tpu.memory_space<hbm>>
        %dma_wait3A_382 = arith.constant 0 : i32
        %dma_wait3A_383 = arith.constant 0 : i32
        %dma_wait3A_384 = tpu.memref_slice %arg10[%dma_wait3A, %dma_wait3A_382, %dma_wait3A_383] : memref<16x16x128xf32, #tpu.memory_space<vmem>> -> memref<1x16x128xf32, #tpu.memory_space<vmem>>
        %dma_wait3A_385 = tpu.memref_squeeze %dma_wait3A_384 : memref<1x16x128xf32, #tpu.memory_space<vmem>> -> memref<16x128xf32, #tpu.memory_space<vmem>>
        %dma_wait3A_386 = arith.constant 0 : i32
        %dma_wait3A_387 = tpu.memref_slice %arg4[%dma_wait3A_386, %mul3A_375] : memref<16x1000000xf32, #tpu.memory_space<hbm>> -> memref<16x128xf32, #tpu.memory_space<hbm>>
        tpu.wait_dma2 semaphore(%arg15 : memref<!tpu.dma_semaphore, #tpu.memory_space<semaphore_mem>>) src(%dma_wait3A_387 : memref<16x128xf32, #tpu.memory_space<hbm>>) dst(%dma_wait3A_385 : memref<16x128xf32, #tpu.memory_space<vmem>>)
      } else {
      }
      %add3A_221 = arith.constant 8 : i32
      %add3A_222 = arith.addi %add3A_43, %add3A_221 : i32
      %lt3A_223 = arith.cmpi slt, %add3A_222, %min3A_5 : i32
      %convert_element_type3A_224 = arith.extui %lt3A_223 : i1 to i32
      %cond3A_225 = arith.constant 0 : i32
      %cond3A_226 = arith.cmpi ne, %convert_element_type3A_224, %cond3A_225 : i32
      scf.if %cond3A_226 {
        %add3A_372 = arith.constant 8 : i32
        %add3A_373 = arith.addi %add3A_43, %add3A_372 : i32
        %mul3A_374 = arith.constant 128 : i32
        %mul3A_375 = arith.muli %add3A_373, %mul3A_374 : i32
        %dma_wait3A = arith.constant 8 : i32
        %dma_wait3A_376 = arith.constant 0 : i32
        %dma_wait3A_377 = arith.constant 0 : i32
        %dma_wait3A_378 = tpu.memref_slice %arg10[%dma_wait3A, %dma_wait3A_376, %dma_wait3A_377] : memref<16x16x128xf32, #tpu.memory_space<vmem>> -> memref<1x16x128xf32, #tpu.memory_space<vmem>>
        %dma_wait3A_379 = tpu.memref_squeeze %dma_wait3A_378 : memref<1x16x128xf32, #tpu.memory_space<vmem>> -> memref<16x128xf32, #tpu.memory_space<vmem>>
        %dma_wait3A_380 = arith.constant 0 : i32
        %dma_wait3A_381 = tpu.memref_slice %arg4[%dma_wait3A_380, %mul3A_375] : memref<16x1000000xf32, #tpu.memory_space<hbm>> -> memref<16x128xf32, #tpu.memory_space<hbm>>
        %dma_wait3A_382 = arith.constant 0 : i32
        %dma_wait3A_383 = arith.constant 0 : i32
        %dma_wait3A_384 = tpu.memref_slice %arg10[%dma_wait3A, %dma_wait3A_382, %dma_wait3A_383] : memref<16x16x128xf32, #tpu.memory_space<vmem>> -> memref<1x16x128xf32, #tpu.memory_space<vmem>>
        %dma_wait3A_385 = tpu.memref_squeeze %dma_wait3A_384 : memref<1x16x128xf32, #tpu.memory_space<vmem>> -> memref<16x128xf32, #tpu.memory_space<vmem>>
        %dma_wait3A_386 = arith.constant 0 : i32
        %dma_wait3A_387 = tpu.memref_slice %arg4[%dma_wait3A_386, %mul3A_375] : memref<16x1000000xf32, #tpu.memory_space<hbm>> -> memref<16x128xf32, #tpu.memory_space<hbm>>
        tpu.wait_dma2 semaphore(%arg15 : memref<!tpu.dma_semaphore, #tpu.memory_space<semaphore_mem>>) src(%dma_wait3A_387 : memref<16x128xf32, #tpu.memory_space<hbm>>) dst(%dma_wait3A_385 : memref<16x128xf32, #tpu.memory_space<vmem>>)
      } else {
      }
      %add3A_227 = arith.constant 9 : i32
      %add3A_228 = arith.addi %add3A_43, %add3A_227 : i32
      %lt3A_229 = arith.cmpi slt, %add3A_228, %min3A_5 : i32
      %convert_element_type3A_230 = arith.extui %lt3A_229 : i1 to i32
      %cond3A_231 = arith.constant 0 : i32
      %cond3A_232 = arith.cmpi ne, %convert_element_type3A_230, %cond3A_231 : i32
      scf.if %cond3A_232 {
        %add3A_372 = arith.constant 9 : i32
        %add3A_373 = arith.addi %add3A_43, %add3A_372 : i32
        %mul3A_374 = arith.constant 128 : i32
        %mul3A_375 = arith.muli %add3A_373, %mul3A_374 : i32
        %dma_wait3A = arith.constant 9 : i32
        %dma_wait3A_376 = arith.constant 0 : i32
        %dma_wait3A_377 = arith.constant 0 : i32
        %dma_wait3A_378 = tpu.memref_slice %arg10[%dma_wait3A, %dma_wait3A_376, %dma_wait3A_377] : memref<16x16x128xf32, #tpu.memory_space<vmem>> -> memref<1x16x128xf32, #tpu.memory_space<vmem>>
        %dma_wait3A_379 = tpu.memref_squeeze %dma_wait3A_378 : memref<1x16x128xf32, #tpu.memory_space<vmem>> -> memref<16x128xf32, #tpu.memory_space<vmem>>
        %dma_wait3A_380 = arith.constant 0 : i32
        %dma_wait3A_381 = tpu.memref_slice %arg4[%dma_wait3A_380, %mul3A_375] : memref<16x1000000xf32, #tpu.memory_space<hbm>> -> memref<16x128xf32, #tpu.memory_space<hbm>>
        %dma_wait3A_382 = arith.constant 0 : i32
        %dma_wait3A_383 = arith.constant 0 : i32
        %dma_wait3A_384 = tpu.memref_slice %arg10[%dma_wait3A, %dma_wait3A_382, %dma_wait3A_383] : memref<16x16x128xf32, #tpu.memory_space<vmem>> -> memref<1x16x128xf32, #tpu.memory_space<vmem>>
        %dma_wait3A_385 = tpu.memref_squeeze %dma_wait3A_384 : memref<1x16x128xf32, #tpu.memory_space<vmem>> -> memref<16x128xf32, #tpu.memory_space<vmem>>
        %dma_wait3A_386 = arith.constant 0 : i32
        %dma_wait3A_387 = tpu.memref_slice %arg4[%dma_wait3A_386, %mul3A_375] : memref<16x1000000xf32, #tpu.memory_space<hbm>> -> memref<16x128xf32, #tpu.memory_space<hbm>>
        tpu.wait_dma2 semaphore(%arg15 : memref<!tpu.dma_semaphore, #tpu.memory_space<semaphore_mem>>) src(%dma_wait3A_387 : memref<16x128xf32, #tpu.memory_space<hbm>>) dst(%dma_wait3A_385 : memref<16x128xf32, #tpu.memory_space<vmem>>)
      } else {
      }
      %add3A_233 = arith.constant 10 : i32
      %add3A_234 = arith.addi %add3A_43, %add3A_233 : i32
      %lt3A_235 = arith.cmpi slt, %add3A_234, %min3A_5 : i32
      %convert_element_type3A_236 = arith.extui %lt3A_235 : i1 to i32
      %cond3A_237 = arith.constant 0 : i32
      %cond3A_238 = arith.cmpi ne, %convert_element_type3A_236, %cond3A_237 : i32
      scf.if %cond3A_238 {
        %add3A_372 = arith.constant 10 : i32
        %add3A_373 = arith.addi %add3A_43, %add3A_372 : i32
        %mul3A_374 = arith.constant 128 : i32
        %mul3A_375 = arith.muli %add3A_373, %mul3A_374 : i32
        %dma_wait3A = arith.constant 10 : i32
        %dma_wait3A_376 = arith.constant 0 : i32
        %dma_wait3A_377 = arith.constant 0 : i32
        %dma_wait3A_378 = tpu.memref_slice %arg10[%dma_wait3A, %dma_wait3A_376, %dma_wait3A_377] : memref<16x16x128xf32, #tpu.memory_space<vmem>> -> memref<1x16x128xf32, #tpu.memory_space<vmem>>
        %dma_wait3A_379 = tpu.memref_squeeze %dma_wait3A_378 : memref<1x16x128xf32, #tpu.memory_space<vmem>> -> memref<16x128xf32, #tpu.memory_space<vmem>>
        %dma_wait3A_380 = arith.constant 0 : i32
        %dma_wait3A_381 = tpu.memref_slice %arg4[%dma_wait3A_380, %mul3A_375] : memref<16x1000000xf32, #tpu.memory_space<hbm>> -> memref<16x128xf32, #tpu.memory_space<hbm>>
        %dma_wait3A_382 = arith.constant 0 : i32
        %dma_wait3A_383 = arith.constant 0 : i32
        %dma_wait3A_384 = tpu.memref_slice %arg10[%dma_wait3A, %dma_wait3A_382, %dma_wait3A_383] : memref<16x16x128xf32, #tpu.memory_space<vmem>> -> memref<1x16x128xf32, #tpu.memory_space<vmem>>
        %dma_wait3A_385 = tpu.memref_squeeze %dma_wait3A_384 : memref<1x16x128xf32, #tpu.memory_space<vmem>> -> memref<16x128xf32, #tpu.memory_space<vmem>>
        %dma_wait3A_386 = arith.constant 0 : i32
        %dma_wait3A_387 = tpu.memref_slice %arg4[%dma_wait3A_386, %mul3A_375] : memref<16x1000000xf32, #tpu.memory_space<hbm>> -> memref<16x128xf32, #tpu.memory_space<hbm>>
        tpu.wait_dma2 semaphore(%arg15 : memref<!tpu.dma_semaphore, #tpu.memory_space<semaphore_mem>>) src(%dma_wait3A_387 : memref<16x128xf32, #tpu.memory_space<hbm>>) dst(%dma_wait3A_385 : memref<16x128xf32, #tpu.memory_space<vmem>>)
      } else {
      }
      %add3A_239 = arith.constant 11 : i32
      %add3A_240 = arith.addi %add3A_43, %add3A_239 : i32
      %lt3A_241 = arith.cmpi slt, %add3A_240, %min3A_5 : i32
      %convert_element_type3A_242 = arith.extui %lt3A_241 : i1 to i32
      %cond3A_243 = arith.constant 0 : i32
      %cond3A_244 = arith.cmpi ne, %convert_element_type3A_242, %cond3A_243 : i32
      scf.if %cond3A_244 {
        %add3A_372 = arith.constant 11 : i32
        %add3A_373 = arith.addi %add3A_43, %add3A_372 : i32
        %mul3A_374 = arith.constant 128 : i32
        %mul3A_375 = arith.muli %add3A_373, %mul3A_374 : i32
        %dma_wait3A = arith.constant 11 : i32
        %dma_wait3A_376 = arith.constant 0 : i32
        %dma_wait3A_377 = arith.constant 0 : i32
        %dma_wait3A_378 = tpu.memref_slice %arg10[%dma_wait3A, %dma_wait3A_376, %dma_wait3A_377] : memref<16x16x128xf32, #tpu.memory_space<vmem>> -> memref<1x16x128xf32, #tpu.memory_space<vmem>>
        %dma_wait3A_379 = tpu.memref_squeeze %dma_wait3A_378 : memref<1x16x128xf32, #tpu.memory_space<vmem>> -> memref<16x128xf32, #tpu.memory_space<vmem>>
        %dma_wait3A_380 = arith.constant 0 : i32
        %dma_wait3A_381 = tpu.memref_slice %arg4[%dma_wait3A_380, %mul3A_375] : memref<16x1000000xf32, #tpu.memory_space<hbm>> -> memref<16x128xf32, #tpu.memory_space<hbm>>
        %dma_wait3A_382 = arith.constant 0 : i32
        %dma_wait3A_383 = arith.constant 0 : i32
        %dma_wait3A_384 = tpu.memref_slice %arg10[%dma_wait3A, %dma_wait3A_382, %dma_wait3A_383] : memref<16x16x128xf32, #tpu.memory_space<vmem>> -> memref<1x16x128xf32, #tpu.memory_space<vmem>>
        %dma_wait3A_385 = tpu.memref_squeeze %dma_wait3A_384 : memref<1x16x128xf32, #tpu.memory_space<vmem>> -> memref<16x128xf32, #tpu.memory_space<vmem>>
        %dma_wait3A_386 = arith.constant 0 : i32
        %dma_wait3A_387 = tpu.memref_slice %arg4[%dma_wait3A_386, %mul3A_375] : memref<16x1000000xf32, #tpu.memory_space<hbm>> -> memref<16x128xf32, #tpu.memory_space<hbm>>
        tpu.wait_dma2 semaphore(%arg15 : memref<!tpu.dma_semaphore, #tpu.memory_space<semaphore_mem>>) src(%dma_wait3A_387 : memref<16x128xf32, #tpu.memory_space<hbm>>) dst(%dma_wait3A_385 : memref<16x128xf32, #tpu.memory_space<vmem>>)
      } else {
      }
      %add3A_245 = arith.constant 12 : i32
      %add3A_246 = arith.addi %add3A_43, %add3A_245 : i32
      %lt3A_247 = arith.cmpi slt, %add3A_246, %min3A_5 : i32
      %convert_element_type3A_248 = arith.extui %lt3A_247 : i1 to i32
      %cond3A_249 = arith.constant 0 : i32
      %cond3A_250 = arith.cmpi ne, %convert_element_type3A_248, %cond3A_249 : i32
      scf.if %cond3A_250 {
        %add3A_372 = arith.constant 12 : i32
        %add3A_373 = arith.addi %add3A_43, %add3A_372 : i32
        %mul3A_374 = arith.constant 128 : i32
        %mul3A_375 = arith.muli %add3A_373, %mul3A_374 : i32
        %dma_wait3A = arith.constant 12 : i32
        %dma_wait3A_376 = arith.constant 0 : i32
        %dma_wait3A_377 = arith.constant 0 : i32
        %dma_wait3A_378 = tpu.memref_slice %arg10[%dma_wait3A, %dma_wait3A_376, %dma_wait3A_377] : memref<16x16x128xf32, #tpu.memory_space<vmem>> -> memref<1x16x128xf32, #tpu.memory_space<vmem>>
        %dma_wait3A_379 = tpu.memref_squeeze %dma_wait3A_378 : memref<1x16x128xf32, #tpu.memory_space<vmem>> -> memref<16x128xf32, #tpu.memory_space<vmem>>
        %dma_wait3A_380 = arith.constant 0 : i32
        %dma_wait3A_381 = tpu.memref_slice %arg4[%dma_wait3A_380, %mul3A_375] : memref<16x1000000xf32, #tpu.memory_space<hbm>> -> memref<16x128xf32, #tpu.memory_space<hbm>>
        %dma_wait3A_382 = arith.constant 0 : i32
        %dma_wait3A_383 = arith.constant 0 : i32
        %dma_wait3A_384 = tpu.memref_slice %arg10[%dma_wait3A, %dma_wait3A_382, %dma_wait3A_383] : memref<16x16x128xf32, #tpu.memory_space<vmem>> -> memref<1x16x128xf32, #tpu.memory_space<vmem>>
        %dma_wait3A_385 = tpu.memref_squeeze %dma_wait3A_384 : memref<1x16x128xf32, #tpu.memory_space<vmem>> -> memref<16x128xf32, #tpu.memory_space<vmem>>
        %dma_wait3A_386 = arith.constant 0 : i32
        %dma_wait3A_387 = tpu.memref_slice %arg4[%dma_wait3A_386, %mul3A_375] : memref<16x1000000xf32, #tpu.memory_space<hbm>> -> memref<16x128xf32, #tpu.memory_space<hbm>>
        tpu.wait_dma2 semaphore(%arg15 : memref<!tpu.dma_semaphore, #tpu.memory_space<semaphore_mem>>) src(%dma_wait3A_387 : memref<16x128xf32, #tpu.memory_space<hbm>>) dst(%dma_wait3A_385 : memref<16x128xf32, #tpu.memory_space<vmem>>)
      } else {
      }
      %add3A_251 = arith.constant 13 : i32
      %add3A_252 = arith.addi %add3A_43, %add3A_251 : i32
      %lt3A_253 = arith.cmpi slt, %add3A_252, %min3A_5 : i32
      %convert_element_type3A_254 = arith.extui %lt3A_253 : i1 to i32
      %cond3A_255 = arith.constant 0 : i32
      %cond3A_256 = arith.cmpi ne, %convert_element_type3A_254, %cond3A_255 : i32
      scf.if %cond3A_256 {
        %add3A_372 = arith.constant 13 : i32
        %add3A_373 = arith.addi %add3A_43, %add3A_372 : i32
        %mul3A_374 = arith.constant 128 : i32
        %mul3A_375 = arith.muli %add3A_373, %mul3A_374 : i32
        %dma_wait3A = arith.constant 13 : i32
        %dma_wait3A_376 = arith.constant 0 : i32
        %dma_wait3A_377 = arith.constant 0 : i32
        %dma_wait3A_378 = tpu.memref_slice %arg10[%dma_wait3A, %dma_wait3A_376, %dma_wait3A_377] : memref<16x16x128xf32, #tpu.memory_space<vmem>> -> memref<1x16x128xf32, #tpu.memory_space<vmem>>
        %dma_wait3A_379 = tpu.memref_squeeze %dma_wait3A_378 : memref<1x16x128xf32, #tpu.memory_space<vmem>> -> memref<16x128xf32, #tpu.memory_space<vmem>>
        %dma_wait3A_380 = arith.constant 0 : i32
        %dma_wait3A_381 = tpu.memref_slice %arg4[%dma_wait3A_380, %mul3A_375] : memref<16x1000000xf32, #tpu.memory_space<hbm>> -> memref<16x128xf32, #tpu.memory_space<hbm>>
        %dma_wait3A_382 = arith.constant 0 : i32
        %dma_wait3A_383 = arith.constant 0 : i32
        %dma_wait3A_384 = tpu.memref_slice %arg10[%dma_wait3A, %dma_wait3A_382, %dma_wait3A_383] : memref<16x16x128xf32, #tpu.memory_space<vmem>> -> memref<1x16x128xf32, #tpu.memory_space<vmem>>
        %dma_wait3A_385 = tpu.memref_squeeze %dma_wait3A_384 : memref<1x16x128xf32, #tpu.memory_space<vmem>> -> memref<16x128xf32, #tpu.memory_space<vmem>>
        %dma_wait3A_386 = arith.constant 0 : i32
        %dma_wait3A_387 = tpu.memref_slice %arg4[%dma_wait3A_386, %mul3A_375] : memref<16x1000000xf32, #tpu.memory_space<hbm>> -> memref<16x128xf32, #tpu.memory_space<hbm>>
        tpu.wait_dma2 semaphore(%arg15 : memref<!tpu.dma_semaphore, #tpu.memory_space<semaphore_mem>>) src(%dma_wait3A_387 : memref<16x128xf32, #tpu.memory_space<hbm>>) dst(%dma_wait3A_385 : memref<16x128xf32, #tpu.memory_space<vmem>>)
      } else {
      }
      %add3A_257 = arith.constant 14 : i32
      %add3A_258 = arith.addi %add3A_43, %add3A_257 : i32
      %lt3A_259 = arith.cmpi slt, %add3A_258, %min3A_5 : i32
      %convert_element_type3A_260 = arith.extui %lt3A_259 : i1 to i32
      %cond3A_261 = arith.constant 0 : i32
      %cond3A_262 = arith.cmpi ne, %convert_element_type3A_260, %cond3A_261 : i32
      scf.if %cond3A_262 {
        %add3A_372 = arith.constant 14 : i32
        %add3A_373 = arith.addi %add3A_43, %add3A_372 : i32
        %mul3A_374 = arith.constant 128 : i32
        %mul3A_375 = arith.muli %add3A_373, %mul3A_374 : i32
        %dma_wait3A = arith.constant 14 : i32
        %dma_wait3A_376 = arith.constant 0 : i32
        %dma_wait3A_377 = arith.constant 0 : i32
        %dma_wait3A_378 = tpu.memref_slice %arg10[%dma_wait3A, %dma_wait3A_376, %dma_wait3A_377] : memref<16x16x128xf32, #tpu.memory_space<vmem>> -> memref<1x16x128xf32, #tpu.memory_space<vmem>>
        %dma_wait3A_379 = tpu.memref_squeeze %dma_wait3A_378 : memref<1x16x128xf32, #tpu.memory_space<vmem>> -> memref<16x128xf32, #tpu.memory_space<vmem>>
        %dma_wait3A_380 = arith.constant 0 : i32
        %dma_wait3A_381 = tpu.memref_slice %arg4[%dma_wait3A_380, %mul3A_375] : memref<16x1000000xf32, #tpu.memory_space<hbm>> -> memref<16x128xf32, #tpu.memory_space<hbm>>
        %dma_wait3A_382 = arith.constant 0 : i32
        %dma_wait3A_383 = arith.constant 0 : i32
        %dma_wait3A_384 = tpu.memref_slice %arg10[%dma_wait3A, %dma_wait3A_382, %dma_wait3A_383] : memref<16x16x128xf32, #tpu.memory_space<vmem>> -> memref<1x16x128xf32, #tpu.memory_space<vmem>>
        %dma_wait3A_385 = tpu.memref_squeeze %dma_wait3A_384 : memref<1x16x128xf32, #tpu.memory_space<vmem>> -> memref<16x128xf32, #tpu.memory_space<vmem>>
        %dma_wait3A_386 = arith.constant 0 : i32
        %dma_wait3A_387 = tpu.memref_slice %arg4[%dma_wait3A_386, %mul3A_375] : memref<16x1000000xf32, #tpu.memory_space<hbm>> -> memref<16x128xf32, #tpu.memory_space<hbm>>
        tpu.wait_dma2 semaphore(%arg15 : memref<!tpu.dma_semaphore, #tpu.memory_space<semaphore_mem>>) src(%dma_wait3A_387 : memref<16x128xf32, #tpu.memory_space<hbm>>) dst(%dma_wait3A_385 : memref<16x128xf32, #tpu.memory_space<vmem>>)
      } else {
      }
      %add3A_263 = arith.constant 15 : i32
      %add3A_264 = arith.addi %add3A_43, %add3A_263 : i32
      %lt3A_265 = arith.cmpi slt, %add3A_264, %min3A_5 : i32
      %convert_element_type3A_266 = arith.extui %lt3A_265 : i1 to i32
      %cond3A_267 = arith.constant 0 : i32
      %cond3A_268 = arith.cmpi ne, %convert_element_type3A_266, %cond3A_267 : i32
      scf.if %cond3A_268 {
        %add3A_372 = arith.constant 15 : i32
        %add3A_373 = arith.addi %add3A_43, %add3A_372 : i32
        %mul3A_374 = arith.constant 128 : i32
        %mul3A_375 = arith.muli %add3A_373, %mul3A_374 : i32
        %dma_wait3A = arith.constant 15 : i32
        %dma_wait3A_376 = arith.constant 0 : i32
        %dma_wait3A_377 = arith.constant 0 : i32
        %dma_wait3A_378 = tpu.memref_slice %arg10[%dma_wait3A, %dma_wait3A_376, %dma_wait3A_377] : memref<16x16x128xf32, #tpu.memory_space<vmem>> -> memref<1x16x128xf32, #tpu.memory_space<vmem>>
        %dma_wait3A_379 = tpu.memref_squeeze %dma_wait3A_378 : memref<1x16x128xf32, #tpu.memory_space<vmem>> -> memref<16x128xf32, #tpu.memory_space<vmem>>
        %dma_wait3A_380 = arith.constant 0 : i32
        %dma_wait3A_381 = tpu.memref_slice %arg4[%dma_wait3A_380, %mul3A_375] : memref<16x1000000xf32, #tpu.memory_space<hbm>> -> memref<16x128xf32, #tpu.memory_space<hbm>>
        %dma_wait3A_382 = arith.constant 0 : i32
        %dma_wait3A_383 = arith.constant 0 : i32
        %dma_wait3A_384 = tpu.memref_slice %arg10[%dma_wait3A, %dma_wait3A_382, %dma_wait3A_383] : memref<16x16x128xf32, #tpu.memory_space<vmem>> -> memref<1x16x128xf32, #tpu.memory_space<vmem>>
        %dma_wait3A_385 = tpu.memref_squeeze %dma_wait3A_384 : memref<1x16x128xf32, #tpu.memory_space<vmem>> -> memref<16x128xf32, #tpu.memory_space<vmem>>
        %dma_wait3A_386 = arith.constant 0 : i32
        %dma_wait3A_387 = tpu.memref_slice %arg4[%dma_wait3A_386, %mul3A_375] : memref<16x1000000xf32, #tpu.memory_space<hbm>> -> memref<16x128xf32, #tpu.memory_space<hbm>>
        tpu.wait_dma2 semaphore(%arg15 : memref<!tpu.dma_semaphore, #tpu.memory_space<semaphore_mem>>) src(%dma_wait3A_387 : memref<16x128xf32, #tpu.memory_space<hbm>>) dst(%dma_wait3A_385 : memref<16x128xf32, #tpu.memory_space<vmem>>)
      } else {
      }
      %mul3A_269 = arith.constant 2 : i32
      %mul3A_270 = arith.muli %scan3A_39, %mul3A_269 : i32
      %add3A_271 = arith.constant 0 : i32
      %add3A_272 = arith.addi %mul3A_270, %add3A_271 : i32
      %mul3A_273 = arith.constant 2048 : i32
      %mul3A_274 = arith.muli %add3A_272, %mul3A_273 : i32
      %scan3A_275 = arith.constant 0 : i32
      %scan3A_276 = arith.constant 0 : i32
      %scan3A_277 = arith.constant 8 : i32
      %scan3A_278 = arith.addi %scan3A_276, %scan3A_277 : i32
      %scan3A_279 = arith.constant 1 : i32
      %scan3A_280 = scf.for %scan3A_372 = %scan3A_276 to %scan3A_278 step %scan3A_279 iter_args(%scan3A_373 = %scan3A_275) -> (i32)  : i32 {
        %mul3A_374 = arith.constant 16 : i32
        %mul3A_375 = arith.muli %scan3A_372, %mul3A_374 : i32
        %add3A_376 = vector.broadcast %mul3A_375 : i32 to vector<16xi32>
        %add3A_377 = arith.addi %add3A_376, %iota3A : vector<16xi32>
        %mul3A_378 = arith.constant 16 : i32
        %mul3A_379 = arith.muli %scan3A_372, %mul3A_378 : i32
        %get3A = arith.index_cast %mul3A_379 : i32 to index
        %get3A_380 = tpu.vector_load %arg12[%get3A] {strides = array<i32>} : memref<128xi32, #tpu.memory_space<vmem>>, vector<16xi32>,
        %shift_right_arithmetic3A = arith.constant 21 : i32
        %shift_right_arithmetic3A_381 = vector.broadcast %shift_right_arithmetic3A : i32 to vector<16xi32>
        %shift_right_arithmetic3A_382 = arith.shrsi %get3A_380, %shift_right_arithmetic3A_381 : vector<16xi32>
        %sub3A_383 = arith.subi %add3A_43, %mul3A_2 : i32
        %sub3A_384 = vector.broadcast %sub3A_383 : i32 to vector<16xi32>
        %sub3A_385 = arith.subi %shift_right_arithmetic3A_382, %sub3A_384 : vector<16xi32>
        %jit3A_386 = arith.constant 0 : i32
        %jit3A_387 = arith.constant 15 : i32
        %max3A = vector.broadcast %jit3A_386 : i32 to vector<16xi32>
        %max3A_388 = arith.maxsi %max3A, %sub3A_385 : vector<16xi32>
        %min3A_389 = vector.broadcast %jit3A_387 : i32 to vector<16xi32>
        %min3A_390 = arith.minsi %min3A_389, %max3A_388 : vector<16xi32>
        %shift_right_arithmetic3A_391 = arith.constant 14 : i32
        %shift_right_arithmetic3A_392 = vector.broadcast %shift_right_arithmetic3A_391 : i32 to vector<16xi32>
        %shift_right_arithmetic3A_393 = arith.shrsi %get3A_380, %shift_right_arithmetic3A_392 : vector<16xi32>
        %and3A_394 = arith.constant 127 : i32
        %and3A_395 = vector.broadcast %and3A_394 : i32 to vector<16xi32>
        %and3A_396 = arith.andi %shift_right_arithmetic3A_393, %and3A_395 : vector<16xi32>
        %broadcast_in_dim3A = arith.constant 0 : i32
        %broadcast_in_dim3A_397 = vector.broadcast %broadcast_in_dim3A : i32 to vector<16xi32>
        %gather3A = tpu.vector_load_idx %arg10[%min3A_390, %broadcast_in_dim3A_397, %and3A_396] : memref<16x16x128xf32, #tpu.memory_space<vmem>>[vector<16xi32>, vector<16xi32>, vector<16xi32>], vector<16xf32>,
        %mul3A_398 = arith.constant 16 : i32
        %mul3A_399 = vector.broadcast %mul3A_398 : i32 to vector<16xi32>
        %mul3A_400 = arith.muli %add3A_377, %mul3A_399 : vector<16xi32>
        %add3A_401 = vector.broadcast %mul3A_274 : i32 to vector<16xi32>
        %add3A_402 = arith.addi %add3A_401, %mul3A_400 : vector<16xi32>
        %add3A_403 = arith.constant 0 : i32
        %add3A_404 = vector.broadcast %add3A_403 : i32 to vector<16xi32>
        %add3A_405 = arith.addi %add3A_402, %add3A_404 : vector<16xi32>
        tpu.vector_store_idx %arg11[%add3A_405], %gather3A : memref<65536xf32, #tpu.memory_space<vmem>>[vector<16xi32>], vector<16xf32>,
        %broadcast_in_dim3A_406 = arith.constant 1 : i32
        %broadcast_in_dim3A_407 = vector.broadcast %broadcast_in_dim3A_406 : i32 to vector<16xi32>
        %gather3A_408 = tpu.vector_load_idx %arg10[%min3A_390, %broadcast_in_dim3A_407, %and3A_396] : memref<16x16x128xf32, #tpu.memory_space<vmem>>[vector<16xi32>, vector<16xi32>, vector<16xi32>], vector<16xf32>,
        %mul3A_409 = arith.constant 16 : i32
        %mul3A_410 = vector.broadcast %mul3A_409 : i32 to vector<16xi32>
        %mul3A_411 = arith.muli %add3A_377, %mul3A_410 : vector<16xi32>
        %add3A_412 = vector.broadcast %mul3A_274 : i32 to vector<16xi32>
        %add3A_413 = arith.addi %add3A_412, %mul3A_411 : vector<16xi32>
        %add3A_414 = arith.constant 1 : i32
        %add3A_415 = vector.broadcast %add3A_414 : i32 to vector<16xi32>
        %add3A_416 = arith.addi %add3A_413, %add3A_415 : vector<16xi32>
        tpu.vector_store_idx %arg11[%add3A_416], %gather3A_408 : memref<65536xf32, #tpu.memory_space<vmem>>[vector<16xi32>], vector<16xf32>,
        %broadcast_in_dim3A_417 = arith.constant 2 : i32
        %broadcast_in_dim3A_418 = vector.broadcast %broadcast_in_dim3A_417 : i32 to vector<16xi32>
        %gather3A_419 = tpu.vector_load_idx %arg10[%min3A_390, %broadcast_in_dim3A_418, %and3A_396] : memref<16x16x128xf32, #tpu.memory_space<vmem>>[vector<16xi32>, vector<16xi32>, vector<16xi32>], vector<16xf32>,
        %mul3A_420 = arith.constant 16 : i32
        %mul3A_421 = vector.broadcast %mul3A_420 : i32 to vector<16xi32>
        %mul3A_422 = arith.muli %add3A_377, %mul3A_421 : vector<16xi32>
        %add3A_423 = vector.broadcast %mul3A_274 : i32 to vector<16xi32>
        %add3A_424 = arith.addi %add3A_423, %mul3A_422 : vector<16xi32>
        %add3A_425 = arith.constant 2 : i32
        %add3A_426 = vector.broadcast %add3A_425 : i32 to vector<16xi32>
        %add3A_427 = arith.addi %add3A_424, %add3A_426 : vector<16xi32>
        tpu.vector_store_idx %arg11[%add3A_427], %gather3A_419 : memref<65536xf32, #tpu.memory_space<vmem>>[vector<16xi32>], vector<16xf32>,
        %broadcast_in_dim3A_428 = arith.constant 3 : i32
        %broadcast_in_dim3A_429 = vector.broadcast %broadcast_in_dim3A_428 : i32 to vector<16xi32>
        %gather3A_430 = tpu.vector_load_idx %arg10[%min3A_390, %broadcast_in_dim3A_429, %and3A_396] : memref<16x16x128xf32, #tpu.memory_space<vmem>>[vector<16xi32>, vector<16xi32>, vector<16xi32>], vector<16xf32>,
        %mul3A_431 = arith.constant 16 : i32
        %mul3A_432 = vector.broadcast %mul3A_431 : i32 to vector<16xi32>
        %mul3A_433 = arith.muli %add3A_377, %mul3A_432 : vector<16xi32>
        %add3A_434 = vector.broadcast %mul3A_274 : i32 to vector<16xi32>
        %add3A_435 = arith.addi %add3A_434, %mul3A_433 : vector<16xi32>
        %add3A_436 = arith.constant 3 : i32
        %add3A_437 = vector.broadcast %add3A_436 : i32 to vector<16xi32>
        %add3A_438 = arith.addi %add3A_435, %add3A_437 : vector<16xi32>
        tpu.vector_store_idx %arg11[%add3A_438], %gather3A_430 : memref<65536xf32, #tpu.memory_space<vmem>>[vector<16xi32>], vector<16xf32>,
        %broadcast_in_dim3A_439 = arith.constant 4 : i32
        %broadcast_in_dim3A_440 = vector.broadcast %broadcast_in_dim3A_439 : i32 to vector<16xi32>
        %gather3A_441 = tpu.vector_load_idx %arg10[%min3A_390, %broadcast_in_dim3A_440, %and3A_396] : memref<16x16x128xf32, #tpu.memory_space<vmem>>[vector<16xi32>, vector<16xi32>, vector<16xi32>], vector<16xf32>,
        %mul3A_442 = arith.constant 16 : i32
        %mul3A_443 = vector.broadcast %mul3A_442 : i32 to vector<16xi32>
        %mul3A_444 = arith.muli %add3A_377, %mul3A_443 : vector<16xi32>
        %add3A_445 = vector.broadcast %mul3A_274 : i32 to vector<16xi32>
        %add3A_446 = arith.addi %add3A_445, %mul3A_444 : vector<16xi32>
        %add3A_447 = arith.constant 4 : i32
        %add3A_448 = vector.broadcast %add3A_447 : i32 to vector<16xi32>
        %add3A_449 = arith.addi %add3A_446, %add3A_448 : vector<16xi32>
        tpu.vector_store_idx %arg11[%add3A_449], %gather3A_441 : memref<65536xf32, #tpu.memory_space<vmem>>[vector<16xi32>], vector<16xf32>,
        %broadcast_in_dim3A_450 = arith.constant 5 : i32
        %broadcast_in_dim3A_451 = vector.broadcast %broadcast_in_dim3A_450 : i32 to vector<16xi32>
        %gather3A_452 = tpu.vector_load_idx %arg10[%min3A_390, %broadcast_in_dim3A_451, %and3A_396] : memref<16x16x128xf32, #tpu.memory_space<vmem>>[vector<16xi32>, vector<16xi32>, vector<16xi32>], vector<16xf32>,
        %mul3A_453 = arith.constant 16 : i32
        %mul3A_454 = vector.broadcast %mul3A_453 : i32 to vector<16xi32>
        %mul3A_455 = arith.muli %add3A_377, %mul3A_454 : vector<16xi32>
        %add3A_456 = vector.broadcast %mul3A_274 : i32 to vector<16xi32>
        %add3A_457 = arith.addi %add3A_456, %mul3A_455 : vector<16xi32>
        %add3A_458 = arith.constant 5 : i32
        %add3A_459 = vector.broadcast %add3A_458 : i32 to vector<16xi32>
        %add3A_460 = arith.addi %add3A_457, %add3A_459 : vector<16xi32>
        tpu.vector_store_idx %arg11[%add3A_460], %gather3A_452 : memref<65536xf32, #tpu.memory_space<vmem>>[vector<16xi32>], vector<16xf32>,
        %broadcast_in_dim3A_461 = arith.constant 6 : i32
        %broadcast_in_dim3A_462 = vector.broadcast %broadcast_in_dim3A_461 : i32 to vector<16xi32>
        %gather3A_463 = tpu.vector_load_idx %arg10[%min3A_390, %broadcast_in_dim3A_462, %and3A_396] : memref<16x16x128xf32, #tpu.memory_space<vmem>>[vector<16xi32>, vector<16xi32>, vector<16xi32>], vector<16xf32>,
        %mul3A_464 = arith.constant 16 : i32
        %mul3A_465 = vector.broadcast %mul3A_464 : i32 to vector<16xi32>
        %mul3A_466 = arith.muli %add3A_377, %mul3A_465 : vector<16xi32>
        %add3A_467 = vector.broadcast %mul3A_274 : i32 to vector<16xi32>
        %add3A_468 = arith.addi %add3A_467, %mul3A_466 : vector<16xi32>
        %add3A_469 = arith.constant 6 : i32
        %add3A_470 = vector.broadcast %add3A_469 : i32 to vector<16xi32>
        %add3A_471 = arith.addi %add3A_468, %add3A_470 : vector<16xi32>
        tpu.vector_store_idx %arg11[%add3A_471], %gather3A_463 : memref<65536xf32, #tpu.memory_space<vmem>>[vector<16xi32>], vector<16xf32>,
        %broadcast_in_dim3A_472 = arith.constant 7 : i32
        %broadcast_in_dim3A_473 = vector.broadcast %broadcast_in_dim3A_472 : i32 to vector<16xi32>
        %gather3A_474 = tpu.vector_load_idx %arg10[%min3A_390, %broadcast_in_dim3A_473, %and3A_396] : memref<16x16x128xf32, #tpu.memory_space<vmem>>[vector<16xi32>, vector<16xi32>, vector<16xi32>], vector<16xf32>,
        %mul3A_475 = arith.constant 16 : i32
        %mul3A_476 = vector.broadcast %mul3A_475 : i32 to vector<16xi32>
        %mul3A_477 = arith.muli %add3A_377, %mul3A_476 : vector<16xi32>
        %add3A_478 = vector.broadcast %mul3A_274 : i32 to vector<16xi32>
        %add3A_479 = arith.addi %add3A_478, %mul3A_477 : vector<16xi32>
        %add3A_480 = arith.constant 7 : i32
        %add3A_481 = vector.broadcast %add3A_480 : i32 to vector<16xi32>
        %add3A_482 = arith.addi %add3A_479, %add3A_481 : vector<16xi32>
        tpu.vector_store_idx %arg11[%add3A_482], %gather3A_474 : memref<65536xf32, #tpu.memory_space<vmem>>[vector<16xi32>], vector<16xf32>,
        %broadcast_in_dim3A_483 = arith.constant 8 : i32
        %broadcast_in_dim3A_484 = vector.broadcast %broadcast_in_dim3A_483 : i32 to vector<16xi32>
        %gather3A_485 = tpu.vector_load_idx %arg10[%min3A_390, %broadcast_in_dim3A_484, %and3A_396] : memref<16x16x128xf32, #tpu.memory_space<vmem>>[vector<16xi32>, vector<16xi32>, vector<16xi32>], vector<16xf32>,
        %mul3A_486 = arith.constant 16 : i32
        %mul3A_487 = vector.broadcast %mul3A_486 : i32 to vector<16xi32>
        %mul3A_488 = arith.muli %add3A_377, %mul3A_487 : vector<16xi32>
        %add3A_489 = vector.broadcast %mul3A_274 : i32 to vector<16xi32>
        %add3A_490 = arith.addi %add3A_489, %mul3A_488 : vector<16xi32>
        %add3A_491 = arith.constant 8 : i32
        %add3A_492 = vector.broadcast %add3A_491 : i32 to vector<16xi32>
        %add3A_493 = arith.addi %add3A_490, %add3A_492 : vector<16xi32>
        tpu.vector_store_idx %arg11[%add3A_493], %gather3A_485 : memref<65536xf32, #tpu.memory_space<vmem>>[vector<16xi32>], vector<16xf32>,
        %broadcast_in_dim3A_494 = arith.constant 9 : i32
        %broadcast_in_dim3A_495 = vector.broadcast %broadcast_in_dim3A_494 : i32 to vector<16xi32>
        %gather3A_496 = tpu.vector_load_idx %arg10[%min3A_390, %broadcast_in_dim3A_495, %and3A_396] : memref<16x16x128xf32, #tpu.memory_space<vmem>>[vector<16xi32>, vector<16xi32>, vector<16xi32>], vector<16xf32>,
        %mul3A_497 = arith.constant 16 : i32
        %mul3A_498 = vector.broadcast %mul3A_497 : i32 to vector<16xi32>
        %mul3A_499 = arith.muli %add3A_377, %mul3A_498 : vector<16xi32>
        %add3A_500 = vector.broadcast %mul3A_274 : i32 to vector<16xi32>
        %add3A_501 = arith.addi %add3A_500, %mul3A_499 : vector<16xi32>
        %add3A_502 = arith.constant 9 : i32
        %add3A_503 = vector.broadcast %add3A_502 : i32 to vector<16xi32>
        %add3A_504 = arith.addi %add3A_501, %add3A_503 : vector<16xi32>
        tpu.vector_store_idx %arg11[%add3A_504], %gather3A_496 : memref<65536xf32, #tpu.memory_space<vmem>>[vector<16xi32>], vector<16xf32>,
        %broadcast_in_dim3A_505 = arith.constant 10 : i32
        %broadcast_in_dim3A_506 = vector.broadcast %broadcast_in_dim3A_505 : i32 to vector<16xi32>
        %gather3A_507 = tpu.vector_load_idx %arg10[%min3A_390, %broadcast_in_dim3A_506, %and3A_396] : memref<16x16x128xf32, #tpu.memory_space<vmem>>[vector<16xi32>, vector<16xi32>, vector<16xi32>], vector<16xf32>,
        %mul3A_508 = arith.constant 16 : i32
        %mul3A_509 = vector.broadcast %mul3A_508 : i32 to vector<16xi32>
        %mul3A_510 = arith.muli %add3A_377, %mul3A_509 : vector<16xi32>
        %add3A_511 = vector.broadcast %mul3A_274 : i32 to vector<16xi32>
        %add3A_512 = arith.addi %add3A_511, %mul3A_510 : vector<16xi32>
        %add3A_513 = arith.constant 10 : i32
        %add3A_514 = vector.broadcast %add3A_513 : i32 to vector<16xi32>
        %add3A_515 = arith.addi %add3A_512, %add3A_514 : vector<16xi32>
        tpu.vector_store_idx %arg11[%add3A_515], %gather3A_507 : memref<65536xf32, #tpu.memory_space<vmem>>[vector<16xi32>], vector<16xf32>,
        %broadcast_in_dim3A_516 = arith.constant 11 : i32
        %broadcast_in_dim3A_517 = vector.broadcast %broadcast_in_dim3A_516 : i32 to vector<16xi32>
        %gather3A_518 = tpu.vector_load_idx %arg10[%min3A_390, %broadcast_in_dim3A_517, %and3A_396] : memref<16x16x128xf32, #tpu.memory_space<vmem>>[vector<16xi32>, vector<16xi32>, vector<16xi32>], vector<16xf32>,
        %mul3A_519 = arith.constant 16 : i32
        %mul3A_520 = vector.broadcast %mul3A_519 : i32 to vector<16xi32>
        %mul3A_521 = arith.muli %add3A_377, %mul3A_520 : vector<16xi32>
        %add3A_522 = vector.broadcast %mul3A_274 : i32 to vector<16xi32>
        %add3A_523 = arith.addi %add3A_522, %mul3A_521 : vector<16xi32>
        %add3A_524 = arith.constant 11 : i32
        %add3A_525 = vector.broadcast %add3A_524 : i32 to vector<16xi32>
        %add3A_526 = arith.addi %add3A_523, %add3A_525 : vector<16xi32>
        tpu.vector_store_idx %arg11[%add3A_526], %gather3A_518 : memref<65536xf32, #tpu.memory_space<vmem>>[vector<16xi32>], vector<16xf32>,
        %broadcast_in_dim3A_527 = arith.constant 12 : i32
        %broadcast_in_dim3A_528 = vector.broadcast %broadcast_in_dim3A_527 : i32 to vector<16xi32>
        %gather3A_529 = tpu.vector_load_idx %arg10[%min3A_390, %broadcast_in_dim3A_528, %and3A_396] : memref<16x16x128xf32, #tpu.memory_space<vmem>>[vector<16xi32>, vector<16xi32>, vector<16xi32>], vector<16xf32>,
        %mul3A_530 = arith.constant 16 : i32
        %mul3A_531 = vector.broadcast %mul3A_530 : i32 to vector<16xi32>
        %mul3A_532 = arith.muli %add3A_377, %mul3A_531 : vector<16xi32>
        %add3A_533 = vector.broadcast %mul3A_274 : i32 to vector<16xi32>
        %add3A_534 = arith.addi %add3A_533, %mul3A_532 : vector<16xi32>
        %add3A_535 = arith.constant 12 : i32
        %add3A_536 = vector.broadcast %add3A_535 : i32 to vector<16xi32>
        %add3A_537 = arith.addi %add3A_534, %add3A_536 : vector<16xi32>
        tpu.vector_store_idx %arg11[%add3A_537], %gather3A_529 : memref<65536xf32, #tpu.memory_space<vmem>>[vector<16xi32>], vector<16xf32>,
        %broadcast_in_dim3A_538 = arith.constant 13 : i32
        %broadcast_in_dim3A_539 = vector.broadcast %broadcast_in_dim3A_538 : i32 to vector<16xi32>
        %gather3A_540 = tpu.vector_load_idx %arg10[%min3A_390, %broadcast_in_dim3A_539, %and3A_396] : memref<16x16x128xf32, #tpu.memory_space<vmem>>[vector<16xi32>, vector<16xi32>, vector<16xi32>], vector<16xf32>,
        %mul3A_541 = arith.constant 16 : i32
        %mul3A_542 = vector.broadcast %mul3A_541 : i32 to vector<16xi32>
        %mul3A_543 = arith.muli %add3A_377, %mul3A_542 : vector<16xi32>
        %add3A_544 = vector.broadcast %mul3A_274 : i32 to vector<16xi32>
        %add3A_545 = arith.addi %add3A_544, %mul3A_543 : vector<16xi32>
        %add3A_546 = arith.constant 13 : i32
        %add3A_547 = vector.broadcast %add3A_546 : i32 to vector<16xi32>
        %add3A_548 = arith.addi %add3A_545, %add3A_547 : vector<16xi32>
        tpu.vector_store_idx %arg11[%add3A_548], %gather3A_540 : memref<65536xf32, #tpu.memory_space<vmem>>[vector<16xi32>], vector<16xf32>,
        %broadcast_in_dim3A_549 = arith.constant 14 : i32
        %broadcast_in_dim3A_550 = vector.broadcast %broadcast_in_dim3A_549 : i32 to vector<16xi32>
        %gather3A_551 = tpu.vector_load_idx %arg10[%min3A_390, %broadcast_in_dim3A_550, %and3A_396] : memref<16x16x128xf32, #tpu.memory_space<vmem>>[vector<16xi32>, vector<16xi32>, vector<16xi32>], vector<16xf32>,
        %mul3A_552 = arith.constant 16 : i32
        %mul3A_553 = vector.broadcast %mul3A_552 : i32 to vector<16xi32>
        %mul3A_554 = arith.muli %add3A_377, %mul3A_553 : vector<16xi32>
        %add3A_555 = vector.broadcast %mul3A_274 : i32 to vector<16xi32>
        %add3A_556 = arith.addi %add3A_555, %mul3A_554 : vector<16xi32>
        %add3A_557 = arith.constant 14 : i32
        %add3A_558 = vector.broadcast %add3A_557 : i32 to vector<16xi32>
        %add3A_559 = arith.addi %add3A_556, %add3A_558 : vector<16xi32>
        tpu.vector_store_idx %arg11[%add3A_559], %gather3A_551 : memref<65536xf32, #tpu.memory_space<vmem>>[vector<16xi32>], vector<16xf32>,
        %broadcast_in_dim3A_560 = arith.constant 15 : i32
        %broadcast_in_dim3A_561 = vector.broadcast %broadcast_in_dim3A_560 : i32 to vector<16xi32>
        %gather3A_562 = tpu.vector_load_idx %arg10[%min3A_390, %broadcast_in_dim3A_561, %and3A_396] : memref<16x16x128xf32, #tpu.memory_space<vmem>>[vector<16xi32>, vector<16xi32>, vector<16xi32>], vector<16xf32>,
        %mul3A_563 = arith.constant 16 : i32
        %mul3A_564 = vector.broadcast %mul3A_563 : i32 to vector<16xi32>
        %mul3A_565 = arith.muli %add3A_377, %mul3A_564 : vector<16xi32>
        %add3A_566 = vector.broadcast %mul3A_274 : i32 to vector<16xi32>
        %add3A_567 = arith.addi %add3A_566, %mul3A_565 : vector<16xi32>
        %add3A_568 = arith.constant 15 : i32
        %add3A_569 = vector.broadcast %add3A_568 : i32 to vector<16xi32>
        %add3A_570 = arith.addi %add3A_567, %add3A_569 : vector<16xi32>
        tpu.vector_store_idx %arg11[%add3A_570], %gather3A_562 : memref<65536xf32, #tpu.memory_space<vmem>>[vector<16xi32>], vector<16xf32>,
        %scan3A_571 = arith.constant 0 : i32
        scf.yield %scan3A_571 : i32
      }
      %scan3A_281 = arith.constant 8 : i32
      %mul3A_282 = arith.constant 32 : i32
      %mul3A_283 = arith.muli %add3A, %mul3A_282 : i32
      %add3A_284 = arith.addi %mul3A_283, %add3A_272 : i32
      %mul3A_285 = arith.constant 2048 : i32
      %mul3A_286 = arith.muli %add3A_284, %mul3A_285 : i32
      %dma_start3A = tpu.memref_slice %arg11[%mul3A_274] : memref<65536xf32, #tpu.memory_space<vmem>> -> memref<2048xf32, #tpu.memory_space<vmem>>
      %dma_start3A_287 = tpu.memref_slice %arg5[%mul3A_286] : memref<2097152xf32, #tpu.memory_space<hbm>> -> memref<2048xf32, #tpu.memory_space<hbm>>
      %dma_start3A_288 = tpu.memref_slice %arg5[%mul3A_286] : memref<2097152xf32, #tpu.memory_space<hbm>> -> memref<2048xf32, #tpu.memory_space<hbm>>
      %dma_start3A_289 = tpu.memref_slice %arg11[%mul3A_274] : memref<65536xf32, #tpu.memory_space<vmem>> -> memref<2048xf32, #tpu.memory_space<vmem>>
      tpu.enqueue_dma source(%dma_start3A_289 : memref<2048xf32, #tpu.memory_space<vmem>>) target(%dma_start3A_288 : memref<2048xf32, #tpu.memory_space<hbm>>) target_semaphore(%arg16 : memref<!tpu.dma_semaphore, #tpu.memory_space<semaphore_mem>>)
      %scan3A_290 = arith.constant 0 : i32
      %scan3A_291 = arith.constant 0 : i32
      %scan3A_292 = arith.constant 8 : i32
      %scan3A_293 = arith.addi %scan3A_291, %scan3A_292 : i32
      %scan3A_294 = arith.constant 1 : i32
      %scan3A_295 = scf.for %scan3A_372 = %scan3A_291 to %scan3A_293 step %scan3A_294 iter_args(%scan3A_373 = %scan3A_290) -> (i32)  : i32 {
        %mul3A_374 = arith.constant 16 : i32
        %mul3A_375 = arith.muli %scan3A_372, %mul3A_374 : i32
        %get3A = arith.index_cast %mul3A_375 : i32 to index
        %get3A_376 = tpu.vector_load %arg13[%get3A] {strides = array<i32>} : memref<128xi32, #tpu.memory_space<vmem>>, vector<16xi32>,
        %swap3A = arith.index_cast %add3A_272 : i32 to index
        %swap3A_377 = arith.index_cast %mul3A_375 : i32 to index
        %swap3A_378 = tpu.vector_load %arg14[%swap3A, %swap3A_377] {strides = array<i32>} : memref<32x128xi32, #tpu.memory_space<vmem>>, vector<16xi32>,
        tpu.vector_store %arg14[%swap3A, %swap3A_377], %get3A_376 {strides = array<i32>} : memref<32x128xi32, #tpu.memory_space<vmem>>, vector<16xi32>,
        %scan3A_379 = arith.constant 0 : i32
        scf.yield %scan3A_379 : i32
      }
      %scan3A_296 = arith.constant 8 : i32
      %add3A_297 = arith.constant 15 : i32
      %add3A_298 = arith.addi %scan3A_21, %add3A_297 : i32
      %jit3A_299 = arith.constant 16 : i32
      %div3A_300 = arith.divsi %add3A_298, %jit3A_299 : i32
      %sign3A_301 = arith.constant 0 : i32
      %sign3A_302 = arith.cmpi sgt, %add3A_298, %sign3A_301 : i32
      %sign3A_303 = arith.extui %sign3A_302 : i1 to i32
      %sign3A_304 = arith.constant 0 : i32
      %sign3A_305 = arith.cmpi slt, %add3A_298, %sign3A_304 : i32
      %sign3A_306 = arith.extui %sign3A_305 : i1 to i32
      %sign3A_307 = arith.subi %sign3A_303, %sign3A_306 : i32
      %sign3A_308 = arith.constant 0 : i32
      %sign3A_309 = arith.cmpi sgt, %jit3A_299, %sign3A_308 : i32
      %sign3A_310 = arith.extui %sign3A_309 : i1 to i32
      %sign3A_311 = arith.constant 0 : i32
      %sign3A_312 = arith.cmpi slt, %jit3A_299, %sign3A_311 : i32
      %sign3A_313 = arith.extui %sign3A_312 : i1 to i32
      %sign3A_314 = arith.subi %sign3A_310, %sign3A_313 : i32
      %ne3A_315 = arith.cmpi ne, %sign3A_307, %sign3A_314 : i32
      %rem3A_316 = arith.remsi %add3A_298, %jit3A_299 : i32
      %ne3A_317 = arith.constant 0 : i32
      %ne3A_318 = arith.cmpi ne, %rem3A_316, %ne3A_317 : i32
      %and3A_319 = arith.andi %ne3A_315, %ne3A_318 : i1
      %sub3A_320 = arith.constant 1 : i32
      %sub3A_321 = arith.subi %div3A_300, %sub3A_320 : i32
      %select_n3A_322 = arith.select %and3A_319, %sub3A_321, %div3A_300 : i32
      %while3A_323 = arith.constant 0 : i32
      %while3A_324 = arith.constant 0 : i32
      %while3A_325 = arith.subi %select_n3A_322, %while3A_323 : i32
      %while3A_326 = arith.addi %while3A_323, %while3A_325 : i32
      %while3A_327 = arith.constant 1 : i32
      %while3A_328 = arith.divsi %while3A_325, %while3A_327 : i32
      %while3A_329 = arith.muli %while3A_328, %while3A_327 : i32
      %while3A_330 = arith.addi %while3A_323, %while3A_329 : i32
      %while3A_331 = arith.constant 1 : i32
      %while3A_332 = scf.for %while3A_372 = %while3A_323 to %while3A_330 step %while3A_331 iter_args(%while3A_373 = %while3A_324) -> (i32)  : i32 {
        %mul3A_374 = arith.constant 16 : i32
        %mul3A_375 = arith.muli %while3A_372, %mul3A_374 : i32
        %add3A_376 = vector.broadcast %mul3A_375 : i32 to vector<16xi32>
        %add3A_377 = arith.addi %add3A_376, %iota3A : vector<16xi32>
        %mul3A_378 = arith.constant 16 : i32
        %mul3A_379 = arith.muli %while3A_372, %mul3A_378 : i32
        %get3A = arith.index_cast %mul3A_379 : i32 to index
        %get3A_380 = tpu.vector_load %arg9[%get3A] {strides = array<i32>} : memref<1040xi32, #tpu.memory_space<vmem>>, vector<16xi32>,
        %shift_right_arithmetic3A = arith.constant 21 : i32
        %shift_right_arithmetic3A_381 = vector.broadcast %shift_right_arithmetic3A : i32 to vector<16xi32>
        %shift_right_arithmetic3A_382 = arith.shrsi %get3A_380, %shift_right_arithmetic3A_381 : vector<16xi32>
        %sub3A_383 = arith.subi %add3A_43, %mul3A_2 : i32
        %lt3A_384 = vector.broadcast %scan3A_21 : i32 to vector<16xi32>
        %lt3A_385 = arith.cmpi slt, %add3A_377, %lt3A_384 : vector<16xi32>
        %ge3A = vector.broadcast %sub3A_383 : i32 to vector<16xi32>
        %ge3A_386 = arith.cmpi sge, %shift_right_arithmetic3A_382, %ge3A : vector<16xi32>
        %and3A_387 = arith.andi %lt3A_385, %ge3A_386 : vector<16xi1>
        %add3A_388 = arith.constant 16 : i32
        %add3A_389 = arith.addi %sub3A_383, %add3A_388 : i32
        %lt3A_390 = vector.broadcast %add3A_389 : i32 to vector<16xi32>
        %lt3A_391 = arith.cmpi slt, %shift_right_arithmetic3A_382, %lt3A_390 : vector<16xi32>
        %and3A_392 = arith.andi %and3A_387, %lt3A_391 : vector<16xi1>
        %min3A_393 = arith.constant 112 : i32
        %min3A_394 = arith.minsi %while3A_373, %min3A_393 : i32
        %swap3A = arith.index_cast %min3A_394 : i32 to index
        %swap3A_395 = tpu.vector_load %arg12[%swap3A] masked %and3A_392 {strides = array<i32>} : memref<128xi32, #tpu.memory_space<vmem>>, vector<16xi32>, vector<16xi1>
        tpu.vector_store %arg12[%swap3A], %get3A_380 masked %and3A_392 {strides = array<i32>} : memref<128xi32, #tpu.memory_space<vmem>>, vector<16xi32>, vector<16xi1>
        %all_reduce_population_count3A = tpu.all_reduce %and3A_392 {dim = 0 : i64, kind = #tpu.reduction_kind<sum>} : vector<16xi1> -> vector<16xi32>
        %slice3A = vector.extract_strided_slice %all_reduce_population_count3A {offsets = [0], sizes = [1], strides = [1]} : vector<16xi32> to vector<1xi32>
        %squeeze3A = vector.extract %slice3A[0] : i32 from vector<1xi32>
        %add3A_396 = arith.addi %while3A_373, %squeeze3A : i32
        scf.yield %add3A_396 : i32
      }
      %while3A_333 = arith.constant 1 : i32
      %while3A_334 = scf.for %while3A_372 = %while3A_330 to %while3A_326 step %while3A_333 iter_args(%while3A_373 = %while3A_332) -> (i32)  : i32 {
        %mul3A_374 = arith.constant 16 : i32
        %mul3A_375 = arith.muli %while3A_372, %mul3A_374 : i32
        %add3A_376 = vector.broadcast %mul3A_375 : i32 to vector<16xi32>
        %add3A_377 = arith.addi %add3A_376, %iota3A : vector<16xi32>
        %mul3A_378 = arith.constant 16 : i32
        %mul3A_379 = arith.muli %while3A_372, %mul3A_378 : i32
        %get3A = arith.index_cast %mul3A_379 : i32 to index
        %get3A_380 = tpu.vector_load %arg9[%get3A] {strides = array<i32>} : memref<1040xi32, #tpu.memory_space<vmem>>, vector<16xi32>,
        %shift_right_arithmetic3A = arith.constant 21 : i32
        %shift_right_arithmetic3A_381 = vector.broadcast %shift_right_arithmetic3A : i32 to vector<16xi32>
        %shift_right_arithmetic3A_382 = arith.shrsi %get3A_380, %shift_right_arithmetic3A_381 : vector<16xi32>
        %sub3A_383 = arith.subi %add3A_43, %mul3A_2 : i32
        %lt3A_384 = vector.broadcast %scan3A_21 : i32 to vector<16xi32>
        %lt3A_385 = arith.cmpi slt, %add3A_377, %lt3A_384 : vector<16xi32>
        %ge3A = vector.broadcast %sub3A_383 : i32 to vector<16xi32>
        %ge3A_386 = arith.cmpi sge, %shift_right_arithmetic3A_382, %ge3A : vector<16xi32>
        %and3A_387 = arith.andi %lt3A_385, %ge3A_386 : vector<16xi1>
        %add3A_388 = arith.constant 16 : i32
        %add3A_389 = arith.addi %sub3A_383, %add3A_388 : i32
        %lt3A_390 = vector.broadcast %add3A_389 : i32 to vector<16xi32>
        %lt3A_391 = arith.cmpi slt, %shift_right_arithmetic3A_382, %lt3A_390 : vector<16xi32>
        %and3A_392 = arith.andi %and3A_387, %lt3A_391 : vector<16xi1>
        %min3A_393 = arith.constant 112 : i32
        %min3A_394 = arith.minsi %while3A_373, %min3A_393 : i32
        %swap3A = arith.index_cast %min3A_394 : i32 to index
        %swap3A_395 = tpu.vector_load %arg12[%swap3A] masked %and3A_392 {strides = array<i32>} : memref<128xi32, #tpu.memory_space<vmem>>, vector<16xi32>, vector<16xi1>
        tpu.vector_store %arg12[%swap3A], %get3A_380 masked %and3A_392 {strides = array<i32>} : memref<128xi32, #tpu.memory_space<vmem>>, vector<16xi32>, vector<16xi1>
        %all_reduce_population_count3A = tpu.all_reduce %and3A_392 {dim = 0 : i64, kind = #tpu.reduction_kind<sum>} : vector<16xi1> -> vector<16xi32>
        %slice3A = vector.extract_strided_slice %all_reduce_population_count3A {offsets = [0], sizes = [1], strides = [1]} : vector<16xi32> to vector<1xi32>
        %squeeze3A = vector.extract %slice3A[0] : i32 from vector<1xi32>
        %add3A_396 = arith.addi %while3A_373, %squeeze3A : i32
        scf.yield %add3A_396 : i32
      }
      %scan3A_335 = arith.constant 0 : i32
      %scan3A_336 = arith.constant 0 : i32
      %scan3A_337 = arith.constant 8 : i32
      %scan3A_338 = arith.addi %scan3A_336, %scan3A_337 : i32
      %scan3A_339 = arith.constant 1 : i32
      %scan3A_340 = scf.for %scan3A_372 = %scan3A_336 to %scan3A_338 step %scan3A_339 iter_args(%scan3A_373 = %scan3A_335) -> (i32)  : i32 {
        %mul3A_374 = arith.constant 16 : i32
        %mul3A_375 = arith.muli %scan3A_372, %mul3A_374 : i32
        %mul3A_376 = arith.constant 16 : i32
        %mul3A_377 = arith.muli %scan3A_372, %mul3A_376 : i32
        %add3A_378 = vector.broadcast %mul3A_377 : i32 to vector<16xi32>
        %add3A_379 = arith.addi %add3A_378, %iota3A : vector<16xi32>
        %ge3A = vector.broadcast %while3A_334 : i32 to vector<16xi32>
        %ge3A_380 = arith.cmpi sge, %add3A_379, %ge3A : vector<16xi32>
        %get3A = arith.index_cast %mul3A_375 : i32 to index
        %get3A_381 = tpu.vector_load %arg12[%get3A] {strides = array<i32>} : memref<128xi32, #tpu.memory_space<vmem>>, vector<16xi32>,
        %jit3A_382 = arith.constant 0 : i32
        %broadcast_in_dim3A = vector.broadcast %jit3A_382 : i32 to vector<16xi32>
        %select_n3A_383 = arith.select %ge3A_380, %broadcast_in_dim3A, %get3A_381 : vector<16xi1>, vector<16xi32>
        %swap3A = arith.index_cast %mul3A_375 : i32 to index
        %swap3A_384 = tpu.vector_load %arg12[%swap3A] {strides = array<i32>} : memref<128xi32, #tpu.memory_space<vmem>>, vector<16xi32>,
        tpu.vector_store %arg12[%swap3A], %select_n3A_383 {strides = array<i32>} : memref<128xi32, #tpu.memory_space<vmem>>, vector<16xi32>,
        %mul3A_385 = arith.constant 128 : i32
        %mul3A_386 = arith.muli %add3A, %mul3A_385 : i32
        %add3A_387 = arith.constant 16384 : i32
        %add3A_388 = arith.addi %add3A_387, %mul3A_386 : i32
        %add3A_389 = vector.broadcast %add3A_388 : i32 to vector<16xi32>
        %add3A_390 = arith.addi %add3A_389, %add3A_379 : vector<16xi32>
        %and3A_391 = arith.constant 16383 : i32
        %and3A_392 = vector.broadcast %and3A_391 : i32 to vector<16xi32>
        %and3A_393 = arith.andi %select_n3A_383, %and3A_392 : vector<16xi32>
        %select_n3A_394 = arith.select %ge3A_380, %add3A_390, %and3A_393 : vector<16xi1>, vector<16xi32>
        %swap3A_395 = arith.index_cast %mul3A_375 : i32 to index
        %swap3A_396 = tpu.vector_load %arg13[%swap3A_395] {strides = array<i32>} : memref<128xi32, #tpu.memory_space<vmem>>, vector<16xi32>,
        tpu.vector_store %arg13[%swap3A_395], %select_n3A_394 {strides = array<i32>} : memref<128xi32, #tpu.memory_space<vmem>>, vector<16xi32>,
        %scan3A_397 = arith.constant 0 : i32
        scf.yield %scan3A_397 : i32
      }
      %scan3A_341 = arith.constant 8 : i32
      %mul3A_342 = arith.constant 2 : i32
      %mul3A_343 = arith.muli %scan3A_39, %mul3A_342 : i32
      %add3A_344 = arith.constant 1 : i32
      %add3A_345 = arith.addi %mul3A_343, %add3A_344 : i32
      %mul3A_346 = arith.constant 2048 : i32
      %mul3A_347 = arith.muli %add3A_345, %mul3A_346 : i32
      %scan3A_348 = arith.constant 0 : i32
      %scan3A_349 = arith.constant 0 : i32
      %scan3A_350 = arith.constant 8 : i32
      %scan3A_351 = arith.addi %scan3A_349, %scan3A_350 : i32
      %scan3A_352 = arith.constant 1 : i32
      %scan3A_353 = scf.for %scan3A_372 = %scan3A_349 to %scan3A_351 step %scan3A_352 iter_args(%scan3A_373 = %scan3A_348) -> (i32)  : i32 {
        %mul3A_374 = arith.constant 16 : i32
        %mul3A_375 = arith.muli %scan3A_372, %mul3A_374 : i32
        %add3A_376 = vector.broadcast %mul3A_375 : i32 to vector<16xi32>
        %add3A_377 = arith.addi %add3A_376, %iota3A : vector<16xi32>
        %mul3A_378 = arith.constant 16 : i32
        %mul3A_379 = arith.muli %scan3A_372, %mul3A_378 : i32
        %get3A = arith.index_cast %mul3A_379 : i32 to index
        %get3A_380 = tpu.vector_load %arg12[%get3A] {strides = array<i32>} : memref<128xi32, #tpu.memory_space<vmem>>, vector<16xi32>,
        %shift_right_arithmetic3A = arith.constant 21 : i32
        %shift_right_arithmetic3A_381 = vector.broadcast %shift_right_arithmetic3A : i32 to vector<16xi32>
        %shift_right_arithmetic3A_382 = arith.shrsi %get3A_380, %shift_right_arithmetic3A_381 : vector<16xi32>
        %sub3A_383 = arith.subi %add3A_43, %mul3A_2 : i32
        %sub3A_384 = vector.broadcast %sub3A_383 : i32 to vector<16xi32>
        %sub3A_385 = arith.subi %shift_right_arithmetic3A_382, %sub3A_384 : vector<16xi32>
        %jit3A_386 = arith.constant 0 : i32
        %jit3A_387 = arith.constant 15 : i32
        %max3A = vector.broadcast %jit3A_386 : i32 to vector<16xi32>
        %max3A_388 = arith.maxsi %max3A, %sub3A_385 : vector<16xi32>
        %min3A_389 = vector.broadcast %jit3A_387 : i32 to vector<16xi32>
        %min3A_390 = arith.minsi %min3A_389, %max3A_388 : vector<16xi32>
        %shift_right_arithmetic3A_391 = arith.constant 14 : i32
        %shift_right_arithmetic3A_392 = vector.broadcast %shift_right_arithmetic3A_391 : i32 to vector<16xi32>
        %shift_right_arithmetic3A_393 = arith.shrsi %get3A_380, %shift_right_arithmetic3A_392 : vector<16xi32>
        %and3A_394 = arith.constant 127 : i32
        %and3A_395 = vector.broadcast %and3A_394 : i32 to vector<16xi32>
        %and3A_396 = arith.andi %shift_right_arithmetic3A_393, %and3A_395 : vector<16xi32>
        %broadcast_in_dim3A = arith.constant 0 : i32
        %broadcast_in_dim3A_397 = vector.broadcast %broadcast_in_dim3A : i32 to vector<16xi32>
        %gather3A = tpu.vector_load_idx %arg10[%min3A_390, %broadcast_in_dim3A_397, %and3A_396] : memref<16x16x128xf32, #tpu.memory_space<vmem>>[vector<16xi32>, vector<16xi32>, vector<16xi32>], vector<16xf32>,
        %mul3A_398 = arith.constant 16 : i32
        %mul3A_399 = vector.broadcast %mul3A_398 : i32 to vector<16xi32>
        %mul3A_400 = arith.muli %add3A_377, %mul3A_399 : vector<16xi32>
        %add3A_401 = vector.broadcast %mul3A_347 : i32 to vector<16xi32>
        %add3A_402 = arith.addi %add3A_401, %mul3A_400 : vector<16xi32>
        %add3A_403 = arith.constant 0 : i32
        %add3A_404 = vector.broadcast %add3A_403 : i32 to vector<16xi32>
        %add3A_405 = arith.addi %add3A_402, %add3A_404 : vector<16xi32>
        tpu.vector_store_idx %arg11[%add3A_405], %gather3A : memref<65536xf32, #tpu.memory_space<vmem>>[vector<16xi32>], vector<16xf32>,
        %broadcast_in_dim3A_406 = arith.constant 1 : i32
        %broadcast_in_dim3A_407 = vector.broadcast %broadcast_in_dim3A_406 : i32 to vector<16xi32>
        %gather3A_408 = tpu.vector_load_idx %arg10[%min3A_390, %broadcast_in_dim3A_407, %and3A_396] : memref<16x16x128xf32, #tpu.memory_space<vmem>>[vector<16xi32>, vector<16xi32>, vector<16xi32>], vector<16xf32>,
        %mul3A_409 = arith.constant 16 : i32
        %mul3A_410 = vector.broadcast %mul3A_409 : i32 to vector<16xi32>
        %mul3A_411 = arith.muli %add3A_377, %mul3A_410 : vector<16xi32>
        %add3A_412 = vector.broadcast %mul3A_347 : i32 to vector<16xi32>
        %add3A_413 = arith.addi %add3A_412, %mul3A_411 : vector<16xi32>
        %add3A_414 = arith.constant 1 : i32
        %add3A_415 = vector.broadcast %add3A_414 : i32 to vector<16xi32>
        %add3A_416 = arith.addi %add3A_413, %add3A_415 : vector<16xi32>
        tpu.vector_store_idx %arg11[%add3A_416], %gather3A_408 : memref<65536xf32, #tpu.memory_space<vmem>>[vector<16xi32>], vector<16xf32>,
        %broadcast_in_dim3A_417 = arith.constant 2 : i32
        %broadcast_in_dim3A_418 = vector.broadcast %broadcast_in_dim3A_417 : i32 to vector<16xi32>
        %gather3A_419 = tpu.vector_load_idx %arg10[%min3A_390, %broadcast_in_dim3A_418, %and3A_396] : memref<16x16x128xf32, #tpu.memory_space<vmem>>[vector<16xi32>, vector<16xi32>, vector<16xi32>], vector<16xf32>,
        %mul3A_420 = arith.constant 16 : i32
        %mul3A_421 = vector.broadcast %mul3A_420 : i32 to vector<16xi32>
        %mul3A_422 = arith.muli %add3A_377, %mul3A_421 : vector<16xi32>
        %add3A_423 = vector.broadcast %mul3A_347 : i32 to vector<16xi32>
        %add3A_424 = arith.addi %add3A_423, %mul3A_422 : vector<16xi32>
        %add3A_425 = arith.constant 2 : i32
        %add3A_426 = vector.broadcast %add3A_425 : i32 to vector<16xi32>
        %add3A_427 = arith.addi %add3A_424, %add3A_426 : vector<16xi32>
        tpu.vector_store_idx %arg11[%add3A_427], %gather3A_419 : memref<65536xf32, #tpu.memory_space<vmem>>[vector<16xi32>], vector<16xf32>,
        %broadcast_in_dim3A_428 = arith.constant 3 : i32
        %broadcast_in_dim3A_429 = vector.broadcast %broadcast_in_dim3A_428 : i32 to vector<16xi32>
        %gather3A_430 = tpu.vector_load_idx %arg10[%min3A_390, %broadcast_in_dim3A_429, %and3A_396] : memref<16x16x128xf32, #tpu.memory_space<vmem>>[vector<16xi32>, vector<16xi32>, vector<16xi32>], vector<16xf32>,
        %mul3A_431 = arith.constant 16 : i32
        %mul3A_432 = vector.broadcast %mul3A_431 : i32 to vector<16xi32>
        %mul3A_433 = arith.muli %add3A_377, %mul3A_432 : vector<16xi32>
        %add3A_434 = vector.broadcast %mul3A_347 : i32 to vector<16xi32>
        %add3A_435 = arith.addi %add3A_434, %mul3A_433 : vector<16xi32>
        %add3A_436 = arith.constant 3 : i32
        %add3A_437 = vector.broadcast %add3A_436 : i32 to vector<16xi32>
        %add3A_438 = arith.addi %add3A_435, %add3A_437 : vector<16xi32>
        tpu.vector_store_idx %arg11[%add3A_438], %gather3A_430 : memref<65536xf32, #tpu.memory_space<vmem>>[vector<16xi32>], vector<16xf32>,
        %broadcast_in_dim3A_439 = arith.constant 4 : i32
        %broadcast_in_dim3A_440 = vector.broadcast %broadcast_in_dim3A_439 : i32 to vector<16xi32>
        %gather3A_441 = tpu.vector_load_idx %arg10[%min3A_390, %broadcast_in_dim3A_440, %and3A_396] : memref<16x16x128xf32, #tpu.memory_space<vmem>>[vector<16xi32>, vector<16xi32>, vector<16xi32>], vector<16xf32>,
        %mul3A_442 = arith.constant 16 : i32
        %mul3A_443 = vector.broadcast %mul3A_442 : i32 to vector<16xi32>
        %mul3A_444 = arith.muli %add3A_377, %mul3A_443 : vector<16xi32>
        %add3A_445 = vector.broadcast %mul3A_347 : i32 to vector<16xi32>
        %add3A_446 = arith.addi %add3A_445, %mul3A_444 : vector<16xi32>
        %add3A_447 = arith.constant 4 : i32
        %add3A_448 = vector.broadcast %add3A_447 : i32 to vector<16xi32>
        %add3A_449 = arith.addi %add3A_446, %add3A_448 : vector<16xi32>
        tpu.vector_store_idx %arg11[%add3A_449], %gather3A_441 : memref<65536xf32, #tpu.memory_space<vmem>>[vector<16xi32>], vector<16xf32>,
        %broadcast_in_dim3A_450 = arith.constant 5 : i32
        %broadcast_in_dim3A_451 = vector.broadcast %broadcast_in_dim3A_450 : i32 to vector<16xi32>
        %gather3A_452 = tpu.vector_load_idx %arg10[%min3A_390, %broadcast_in_dim3A_451, %and3A_396] : memref<16x16x128xf32, #tpu.memory_space<vmem>>[vector<16xi32>, vector<16xi32>, vector<16xi32>], vector<16xf32>,
        %mul3A_453 = arith.constant 16 : i32
        %mul3A_454 = vector.broadcast %mul3A_453 : i32 to vector<16xi32>
        %mul3A_455 = arith.muli %add3A_377, %mul3A_454 : vector<16xi32>
        %add3A_456 = vector.broadcast %mul3A_347 : i32 to vector<16xi32>
        %add3A_457 = arith.addi %add3A_456, %mul3A_455 : vector<16xi32>
        %add3A_458 = arith.constant 5 : i32
        %add3A_459 = vector.broadcast %add3A_458 : i32 to vector<16xi32>
        %add3A_460 = arith.addi %add3A_457, %add3A_459 : vector<16xi32>
        tpu.vector_store_idx %arg11[%add3A_460], %gather3A_452 : memref<65536xf32, #tpu.memory_space<vmem>>[vector<16xi32>], vector<16xf32>,
        %broadcast_in_dim3A_461 = arith.constant 6 : i32
        %broadcast_in_dim3A_462 = vector.broadcast %broadcast_in_dim3A_461 : i32 to vector<16xi32>
        %gather3A_463 = tpu.vector_load_idx %arg10[%min3A_390, %broadcast_in_dim3A_462, %and3A_396] : memref<16x16x128xf32, #tpu.memory_space<vmem>>[vector<16xi32>, vector<16xi32>, vector<16xi32>], vector<16xf32>,
        %mul3A_464 = arith.constant 16 : i32
        %mul3A_465 = vector.broadcast %mul3A_464 : i32 to vector<16xi32>
        %mul3A_466 = arith.muli %add3A_377, %mul3A_465 : vector<16xi32>
        %add3A_467 = vector.broadcast %mul3A_347 : i32 to vector<16xi32>
        %add3A_468 = arith.addi %add3A_467, %mul3A_466 : vector<16xi32>
        %add3A_469 = arith.constant 6 : i32
        %add3A_470 = vector.broadcast %add3A_469 : i32 to vector<16xi32>
        %add3A_471 = arith.addi %add3A_468, %add3A_470 : vector<16xi32>
        tpu.vector_store_idx %arg11[%add3A_471], %gather3A_463 : memref<65536xf32, #tpu.memory_space<vmem>>[vector<16xi32>], vector<16xf32>,
        %broadcast_in_dim3A_472 = arith.constant 7 : i32
        %broadcast_in_dim3A_473 = vector.broadcast %broadcast_in_dim3A_472 : i32 to vector<16xi32>
        %gather3A_474 = tpu.vector_load_idx %arg10[%min3A_390, %broadcast_in_dim3A_473, %and3A_396] : memref<16x16x128xf32, #tpu.memory_space<vmem>>[vector<16xi32>, vector<16xi32>, vector<16xi32>], vector<16xf32>,
        %mul3A_475 = arith.constant 16 : i32
        %mul3A_476 = vector.broadcast %mul3A_475 : i32 to vector<16xi32>
        %mul3A_477 = arith.muli %add3A_377, %mul3A_476 : vector<16xi32>
        %add3A_478 = vector.broadcast %mul3A_347 : i32 to vector<16xi32>
        %add3A_479 = arith.addi %add3A_478, %mul3A_477 : vector<16xi32>
        %add3A_480 = arith.constant 7 : i32
        %add3A_481 = vector.broadcast %add3A_480 : i32 to vector<16xi32>
        %add3A_482 = arith.addi %add3A_479, %add3A_481 : vector<16xi32>
        tpu.vector_store_idx %arg11[%add3A_482], %gather3A_474 : memref<65536xf32, #tpu.memory_space<vmem>>[vector<16xi32>], vector<16xf32>,
        %broadcast_in_dim3A_483 = arith.constant 8 : i32
        %broadcast_in_dim3A_484 = vector.broadcast %broadcast_in_dim3A_483 : i32 to vector<16xi32>
        %gather3A_485 = tpu.vector_load_idx %arg10[%min3A_390, %broadcast_in_dim3A_484, %and3A_396] : memref<16x16x128xf32, #tpu.memory_space<vmem>>[vector<16xi32>, vector<16xi32>, vector<16xi32>], vector<16xf32>,
        %mul3A_486 = arith.constant 16 : i32
        %mul3A_487 = vector.broadcast %mul3A_486 : i32 to vector<16xi32>
        %mul3A_488 = arith.muli %add3A_377, %mul3A_487 : vector<16xi32>
        %add3A_489 = vector.broadcast %mul3A_347 : i32 to vector<16xi32>
        %add3A_490 = arith.addi %add3A_489, %mul3A_488 : vector<16xi32>
        %add3A_491 = arith.constant 8 : i32
        %add3A_492 = vector.broadcast %add3A_491 : i32 to vector<16xi32>
        %add3A_493 = arith.addi %add3A_490, %add3A_492 : vector<16xi32>
        tpu.vector_store_idx %arg11[%add3A_493], %gather3A_485 : memref<65536xf32, #tpu.memory_space<vmem>>[vector<16xi32>], vector<16xf32>,
        %broadcast_in_dim3A_494 = arith.constant 9 : i32
        %broadcast_in_dim3A_495 = vector.broadcast %broadcast_in_dim3A_494 : i32 to vector<16xi32>
        %gather3A_496 = tpu.vector_load_idx %arg10[%min3A_390, %broadcast_in_dim3A_495, %and3A_396] : memref<16x16x128xf32, #tpu.memory_space<vmem>>[vector<16xi32>, vector<16xi32>, vector<16xi32>], vector<16xf32>,
        %mul3A_497 = arith.constant 16 : i32
        %mul3A_498 = vector.broadcast %mul3A_497 : i32 to vector<16xi32>
        %mul3A_499 = arith.muli %add3A_377, %mul3A_498 : vector<16xi32>
        %add3A_500 = vector.broadcast %mul3A_347 : i32 to vector<16xi32>
        %add3A_501 = arith.addi %add3A_500, %mul3A_499 : vector<16xi32>
        %add3A_502 = arith.constant 9 : i32
        %add3A_503 = vector.broadcast %add3A_502 : i32 to vector<16xi32>
        %add3A_504 = arith.addi %add3A_501, %add3A_503 : vector<16xi32>
        tpu.vector_store_idx %arg11[%add3A_504], %gather3A_496 : memref<65536xf32, #tpu.memory_space<vmem>>[vector<16xi32>], vector<16xf32>,
        %broadcast_in_dim3A_505 = arith.constant 10 : i32
        %broadcast_in_dim3A_506 = vector.broadcast %broadcast_in_dim3A_505 : i32 to vector<16xi32>
        %gather3A_507 = tpu.vector_load_idx %arg10[%min3A_390, %broadcast_in_dim3A_506, %and3A_396] : memref<16x16x128xf32, #tpu.memory_space<vmem>>[vector<16xi32>, vector<16xi32>, vector<16xi32>], vector<16xf32>,
        %mul3A_508 = arith.constant 16 : i32
        %mul3A_509 = vector.broadcast %mul3A_508 : i32 to vector<16xi32>
        %mul3A_510 = arith.muli %add3A_377, %mul3A_509 : vector<16xi32>
        %add3A_511 = vector.broadcast %mul3A_347 : i32 to vector<16xi32>
        %add3A_512 = arith.addi %add3A_511, %mul3A_510 : vector<16xi32>
        %add3A_513 = arith.constant 10 : i32
        %add3A_514 = vector.broadcast %add3A_513 : i32 to vector<16xi32>
        %add3A_515 = arith.addi %add3A_512, %add3A_514 : vector<16xi32>
        tpu.vector_store_idx %arg11[%add3A_515], %gather3A_507 : memref<65536xf32, #tpu.memory_space<vmem>>[vector<16xi32>], vector<16xf32>,
        %broadcast_in_dim3A_516 = arith.constant 11 : i32
        %broadcast_in_dim3A_517 = vector.broadcast %broadcast_in_dim3A_516 : i32 to vector<16xi32>
        %gather3A_518 = tpu.vector_load_idx %arg10[%min3A_390, %broadcast_in_dim3A_517, %and3A_396] : memref<16x16x128xf32, #tpu.memory_space<vmem>>[vector<16xi32>, vector<16xi32>, vector<16xi32>], vector<16xf32>,
        %mul3A_519 = arith.constant 16 : i32
        %mul3A_520 = vector.broadcast %mul3A_519 : i32 to vector<16xi32>
        %mul3A_521 = arith.muli %add3A_377, %mul3A_520 : vector<16xi32>
        %add3A_522 = vector.broadcast %mul3A_347 : i32 to vector<16xi32>
        %add3A_523 = arith.addi %add3A_522, %mul3A_521 : vector<16xi32>
        %add3A_524 = arith.constant 11 : i32
        %add3A_525 = vector.broadcast %add3A_524 : i32 to vector<16xi32>
        %add3A_526 = arith.addi %add3A_523, %add3A_525 : vector<16xi32>
        tpu.vector_store_idx %arg11[%add3A_526], %gather3A_518 : memref<65536xf32, #tpu.memory_space<vmem>>[vector<16xi32>], vector<16xf32>,
        %broadcast_in_dim3A_527 = arith.constant 12 : i32
        %broadcast_in_dim3A_528 = vector.broadcast %broadcast_in_dim3A_527 : i32 to vector<16xi32>
        %gather3A_529 = tpu.vector_load_idx %arg10[%min3A_390, %broadcast_in_dim3A_528, %and3A_396] : memref<16x16x128xf32, #tpu.memory_space<vmem>>[vector<16xi32>, vector<16xi32>, vector<16xi32>], vector<16xf32>,
        %mul3A_530 = arith.constant 16 : i32
        %mul3A_531 = vector.broadcast %mul3A_530 : i32 to vector<16xi32>
        %mul3A_532 = arith.muli %add3A_377, %mul3A_531 : vector<16xi32>
        %add3A_533 = vector.broadcast %mul3A_347 : i32 to vector<16xi32>
        %add3A_534 = arith.addi %add3A_533, %mul3A_532 : vector<16xi32>
        %add3A_535 = arith.constant 12 : i32
        %add3A_536 = vector.broadcast %add3A_535 : i32 to vector<16xi32>
        %add3A_537 = arith.addi %add3A_534, %add3A_536 : vector<16xi32>
        tpu.vector_store_idx %arg11[%add3A_537], %gather3A_529 : memref<65536xf32, #tpu.memory_space<vmem>>[vector<16xi32>], vector<16xf32>,
        %broadcast_in_dim3A_538 = arith.constant 13 : i32
        %broadcast_in_dim3A_539 = vector.broadcast %broadcast_in_dim3A_538 : i32 to vector<16xi32>
        %gather3A_540 = tpu.vector_load_idx %arg10[%min3A_390, %broadcast_in_dim3A_539, %and3A_396] : memref<16x16x128xf32, #tpu.memory_space<vmem>>[vector<16xi32>, vector<16xi32>, vector<16xi32>], vector<16xf32>,
        %mul3A_541 = arith.constant 16 : i32
        %mul3A_542 = vector.broadcast %mul3A_541 : i32 to vector<16xi32>
        %mul3A_543 = arith.muli %add3A_377, %mul3A_542 : vector<16xi32>
        %add3A_544 = vector.broadcast %mul3A_347 : i32 to vector<16xi32>
        %add3A_545 = arith.addi %add3A_544, %mul3A_543 : vector<16xi32>
        %add3A_546 = arith.constant 13 : i32
        %add3A_547 = vector.broadcast %add3A_546 : i32 to vector<16xi32>
        %add3A_548 = arith.addi %add3A_545, %add3A_547 : vector<16xi32>
        tpu.vector_store_idx %arg11[%add3A_548], %gather3A_540 : memref<65536xf32, #tpu.memory_space<vmem>>[vector<16xi32>], vector<16xf32>,
        %broadcast_in_dim3A_549 = arith.constant 14 : i32
        %broadcast_in_dim3A_550 = vector.broadcast %broadcast_in_dim3A_549 : i32 to vector<16xi32>
        %gather3A_551 = tpu.vector_load_idx %arg10[%min3A_390, %broadcast_in_dim3A_550, %and3A_396] : memref<16x16x128xf32, #tpu.memory_space<vmem>>[vector<16xi32>, vector<16xi32>, vector<16xi32>], vector<16xf32>,
        %mul3A_552 = arith.constant 16 : i32
        %mul3A_553 = vector.broadcast %mul3A_552 : i32 to vector<16xi32>
        %mul3A_554 = arith.muli %add3A_377, %mul3A_553 : vector<16xi32>
        %add3A_555 = vector.broadcast %mul3A_347 : i32 to vector<16xi32>
        %add3A_556 = arith.addi %add3A_555, %mul3A_554 : vector<16xi32>
        %add3A_557 = arith.constant 14 : i32
        %add3A_558 = vector.broadcast %add3A_557 : i32 to vector<16xi32>
        %add3A_559 = arith.addi %add3A_556, %add3A_558 : vector<16xi32>
        tpu.vector_store_idx %arg11[%add3A_559], %gather3A_551 : memref<65536xf32, #tpu.memory_space<vmem>>[vector<16xi32>], vector<16xf32>,
        %broadcast_in_dim3A_560 = arith.constant 15 : i32
        %broadcast_in_dim3A_561 = vector.broadcast %broadcast_in_dim3A_560 : i32 to vector<16xi32>
        %gather3A_562 = tpu.vector_load_idx %arg10[%min3A_390, %broadcast_in_dim3A_561, %and3A_396] : memref<16x16x128xf32, #tpu.memory_space<vmem>>[vector<16xi32>, vector<16xi32>, vector<16xi32>], vector<16xf32>,
        %mul3A_563 = arith.constant 16 : i32
        %mul3A_564 = vector.broadcast %mul3A_563 : i32 to vector<16xi32>
        %mul3A_565 = arith.muli %add3A_377, %mul3A_564 : vector<16xi32>
        %add3A_566 = vector.broadcast %mul3A_347 : i32 to vector<16xi32>
        %add3A_567 = arith.addi %add3A_566, %mul3A_565 : vector<16xi32>
        %add3A_568 = arith.constant 15 : i32
        %add3A_569 = vector.broadcast %add3A_568 : i32 to vector<16xi32>
        %add3A_570 = arith.addi %add3A_567, %add3A_569 : vector<16xi32>
        tpu.vector_store_idx %arg11[%add3A_570], %gather3A_562 : memref<65536xf32, #tpu.memory_space<vmem>>[vector<16xi32>], vector<16xf32>,
        %scan3A_571 = arith.constant 0 : i32
        scf.yield %scan3A_571 : i32
      }
      %scan3A_354 = arith.constant 8 : i32
      %mul3A_355 = arith.constant 32 : i32
      %mul3A_356 = arith.muli %add3A, %mul3A_355 : i32
      %add3A_357 = arith.addi %mul3A_356, %add3A_345 : i32
      %mul3A_358 = arith.constant 2048 : i32
      %mul3A_359 = arith.muli %add3A_357, %mul3A_358 : i32
      %dma_start3A_360 = tpu.memref_slice %arg11[%mul3A_347] : memref<65536xf32, #tpu.memory_space<vmem>> -> memref<2048xf32, #tpu.memory_space<vmem>>
      %dma_start3A_361 = tpu.memref_slice %arg5[%mul3A_359] : memref<2097152xf32, #tpu.memory_space<hbm>> -> memref<2048xf32, #tpu.memory_space<hbm>>
      %dma_start3A_362 = tpu.memref_slice %arg5[%mul3A_359] : memref<2097152xf32, #tpu.memory_space<hbm>> -> memref<2048xf32, #tpu.memory_space<hbm>>
      %dma_start3A_363 = tpu.memref_slice %arg11[%mul3A_347] : memref<65536xf32, #tpu.memory_space<vmem>> -> memref<2048xf32, #tpu.memory_space<vmem>>
      tpu.enqueue_dma source(%dma_start3A_363 : memref<2048xf32, #tpu.memory_space<vmem>>) target(%dma_start3A_362 : memref<2048xf32, #tpu.memory_space<hbm>>) target_semaphore(%arg16 : memref<!tpu.dma_semaphore, #tpu.memory_space<semaphore_mem>>)
      %scan3A_364 = arith.constant 0 : i32
      %scan3A_365 = arith.constant 0 : i32
      %scan3A_366 = arith.constant 8 : i32
      %scan3A_367 = arith.addi %scan3A_365, %scan3A_366 : i32
      %scan3A_368 = arith.constant 1 : i32
      %scan3A_369 = scf.for %scan3A_372 = %scan3A_365 to %scan3A_367 step %scan3A_368 iter_args(%scan3A_373 = %scan3A_364) -> (i32)  : i32 {
        %mul3A_374 = arith.constant 16 : i32
        %mul3A_375 = arith.muli %scan3A_372, %mul3A_374 : i32
        %get3A = arith.index_cast %mul3A_375 : i32 to index
        %get3A_376 = tpu.vector_load %arg13[%get3A] {strides = array<i32>} : memref<128xi32, #tpu.memory_space<vmem>>, vector<16xi32>,
        %swap3A = arith.index_cast %add3A_345 : i32 to index
        %swap3A_377 = arith.index_cast %mul3A_375 : i32 to index
        %swap3A_378 = tpu.vector_load %arg14[%swap3A, %swap3A_377] {strides = array<i32>} : memref<32x128xi32, #tpu.memory_space<vmem>>, vector<16xi32>,
        tpu.vector_store %arg14[%swap3A, %swap3A_377], %get3A_376 {strides = array<i32>} : memref<32x128xi32, #tpu.memory_space<vmem>>, vector<16xi32>,
        %scan3A_379 = arith.constant 0 : i32
        scf.yield %scan3A_379 : i32
      }
      %scan3A_370 = arith.constant 8 : i32
      %scan3A_371 = arith.constant 0 : i32
      scf.yield %scan3A_371 : i32
    }
    %scan3A_29 = arith.constant 16 : i32
    %scan3A_30 = arith.constant 0 : i32
    %scan3A_31 = arith.constant 0 : i32
    %scan3A_32 = arith.constant 32 : i32
    %scan3A_33 = arith.addi %scan3A_31, %scan3A_32 : i32
    %scan3A_34 = arith.constant 1 : i32
    %scan3A_35 = scf.for %scan3A_39 = %scan3A_31 to %scan3A_33 step %scan3A_34 iter_args(%scan3A_40 = %scan3A_30) -> (i32)  : i32 {
      %mul3A_41 = arith.constant 2048 : i32
      %mul3A_42 = arith.muli %scan3A_39, %mul3A_41 : i32
      %mul3A_43 = arith.constant 32 : i32
      %mul3A_44 = arith.muli %add3A, %mul3A_43 : i32
      %add3A_45 = arith.addi %mul3A_44, %scan3A_39 : i32
      %mul3A_46 = arith.constant 2048 : i32
      %mul3A_47 = arith.muli %add3A_45, %mul3A_46 : i32
      %dma_wait3A = tpu.memref_slice %arg11[%mul3A_42] : memref<65536xf32, #tpu.memory_space<vmem>> -> memref<2048xf32, #tpu.memory_space<vmem>>
      %dma_wait3A_48 = tpu.memref_slice %arg5[%mul3A_47] : memref<2097152xf32, #tpu.memory_space<hbm>> -> memref<2048xf32, #tpu.memory_space<hbm>>
      %dma_wait3A_49 = tpu.memref_slice %arg5[%mul3A_47] : memref<2097152xf32, #tpu.memory_space<hbm>> -> memref<2048xf32, #tpu.memory_space<hbm>>
      %dma_wait3A_50 = tpu.memref_slice %arg11[%mul3A_42] : memref<65536xf32, #tpu.memory_space<vmem>> -> memref<2048xf32, #tpu.memory_space<vmem>>
      tpu.wait_dma2 semaphore(%arg16 : memref<!tpu.dma_semaphore, #tpu.memory_space<semaphore_mem>>) src(%dma_wait3A_50 : memref<2048xf32, #tpu.memory_space<vmem>>) dst(%dma_wait3A_49 : memref<2048xf32, #tpu.memory_space<hbm>>)
      %scan3A_51 = arith.constant 0 : i32
      scf.yield %scan3A_51 : i32
    }
    %scan3A_36 = arith.constant 32 : i32
    %mul3A_37 = arith.constant 32 : i32
    %mul3A_38 = arith.muli %add3A, %mul3A_37 : i32
    "tpu.region"() ({
      %run_scoped3A = tpu.sem_alloc : memref<!tpu.dma_semaphore, #tpu.memory_space<semaphore_mem>>
      %dma_start3A = arith.constant 0 : i32
      %dma_start3A_39 = tpu.memref_slice %arg6[%mul3A_38, %dma_start3A] : memref<1024x128xi32, #tpu.memory_space<hbm>> -> memref<32x128xi32, #tpu.memory_space<hbm>>
      %dma_start3A_40 = arith.constant 0 : i32
      %dma_start3A_41 = tpu.memref_slice %arg6[%mul3A_38, %dma_start3A_40] : memref<1024x128xi32, #tpu.memory_space<hbm>> -> memref<32x128xi32, #tpu.memory_space<hbm>>
      tpu.enqueue_dma source(%arg14 : memref<32x128xi32, #tpu.memory_space<vmem>>) target(%dma_start3A_41 : memref<32x128xi32, #tpu.memory_space<hbm>>) target_semaphore(%run_scoped3A : memref<!tpu.dma_semaphore, #tpu.memory_space<semaphore_mem>>)
      %dma_wait3A = arith.constant 0 : i32
      %dma_wait3A_42 = tpu.memref_slice %arg6[%mul3A_38, %dma_wait3A] : memref<1024x128xi32, #tpu.memory_space<hbm>> -> memref<32x128xi32, #tpu.memory_space<hbm>>
      %dma_wait3A_43 = arith.constant 0 : i32
      %dma_wait3A_44 = tpu.memref_slice %arg6[%mul3A_38, %dma_wait3A_43] : memref<1024x128xi32, #tpu.memory_space<hbm>> -> memref<32x128xi32, #tpu.memory_space<hbm>>
      tpu.wait_dma2 semaphore(%run_scoped3A : memref<!tpu.dma_semaphore, #tpu.memory_space<semaphore_mem>>) src(%arg14 : memref<32x128xi32, #tpu.memory_space<vmem>>) dst(%dma_wait3A_44 : memref<32x128xi32, #tpu.memory_space<hbm>>)
      tpu.yield
    }) : () -> ()
    return
  }
}

module attributes {stable_mosaic.version = 14 : i64} {
  func.func @_tc_loss_body(%arg0: memref<128x128xf32, #tpu.memory_space<vmem>>, %arg1: memref<128x128xf32, #tpu.memory_space<vmem>>, %arg2: memref<32x16xf32, #tpu.memory_space<vmem>>, %arg3: memref<1x1xf32, #tpu.memory_space<vmem>>) attributes {dimension_semantics = [], scalar_prefetch = 0 : i64, scratch_operands = 0 : i64, tpu.core_type = #tpu.core_type<tc>} {
    %get3A = arith.constant 0 : index
    %get3A_0 = arith.constant 0 : index
    %get3A_1 = vector.load %arg0[%get3A, %get3A_0] : memref<128x128xf32, #tpu.memory_space<vmem>>, vector<128x128xf32>
    %get3A_2 = arith.constant 0 : index
    %get3A_3 = arith.constant 0 : index
    %get3A_4 = vector.load %arg1[%get3A_2, %get3A_3] : memref<128x128xf32, #tpu.memory_space<vmem>>, vector<128x128xf32>
    %max3A = arith.constant 0.000000e+00 : f32
    %max3A_5 = vector.broadcast %max3A : f32 to vector<128x128xf32>
    %max3A_6 = arith.maximumf %get3A_1, %max3A_5 : vector<128x128xf32>
    %mul3A = arith.mulf %get3A_1, %get3A_4 : vector<128x128xf32>
    %sub3A = arith.subf %max3A_6, %mul3A : vector<128x128xf32>
    %abs3A = math.absf %get3A_1 : vector<128x128xf32>
    %neg3A = arith.constant 0.000000e+00 : f32
    %neg3A_7 = vector.broadcast %neg3A : f32 to vector<128x128xf32>
    %neg3A_8 = arith.subf %neg3A_7, %abs3A : vector<128x128xf32>
    %exp3A = math.exp %neg3A_8 : vector<128x128xf32>
    %log1p3A = math.log1p %exp3A : vector<128x128xf32>
    %add3A = arith.addf %sub3A, %log1p3A : vector<128x128xf32>
    %reduce_sum3A = vector.shape_cast %add3A : vector<128x128xf32> to vector<1x128x128xf32>
    %reduce_sum3A_9 = arith.constant dense<0.000000e+00> : vector<1xf32>
    %reduce_sum3A_10 = vector.multi_reduction <add>, %reduce_sum3A, %reduce_sum3A_9 [1, 2] : vector<1x128x128xf32> to vector<1xf32>
    %reduce_sum3A_11 = vector.shape_cast %reduce_sum3A_10 : vector<1xf32> to vector<1x1x1xf32>
    %reduce_sum3A_12 = vector.extract %reduce_sum3A_11[0, 0, 0] : f32 from vector<1x1x1xf32>
    %div3A = arith.constant 1.638400e+04 : f32
    %div3A_13 = arith.divf %reduce_sum3A_12, %div3A : f32
    %get3A_14 = arith.constant 0 : index
    %get3A_15 = arith.constant 0 : index
    %get3A_16 = vector.load %arg2[%get3A_14, %get3A_15] : memref<32x16xf32, #tpu.memory_space<vmem>>, vector<32x16xf32>
    %reduce_sum3A_17 = vector.shape_cast %get3A_16 : vector<32x16xf32> to vector<1x32x16xf32>
    %reduce_sum3A_18 = arith.constant dense<0.000000e+00> : vector<1xf32>
    %reduce_sum3A_19 = vector.multi_reduction <add>, %reduce_sum3A_17, %reduce_sum3A_18 [1, 2] : vector<1x32x16xf32> to vector<1xf32>
    %reduce_sum3A_20 = vector.shape_cast %reduce_sum3A_19 : vector<1xf32> to vector<1x1x1xf32>
    %reduce_sum3A_21 = vector.extract %reduce_sum3A_20[0, 0, 0] : f32 from vector<1x1x1xf32>
    %mul3A_22 = arith.constant 5.000000e-06 : f32
    %mul3A_23 = arith.mulf %mul3A_22, %reduce_sum3A_21 : f32
    %add3A_24 = arith.addf %div3A_13, %mul3A_23 : f32
    %reshape3A = vector.broadcast %add3A_24 : f32 to vector<1x1xf32>
    %swap3A = arith.constant 0 : index
    %swap3A_25 = arith.constant 0 : index
    %swap3A_26 = vector.load %arg3[%swap3A, %swap3A_25] : memref<1x1xf32, #tpu.memory_space<vmem>>, vector<1x1xf32>
    tpu.vector_store %arg3[%swap3A, %swap3A_25], %reshape3A {strides = array<i32>} : memref<1x1xf32, #tpu.memory_space<vmem>>, vector<1x1xf32>,
    return
  }
}

</mosaic_0001>

<sc_bundles>
// kernel: kernel.12.cloned.1.call-start
scs
__scs_entry_jumppad:
0x0: {  	(pc) =	sbr.rel $0x88, $3  }
0x1: {  	(tag) =	ssettag $0x0;
	lr =	simm.s32 $0x1  }
0x2: {  	[smem:$0x3F9C] =	sst lr;
	_ =	strace $0xD0000000  }
0x3: {  	_ = 	snop  }
0x4: {  	_ = 	snop  }
0x5: {  	_ = 	snop  }
0x6: {  	_ = 	snop  }
0x7: {  	_ = 	snop  }
__scs_overlays_trampoline_lowered:
0x8: {  	[smem:$0x3FAB] =	sst s0  }
0x9: {  	[smem:$0x3FAC] =	sst s1  }
0xa: {  	[smem:$0x3FAD] =	sst s2  }
0xb: {  	[smem:$0x3FAE] =	sst s3  }
0xc: {  	[smem:$0x3FAF] =	sst s4  }
0xd: {  	[smem:$0x3FB0] =	sst s5  }
0xe: {  	[smem:$0x3FB1] =	sst s6  }
0xf: {  	[smem:$0x3FB2] =	sst s7  }
0x10: {  	[smem:$0x3FB3] =	sst s8  }
0x11: {  	[smem:$0x3FB4] =	sst s9;
	s0 =	simm.s32 @!p0 $0x0  }
0x12: {  	s1 =	sld [smem:$0x3F9A];
	s0 =	simm.s32 @p0 $0x1  }
0x13: {  	[smem:$0x3FB5] =	sst s0;
	s0 =	simm.s32 @!p1 $0x0  }
0x14: {  	s2 =	sld [smem:$0x3F99];
	s0 =	simm.s32 @p1 $0x1  }
0x15: {  	[smem:$0x3FB6] =	sst s0;
	s0 =	simm.s32 @!p2 $0x0  }
0x16: {  	s3 =	sld [smem:$0x3FDB];
	s0 =	simm.s32 @p2 $0x1  }
0x17: {  	s4 =	simm.s32 $0x1BF5;
	[smem:$0x3FB8] =	sst s0  }
0x18: {  	s0 =	sld [smem:$0x3F9B];
	_ =	swait.ge [sflag:s4], $0x0  }
0x19: {  	s7 =	sld [smem:$0x3F9C]  }
0x1a: {  	s8 =	sadd.s32 $0xFFFFE003, lr  }
0x1b: {  	s9 =	sadd.s32 $0xFFFFFEF7, lr;
	s5 =	simm.s32 $0xFFFFFFFF;
	p2 =	slt.u32 s8, $0xFFFFF086  }
0x1c: {  	p1 =	slt.u32 s9, $0xF7A;
	s5 =	simm.s32 @!p2 $0x0  }
0x1d: {  	s5 =	simm.s32 @p1 $0x1;
	p0 =	seq.s32 s7, s2  }
0x1e: {  	s7 =	smul.u32 @!p0 $0xF7A, s2;
	p2 =	seq.s32 @!p0 s5, $0x0  }
0x1f: {  	s9 =	smul.u32 $0xF7A, s1;
	s8 =	simm.s32 @!p0 $0x1BF5;
	p2 =	por !p2, p0  }
0x20: {  	[sflag:s8] =	ssyncset.s32 @!p0 $0xFFFFF086;
	s6 =	sadd.s32 @!p0 s3, s7;
	s7 =	simm.s32 @!p0 $0x108  }
0x21: {  	s3 =	sadd.s32 s3, s9;
	s6 =	sadd.s32 @!p0 $0x88, s6;
	s7 =	simm.s32 @p2 $0x1082  }
0x22: {  	[simem:s7], [sflag:s8] =	dma.local @!p0 [hbm:s6], $0xF7A  }
0x23: {  	s9 =	sor.u32 $0xD0000000, s2;
	s6 =	simm.s32 $0x108;
	_ =	swait.ge @!p0 [sflag:s8], $0x0  }
0x24: {  	s3 =	sadd.s32 $0x88, s3;
	s6 =	simm.s32 @!p1 $0x1082;
	[sflag:s4] =	ssyncset.s32 $0xFFFFF086  }
0x25: {  	[simem:s6], [sflag:s4] =	dma.local [hbm:s3], $0xF7A  }
0x26: {  	[smem:$0x3F9C] =	sst s1;
	(tag) =	ssettag s2;
	_ =	strace s9  }
0x27: {  	s1 =	sld [smem:$0x3FAC]  }
0x28: {  	s2 =	sld [smem:$0x3FAD]  }
0x29: {  	s4 =	sld [smem:$0x3FAF]  }
0x2a: {  	p0 =	seq.s32 s5, $0x0;
	s5 =	sld [smem:$0x3FB0]  }
0x2b: {  	s6 =	sld [smem:$0x3FB1]  }
0x2c: {  	s7 =	sld [smem:$0x3FB2]  }
0x2d: {  	s3 =	simm.s32 $0x108;
	s8 =	sld [smem:$0x3FB3]  }
0x2e: {  	s3 =	simm.s32 @!p0 $0x1082;
	s9 =	sld [smem:$0x3FB4]  }
0x2f: {  	lr =	sadd.s32 s0, s3;
	s0 =	sld [smem:$0x3FAB]  }
0x30: {  	s3 =	sld [smem:$0x3FAE]  }
0x31: {  	[smem:$0x3FB7] =	sst s10  }
0x32: {  	s10 =	sld [smem:$0x3FB5];
	_ =	sdelay $0x3  }
0x33: {  	p0 =	seq.s32 s10, $0x1;
	s10 =	sld [smem:$0x3FB7];
	_ =	sdelay $0x3  }
0x34: {  	[smem:$0x3FB7] =	sst s10  }
0x35: {  	s10 =	sld [smem:$0x3FB6];
	_ =	sdelay $0x3  }
0x36: {  	p1 =	seq.s32 s10, $0x1;
	s10 =	sld [smem:$0x3FB7];
	_ =	sdelay $0x3  }
0x37: {  	[smem:$0x3FB7] =	sst s10  }
0x38: {  	s10 =	sld [smem:$0x3FB8]  }
0x39: {  	_ = 	snop;
	(pc) =	sbr.ind lr, $3  }
0x3a: {  	_ = 	snop  }
0x3b: {  	_ = 	snop  }
0x3c: {  	p2 =	seq.s32 s10, $0x1;
	s10 =	sld [smem:$0x3FB7]  }
0x3d: {  	_ =	shalt  }
0x3e: {  	_ =	shalt  }
0x3f: {  	_ =	shalt  }
0x40: {  	_ =	shalt  }
0x41: {  	_ =	shalt  }
0x42: {  	_ =	shalt  }
0x43: {  	_ =	shalt  }
0x44: {  	_ =	shalt  }
0x45: {  	_ =	shalt  }
0x46: {  	_ =	shalt  }
0x47: {  	_ =	shalt  }
0x48: {  	_ =	shalt  }
0x49: {  	_ =	shalt  }
0x4a: {  	_ =	shalt  }
0x4b: {  	_ =	shalt  }
0x4c: {  	_ =	shalt  }
0x4d: {  	_ =	shalt  }
0x4e: {  	_ =	shalt  }
0x4f: {  	_ =	shalt  }
0x50: {  	_ =	shalt  }
0x51: {  	_ =	shalt  }
0x52: {  	_ =	shalt  }
0x53: {  	_ =	shalt  }
0x54: {  	_ =	shalt  }
0x55: {  	_ =	shalt  }
0x56: {  	_ =	shalt  }
0x57: {  	_ =	shalt  }
0x58: {  	_ =	shalt  }
0x59: {  	_ =	shalt  }
0x5a: {  	_ =	shalt  }
0x5b: {  	_ =	shalt  }
0x5c: {  	_ =	shalt  }
0x5d: {  	_ =	shalt  }
0x5e: {  	_ =	shalt  }
0x5f: {  	_ =	shalt  }
0x60: {  	_ =	shalt  }
0x61: {  	_ =	shalt  }
0x62: {  	_ =	shalt  }
0x63: {  	_ =	shalt  }
0x64: {  	_ =	shalt  }
0x65: {  	_ =	shalt  }
0x66: {  	_ =	shalt  }
0x67: {  	_ =	shalt  }
0x68: {  	_ =	shalt  }
0x69: {  	_ =	shalt  }
0x6a: {  	_ =	shalt  }
0x6b: {  	_ =	shalt  }
0x6c: {  	_ =	shalt  }
0x6d: {  	_ =	shalt  }
0x6e: {  	_ =	shalt  }
0x6f: {  	_ =	shalt  }
0x70: {  	_ =	shalt  }
0x71: {  	_ =	shalt  }
0x72: {  	_ =	shalt  }
0x73: {  	_ =	shalt  }
0x74: {  	_ =	shalt  }
0x75: {  	_ =	shalt  }
0x76: {  	_ =	shalt  }
0x77: {  	_ =	shalt  }
0x78: {  	_ =	shalt  }
0x79: {  	_ =	shalt  }
0x7a: {  	_ =	shalt  }
0x7b: {  	_ =	shalt  }
0x7c: {  	_ =	shalt  }
0x7d: {  	_ =	shalt  }
0x7e: {  	_ =	shalt  }
0x7f: {  	_ =	shalt  }
0x80: {  	_ =	shalt  }
0x81: {  	_ =	shalt  }
0x82: {  	_ =	shalt  }
0x83: {  	_ =	shalt  }
0x84: {  	_ =	shalt  }
0x85: {  	_ =	shalt  }
0x86: {  	_ =	shalt  }
0x87: {  	_ =	shalt  }
.Lfunc_end0:
.L_simem_size_0:
called_computation.2_lowered:
.L_overlay_start_0:
0x88: {  	s2 =	sld [smem:$0x3FD9]  }
0x89: {  	s3 =	sld [smem:$0x3FFE];
	_ =	sdelay $0x1  }
0x8a: {  	s1 =	srdreg.scid  }
0x8b: {  	s0 =	sand.u32 $0x1, s1  }
0x8c: {  	s17 =	sshll.u32 s0, $0xA;
	s2 =	sadd.s32 s3, s2  }
0x8d: {  	s2 =	sadd.s32 s2, s17  }
0x8e: {  	[smem:$0x3FC3] =	sst s2  }
0x8f: {  	_ = 	snop  }
0x90: {  	s2 =	sld [smem:$0x3FC9]  }
0x91: {  	s18 =	sld [smem:$0x3FC8]  }
0x92: {  	s4 =	sld [smem:$0x3FC5];
	(tm) =	ssettm $0x1  }
0x93: {  	s5 =	sld [smem:$0x3FFB];
	_ =	sdelay $0x3  }
0x94: {  	_ =	strace s5  }
0x95: {  	s5 =	sld [smem:$0x3FFC];
	_ =	sdelay $0x3  }
0x96: {  	_ =	strace s5  }
0x97: {  	s5 =	sld [smem:$0x3FFD];
	_ =	sdelay $0x3  }
0x98: {  	_ =	strace s5  }
0x99: {  	_ =	strace $0x8FFFFFFF  }
0x9a: {  	s19 =	sld [smem:$0x3FDB];
	_ =	sdelay $0x1  }
0x9b: {  	s6 =	simm.s32 $_scs_section_size  }
0x9c: {  	s7 =	simm.s32 $_size__tile_overlayer_lowered;
	s8 =	simm.s32 $_tile_overlayer_lowered  }
0x9d: {  	s22 =	simm.s32 $0x1BFF;
	s21 =	sshll.u32 s8, $0x1;
	s5 =	sadd.s32 s6, s19  }
0x9e: {  	s9 =	simm.s32 $0x0;
	s20 =	sshll.u32 s7, $0x1;
	s7 =	sadd.s32 s21, s5  }
0x9f: {  	[timem:s9], [sflag:s22] =	dma.local [hbm:s7], s20  }
0xa0: {  	_ =	swait.ge [sflag:s22], s20  }
0xa1: {  	s6 =	ssub.s32 $0x0, s20;
	[sflag:s22] =	ssyncset.done $0x0  }
0xa2: {  	[sflag:s22] =	ssyncadd.s32 s6;
	_ =	sdelay $0x1  }
0xa3: {  	s23 =	simm.s32 $0x1B8B  }
0xa4: {  	_ =	swait.ge [sflag:s23], $0x1  }
0xa5: {  	[sflag:s23] =	ssyncset.done $0x0  }
0xa6: {  	s25 =	simm.s32 $0x1B8E;
	s24 =	sld [smem:$0x3FFE];
	[sflag:s23] =	ssyncadd.s32 $0xFFFFFFFF  }
0xa7: {  	s26 =	simm.s32 $execute0_lowered;
	[smem:$0x3FD2] =	sst s25  }
0xa8: {  	s7 =	sshll.u32 s26, $0x1;
	_ =	strace $0x8000004C;
	[dreg:$0x1] =	wrdreg $0xFFFFFFFF  }
0xa9: {  	s28 =	simm.s32 $_size_execute0_lowered;
	s5 =	sadd.s32 s5, s7;
	[dreg:$0x0] =	wrdreg $0x0  }
0xaa: {  	s7 =	sshll.u32 s28, $0x1;
	[dreg:$0x2] =	wrdreg s5  }
0xab: {  	[dreg:$0x3] =	wrdreg s7  }
0xac: {  	[dreg:$0x4] =	wrdreg $0xC0  }
0xad: {  	_ =	task [dreg:s9], $0x5FFFF  }
0xae: {  	[dreg:$0x1] =	wrdreg $0xFFFFFFFF  }
0xaf: {  	[dreg:$0x0] =	wrdreg $0x60  }
0xb0: {  	[dreg:$0x2] =	wrdreg s24  }
0xb1: {  	[dreg:$0x3] =	wrdreg s2  }
0xb2: {  	[dreg:$0x4] =	wrdreg s18  }
0xb3: {  	[dreg:$0x5] =	wrdreg s4  }
0xb4: {  	[dreg:$0x6] =	wrdreg $0x9  }
0xb5: {  	_ =	task.clear_ibuf [dreg:s9], $0x7FFFF;
	_ =	strace $0x9000004C  }
0xb6: {  	s29 =	simm.s32 $0x9;
	_ =	strace $0x8000004E  }
0xb7: {  	_ =	swait.ge [sflag:s29], $0x1  }
0xb8: {  	[sflag:s29] =	ssyncadd.s32 $0xFFFFFFFF  }
0xb9: {  	_ =	strace $0x9000004E  }
0xba: {  	_ =	sfence  }
0xbb: {  	s30 =	sld [smem:$0x0];
	_ =	sdelay $0x2  }
0xbc: {  	s31 =	sshll.u32 s1, $0xD;
	s1 =	sshrl.u32 s1, $0x2  }
0xbd: {  	s3 =	sand.u32 $0x4000, s31;
	s1 =	sadd.s32 s1, s30  }
0xbe: {  	s0 =	sor.u32 s3, s0;
	s1 =	sshll.u32 s1, $0x11  }
0xbf: {  	s0 =	sor.u32 s1, s0  }
0xc0: {  	s0 =	sadd.s32 $0x8F2B, s0  }
0xc1: {  	[sflag:s0] =	ssyncadd.remote.s32 $0x1  }
0xc2: {  	_ =	sfence.sel $0xFFFF  }
0xc3: {  	[dreg:$0x0] =	wrdreg $0xFFFFFFFF;
	(pc) =	sbr.abs _section_cstart, $3  }
0xc4: {  	[dreg:$0x1] =	wrdreg $0xFFFFFFFF  }
0xc5: {  	_ =	task.clear_ibuf [dreg:s9], $0x2FFFF;
	_ =	strace $0x9FFFFFFF  }
0xc6: {  	(tm) =	ssettm $0x7FFFFFFF  }
0xc7: {  	_ =	shalt  }
tec
execute0_lowered:
.L_overlay_start_1:
0x0: {  	(tag) =	ssettag $0x1  }
0x1: {  	s5 =	rddreg [dreg:$0x0]  }
0x2: {  	s6 =	rddreg [dreg:$0x1]  }
0x3: {  	s7 =	rddreg [dreg:$0x2];
	s1 =	srdreg.scid  }
0x4: {  	s0 =	stileid.u32;
	s2 =	rddreg [dreg:$0x3];
	s3 =	simm.s32 $0x0  }
0x5: {  	s15 =	simm.s32 $0x2400;
	s16 =	simm.s32 $0x4400;
	s17 =	simm.s32 $0x4600  }
0x6: {  	s18 =	simm.s32 $0x1;
	s19 =	simm.s32 $0x2;
	s20 =	simm.s32 $0x3  }
0x7: {  	s21 =	simm.s32 $0x4A00;
	s22 =	simm.s32 $0x4C00;
	s23 =	simm.s32 $0x0  }
0x8: {  	s8 =	sand.u32 $0x1, s1;
	s4 =	sshll.u32 s0, $0x1;
	[smem:$0x7FF] =	sst s3  }
0x9: {  	s1 =	rddreg [dreg:$0x4];
	s9 =	sor.u32 s8, s4;
	_ =	strace $0x8000004D  }
0xa: {  	s8 =	ssub.s32 $0x2, s8;
	s4 =	sshll.u32 s9, $0xA;
	s11 =	sshll.u32 s9, $0x6  }
0xb: {  	s9 =	sshll.u32 s9, $0x1;
	s13 =	sshrl.u32 s8, $0x1;
	s10 =	sadd.s32 s4, s5  }
.Ltmp0:
0xc: {  	s4 =	sadd.s32 $0x59C00, s5;
	s12 =	sadd.s32 s11, s5;
	(pc) =	sbr.rel .LBB2_1-.Ltmp0, $4  }
0xd: {  	s14 =	sadd.s32 s9, s5;
	s13 =	ssub.s32 s8, s13;
	s5 =	sadd.s32 s6, s11  }
0xe: {  	s6 =	sadd.s32 s7, s11;
	s7 =	sadd.s32 $0x45C00, s10;
	s8 =	sadd.s32 $0x4FC00, s10  }
0xf: {  	v0 =	vlaneseq.u32;
	s9 =	sadd.s32 $0x1E00, s12;
	s10 =	sadd.s32 $0x1C00, s14;
	s11 =	smax.u32 s13, $0x1  }
0x10: {  	v1 =	vimm.f32 $0.0e+00;
	v0 =	vmul.u32 $0x10, v0;
	s12 =	simm.s32 $0x4;
	s13 =	simm.s32 $0x200;
	s14 =	simm.s32 $0x400  }
.LBB2_10:
0x11: {  	[tilespmem:$0x4C00] =	vst v3  }
0x12: {  	[hbm4b:s9+s3] =	stream.linear.scatter [tilespmem:s21], [sflag:$0x4], $0x200, $0x38;
	[tilespmem:$0x4C10] =	vst v63  }
0x13: {  	s23 =	sadd.s32 $0x1, s23;
	_ =	swait.ge [sflag:s12], $0x200  }
0x14: {  	p0 =	sne.s32 s23, s11;
	[sflag:s12] =	ssyncset.done $0x0  }
.Ltmp1:
0x15: {  	[sflag:s12] =	ssyncadd.s32 $0xFFFFFE00;
	(pc) =	sbr.rel @!p0 .LBB2_11-.Ltmp1, $4  }
0x16: {  	[hbm4b:s10+s3] =	stream.linear.scatter [tilespmem:s22], [sflag:$0x4], $0x10, $0x38;
	[tilespmem:$0x4C10] =	vst v63  }
0x17: {  	_ =	swait.ge [sflag:s12], $0x10  }
0x18: {  	[sflag:s12] =	ssyncset.done $0x0  }
0x19: {  	[sflag:s12] =	ssyncadd.s32 $0xFFFFFFF0  }
.LBB2_1:
0x1a: {  	[tilespmem:s3], [sflag:$0x4] =	stream.linear.gather [hbm4b:s5+s3], $0x200, $0x38;
	[tilespmem:$0x4C10] =	vst v63  }
0x1b: {  	_ =	swait.ge [sflag:s12], $0x200  }
0x1c: {  	[sflag:s12] =	ssyncset.done $0x0  }
0x1d: {  	[sflag:s12] =	ssyncadd.s32 $0xFFFFFE00  }
0x1e: {  	[tilespmem:s13], [sflag:$0x4] =	stream.linear.gather [hbm4b:s6+s3], $0x200, $0x38;
	[tilespmem:$0x4C10] =	vst v63  }
0x1f: {  	_ =	swait.ge [sflag:s12], $0x200  }
0x20: {  	[sflag:s12] =	ssyncset.done $0x0  }
0x21: {  	[sflag:s12] =	ssyncadd.s32 $0xFFFFFE00  }
0x22: {  	[tilespmem:s14], [sflag:$0x1] =	stream.linear.gather [hbm4b:s7+s3], $0x2000, $0x38;
	[tilespmem:$0x4C10] =	vst v63  }
0x23: {  	_ = 	snop  }
0x24: {  	[tilespmem:s15], [sflag:$0x2] =	stream.linear.gather [hbm4b:s8+s3], $0x2000, $0x38;
	[tilespmem:$0x4C10] =	vst v63  }
0x25: {  	_ = 	snop  }
0x26: {  	[tilespmem:s16], [sflag:$0x3] =	stream.indirect.gather [hbm4b:s2+s13], $0x1, s13, s13, $0xb8;
	[tilespmem:$0x4C10] =	vst v63  }
0x27: {  	_ = 	snop  }
0x28: {  	[tilespmem:s17], [sflag:$0x4] =	stream.linear.gather [hbm4b:s4+s3], $0x400, $0x38;
	[tilespmem:$0x4C10] =	vst v63  }
0x29: {  	_ =	swait.ge [sflag:s12], $0x400  }
0x2a: {  	[sflag:s12] =	ssyncset.done $0x0  }
0x2b: {  	[sflag:s12] =	ssyncadd.s32 $0xFFFFFC00  }
0x2c: {  	_ =	swait.ge [sflag:s18], $0x2000  }
0x2d: {  	[sflag:s18] =	ssyncset.done $0x0  }
0x2e: {  	[sflag:s18] =	ssyncadd.s32 $0xFFFFE000  }
0x2f: {  	_ =	swait.ge [sflag:s19], $0x2000  }
.Ltmp2:
0x30: {  	[sflag:s19] =	ssyncset.done $0x0;
	(pc) =	sbr.rel .LBB2_2-.Ltmp2, $4  }
0x31: {  	[sflag:s19] =	ssyncadd.s32 $0xFFFFE000  }
0x32: {  	_ =	swait.ge [sflag:s20], $0x200  }
0x33: {  	[sflag:s20] =	ssyncset.done $0x0  }
0x34: {  	v3 =	vimm.f32 $0.0e+00;
	s24 =	simm.s32 $0x0;
	[sflag:s20] =	ssyncadd.s32 $0xFFFFFE00  }
.LBB2_8:
0x35: {  	_ =	sdelay $0x3  }
0x36: {  	v2 =	vld.idx.msk [tilespmem:v6+s14+$0x0], $0xffff  }
0x37: {  	v8 =	vadd.f32 v9, v8;
	v60 =	vmul.f32 v4, v4  }
0x38: {  	v61 =	vld.idx.msk [tilespmem:v6+s15+$0x0], $0xffff  }
0x39: {  	v62 =	vmul.f32 v5, v5;
	v8 =	vadd.f32 v60, v8  }
0x3a: {  	v3 =	vadd.f32 v7, v3;
	v4 =	vmul.f32 v5, v4  }
0x3b: {  	v5 =	vadd.f32 v62, v8;
	v63 =	vmul.f32 v2, v2  }
0x3c: {  	v3 =	vadd.f32 v4, v3  }
0x3d: {  	v2 =	vmul.f32 v61, v2;
	v4 =	vadd.f32 v63, v5;
	v5 =	vmul.f32 v61, v61;
	_ =	sdelay $0x1  }
0x3e: {  	v3 =	vadd.f32 v2, v3;
	v2 =	vadd.f32 v5, v4  }
.LBB2_9:
0x3f: {  	v4 =	vld [tilespmem:s25+$0x4400];
	_ =	sdelay $0x1  }
0x40: {  	s24 =	sadd.s32 $0x1, s24  }
0x41: {  	p0 =	sne.s32 s24, $0x20  }
.Ltmp3:
0x42: {  	_ = 	snop;
	(pc) =	sbr.rel @!p0 .LBB2_10-.Ltmp3, $4  }
0x43: {  	v5 =	vmul.f32 v4, v4  }
0x44: {  	v4 =	vadd.f32 v4, v3  }
0x45: {  	v3 =	vadd.f32 v5, v2  }
0x46: {  	[tilespmem:s25+$0x4A00] =	vst v4  }
.LBB2_2:
0x47: {  	s25 =	sshll.u32 s24, $0x4  }
0x48: {  	v5 =	vld [tilespmem:s25+$0x0]  }
0x49: {  	v4 =	vld [tilespmem:s25+$0x200];
	_ =	sdelay $0x4  }
0x4a: {  	vm1 =	vgt.s32 v5, $0xF41FF;
	vm0 =	vgt.s32 v4, $0xF41FF  }
0x4b: {  	vm2 =	vmor vm1, vm0  }
0x4c: {  	v2 =	vsel vm2, $0x3F800000, v1  }
0x4d: {  	(xrf0) =	vmax.scan.msk.f32 $0xffff, v2;
	_ =	sdelay $0x5  }
0x4e: {  	v2, _, _ =	vpop (xrf0)  }
0x4f: {  	(v2sf) =	vpush v2, $0xF;
	_ =	sdelay $0xe  }
0x50: {  	s26 =	spop (v2sf)  }
0x51: {  	p0 =	sgt.f32 s26, $0.0e+00  }
.Ltmp4:
0x52: {  	_ = 	snop;
	(pc) =	sbr.rel @!p0 .LBB2_6-.Ltmp4, $4  }
0x53: {  	_ = 	snop  }
0x54: {  	v2 =	vmov s25  }
0x55: {  	v2 =	vshll.u32 v2, $0x4  }
0x56: {  	v2 =	vor.u32 v0, v2;
	s26 =	simm.s32 $0x0  }
0x57: {  	v5 =	vadd.s32 $0xFFF0BE00, v5  }
0x58: {  	vm2 =	vgt.s32 v5, $0x0  }
0x59: {  	v6 =	vadd.s32 $0xFFF0BE00, v4;
	v5 =	vnsel vm2, $0x0, v5  }
0x5a: {  	vm2 =	vgt.s32 v6, $0x0;
	v4 =	vmin.u32 v5, $0x3F  }
0x5b: {  	v5 =	vnsel vm2, $0x0, v6;
	v6 =	vadd.s32 s26, v2;
	v4 =	vshll.u32 v4, $0x4  }
0x5c: {  	v5 =	vmin.u32 v5, $0x3F;
	v7 =	vadd.s32 s26, v4  }
0x5d: {  	v5 =	vshll.u32 v5, $0x4  }
0x5e: {  	v8 =	vadd.s32 s26, v5;
	_ =	sdelay $0x1  }
0x5f: {  	s31 =	simm.s32 $0x1;
	v9 =	vld.idx.msk [tilespmem:v6+s14+$0x0], $0xffff  }
0x60: {  	v10 =	vadd.s32 s31, v2;
	v7 =	vld.idx.msk [tilespmem:v7+s17+$0x0], $0xffff  }
0x61: {  	v12 =	vadd.s32 s31, v4;
	v11 =	vld.idx.msk [tilespmem:v6+s15+$0x0], $0xffff  }
0x62: {  	v13 =	vld.idx.msk [tilespmem:v8+s17+$0x0], $0xffff  }
0x63: {  	v14 =	vadd.s32 s31, v5  }
0x64: {  	s28 =	simm.s32 $0x2  }
0x65: {  	v15 =	vld.idx.msk [tilespmem:v10+s14+$0x0], $0xffff;
	v6 =	vadd.s32 s28, v2;
	v16 =	vsel vm1, v7, v9  }
0x66: {  	v8 =	vld.idx.msk [tilespmem:v12+s17+$0x0], $0xffff;
	v12 =	vadd.s32 s28, v4;
	v9 =	vmul.f32 v16, v16  }
0x67: {  	v7 =	vld.idx.msk [tilespmem:v10+s15+$0x0], $0xffff;
	v13 =	vsel vm0, v13, v11  }
0x68: {  	v11 =	vadd.s32 s28, v5;
	v17 =	vmul.f32 v13, v13;
	v10 =	vadd.f32 v9, v3;
	v9 =	vld.idx.msk [tilespmem:v14+s17+$0x0], $0xffff  }
0x69: {  	v14 =	vmul.f32 v13, v16  }
0x6a: {  	s26 =	simm.s32 $0x3;
	v3 =	vld.idx.msk [tilespmem:v6+s14+$0x0], $0xffff;
	v13 =	vadd.f32 v17, v10;
	v10 =	vimm.f32 $0.0e+00  }
.LBB2_4:
0x6b: {  	v16 =	vadd.s32 s26, v2;
	v15 =	vsel vm1, v8, v15;
	v8 =	vld.idx.msk [tilespmem:v12+s17+$0x0], $0xffff;
	v10 =	vadd.f32 v14, v10;
	s28 =	smov.u32 s26;
	p0 =	seq.s32 s26, $0xF  }
.Ltmp5:
0x6c: {  	s26 =	sadd.s32 $0x1, s26;
	v17 =	vmovc v7;
	v12 =	vadd.s32 s28, v4;
	v14 =	vmul.f32 v15, v15;
	v7 =	vld.idx.msk [tilespmem:v6+s15+$0x0], $0xffff;
	v6 =	vmov v16;
	(pc) =	sbr.rel @!p0 .LBB2_4-.Ltmp5, $4  }
0x6d: {  	v17 =	vsel vm0, v9, v17;
	v9 =	vld.idx.msk [tilespmem:v11+s17+$0x0], $0xffff  }
0x6e: {  	v11 =	vadd.s32 s28, v5;
	v18 =	vmul.f32 v17, v17;
	v13 =	vadd.f32 v14, v13  }
0x6f: {  	v14 =	vmul.f32 v17, v15  }
0x70: {  	v15 =	vmov v3;
	v13 =	vadd.f32 v18, v13;
	v3 =	vld.idx.msk [tilespmem:v16+s14+$0x0], $0xffff  }
0x71: {  	_ =	sdelay $0x3  }
0x72: {  	v2 =	vld.idx.msk [tilespmem:v12+s17+$0x0], $0xffff  }
0x73: {  	v4 =	vsel vm1, v8, v15;
	v5 =	vld.idx.msk [tilespmem:v6+s15+$0x0], $0xffff  }
0x74: {  	v61 =	vld.idx.msk [tilespmem:v11+s17+$0x0], $0xffff;
	v60 =	vmul.f32 v4, v4  }
0x75: {  	v7 =	vsel vm0, v9, v7  }
0x76: {  	v9 =	vmul.f32 v7, v7;
	v6 =	vadd.f32 v60, v13  }
0x77: {  	v10 =	vadd.f32 v14, v10;
	v4 =	vmul.f32 v7, v4;
	v2 =	vsel vm1, v2, v3  }
.Ltmp6:
0x78: {  	v3 =	vadd.f32 v9, v6;
	v62 =	vmul.f32 v2, v2;
	(pc) =	sbr.rel .LBB2_9-.Ltmp6, $3  }
0x79: {  	v4 =	vadd.f32 v4, v10;
	v5 =	vsel vm0, v61, v5  }
0x7a: {  	v63 =	vmul.f32 v5, v5;
	v5 =	vmul.f32 v5, v2;
	v3 =	vadd.f32 v62, v3;
	_ =	sdelay $0x1  }
0x7b: {  	v2 =	vadd.f32 v63, v3;
	v3 =	vadd.f32 v5, v4  }
.LBB2_6:
0x7c: {  	v4 =	vmov s26  }
0x7d: {  	v4 =	vand.u32 $0xF, v4  }
0x7e: {  	v4 =	vbroadcast v4, $0x0;
	_ =	sdelay $0x1  }
0x7f: {  	v4 =	vor.u32 v2, v4  }
0x80: {  	s30 =	simm.s32 $0x1  }
0x81: {  	v5 =	vmov s30  }
0x82: {  	v5 =	vand.u32 $0xF, v5  }
0x83: {  	v5 =	vbroadcast v5, $0x0  }
0x84: {  	v7 =	vld.idx.msk [tilespmem:v4+s14+$0x0], $0xffff  }
0x85: {  	s31 =	simm.s32 $0x2;
	v5 =	vor.u32 v2, v5;
	v9 =	vld.idx.msk [tilespmem:v4+s15+$0x0], $0xffff  }
0x86: {  	v4 =	vmov s31  }
0x87: {  	v4 =	vand.u32 $0xF, v4  }
0x88: {  	v6 =	vbroadcast v4, $0x0  }
0x89: {  	v8 =	vmul.f32 v7, v7  }
0x8a: {  	v4 =	vld.idx.msk [tilespmem:v5+s14+$0x0], $0xffff;
	v6 =	vor.u32 v2, v6;
	v7 =	vmul.f32 v9, v7  }
0x8b: {  	s26 =	simm.s32 $0x3;
	v5 =	vld.idx.msk [tilespmem:v5+s15+$0x0], $0xffff;
	v9 =	vmul.f32 v9, v9;
	v8 =	vadd.f32 v8, v3;
	v3 =	vimm.f32 $0.0e+00  }
.LBB2_7:
0x8c: {  	v10 =	vmov s26;
	p0 =	sne.s32 s26, $0xF;
	s26 =	sadd.s32 $0x1, s26;
	v11 =	vmov v6  }
.Ltmp7:
0x8d: {  	v3 =	vadd.f32 v7, v3;
	v8 =	vadd.f32 v9, v8;
	v12 =	vand.u32 $0xF, v10;
	(pc) =	sbr.rel @p0 .LBB2_7-.Ltmp7, $4  }
0x8e: {  	v7 =	vbroadcast v12, $0x0  }
0x8f: {  	v9 =	vmul.f32 v4, v4;
	v10 =	vmov v4;
	v4 =	vld.idx.msk [tilespmem:v6+s14+$0x0], $0xffff  }
0x90: {  	v6 =	vor.u32 v2, v7  }
0x91: {  	v8 =	vadd.f32 v9, v8;
	v9 =	vmul.f32 v5, v5;
	v7 =	vmul.f32 v5, v10;
	v5 =	vld.idx.msk [tilespmem:v11+s15+$0x0], $0xffff  }
.Ltmp8:
0x92: {  	_ = 	snop;
	(pc) =	sbr.rel .LBB2_8-.Ltmp8, $1  }
0x93: {  	_ =	sdelay $0x3  }
.LBB2_11:
0x94: {  	_ =	sfence.sel $0x180000  }
0x95: {  	[bflag:$0x0] =	sbarrier.arrive $0xFFFF  }
0x96: {  	p0 =	sne.s32 s0, $0x0;
	_ =	strace $0x9000004D  }
0x97: {  	s0 =	sadd.s32 @!p0 $0x100000, s1;
	[bflag:$0x2] =	sbarrier.arrive $0xFFFF  }
0x98: {  	[sflag:s0] =	ssyncadd.tile.s32 @!p0 $0x1;
	_ =	shalt  }
.Lfunc_end2:
_tile_overlayer_lowered:
.L_overlay_start_2:
0x99: {  	(tag) =	ssettag $0x2  }
0x9a: {  	s0 =	rddreg [dreg:$0x0];
	s2 =	stileid.u32  }
0x9b: {  	s1 =	rddreg [dreg:$0x1];
	p0 =	sne.s32 s2, $0x0  }
0x9c: {  	s3 =	rddreg [dreg:$0x2];
	[bflag:$0x3] =	sbarrier.arrive $0xFFFF;
	s2 =	simm.s32 @!p0 $0x1C04  }
0x9d: {  	[timem:s3], [sflag:s2] =	dma.local @!p0 [hbm:s0], s1  }
0x9e: {  	s0 =	simm.s32 @!p0 $0x4  }
0x9f: {  	_ =	swait.ge @!p0 [sflag:s0], s1  }
0xa0: {  	s1 =	ssub.s32 @!p0 $0x0, s1;
	[sflag:s0] =	ssyncset.done @!p0 $0x0  }
0xa1: {  	[sflag:s0] =	ssyncadd.s32 @!p0 s1  }
0xa2: {  	[bflag:$0x3] =	sbarrier.arrive $0xFFFF  }
0xa3: {  	_ =	shalt  }

// kernel: kernel.6.cloned.1.call-start
scs
__scs_entry_jumppad:
0x0: {  	(pc) =	sbr.rel $0x88, $3  }
0x1: {  	(tag) =	ssettag $0x0;
	lr =	simm.s32 $0x1  }
0x2: {  	[smem:$0x3F9C] =	sst lr;
	_ =	strace $0xD0000000  }
0x3: {  	_ = 	snop  }
0x4: {  	_ = 	snop  }
0x5: {  	_ = 	snop  }
0x6: {  	_ = 	snop  }
0x7: {  	_ = 	snop  }
__scs_overlays_trampoline_lowered:
0x8: {  	[smem:$0x3FAB] =	sst s0  }
0x9: {  	[smem:$0x3FAC] =	sst s1  }
0xa: {  	[smem:$0x3FAD] =	sst s2  }
0xb: {  	[smem:$0x3FAE] =	sst s3  }
0xc: {  	[smem:$0x3FAF] =	sst s4  }
0xd: {  	[smem:$0x3FB0] =	sst s5  }
0xe: {  	[smem:$0x3FB1] =	sst s6  }
0xf: {  	[smem:$0x3FB2] =	sst s7  }
0x10: {  	[smem:$0x3FB3] =	sst s8  }
0x11: {  	[smem:$0x3FB4] =	sst s9;
	s0 =	simm.s32 @!p0 $0x0  }
0x12: {  	s1 =	sld [smem:$0x3F9A];
	s0 =	simm.s32 @p0 $0x1  }
0x13: {  	[smem:$0x3FB5] =	sst s0;
	s0 =	simm.s32 @!p1 $0x0  }
0x14: {  	s2 =	sld [smem:$0x3F99];
	s0 =	simm.s32 @p1 $0x1  }
0x15: {  	[smem:$0x3FB6] =	sst s0;
	s0 =	simm.s32 @!p2 $0x0  }
0x16: {  	s3 =	sld [smem:$0x3FDB];
	s0 =	simm.s32 @p2 $0x1  }
0x17: {  	s4 =	simm.s32 $0x1BF5;
	[smem:$0x3FB8] =	sst s0  }
0x18: {  	s0 =	sld [smem:$0x3F9B];
	_ =	swait.ge [sflag:s4], $0x0  }
0x19: {  	s7 =	sld [smem:$0x3F9C]  }
0x1a: {  	s8 =	sadd.s32 $0xFFFFE003, lr  }
0x1b: {  	s9 =	sadd.s32 $0xFFFFFEF7, lr;
	s5 =	simm.s32 $0xFFFFFFFF;
	p2 =	slt.u32 s8, $0xFFFFF086  }
0x1c: {  	p1 =	slt.u32 s9, $0xF7A;
	s5 =	simm.s32 @!p2 $0x0  }
0x1d: {  	s5 =	simm.s32 @p1 $0x1;
	p0 =	seq.s32 s7, s2  }
0x1e: {  	s7 =	smul.u32 @!p0 $0xF7A, s2;
	p2 =	seq.s32 @!p0 s5, $0x0  }
0x1f: {  	s9 =	smul.u32 $0xF7A, s1;
	s8 =	simm.s32 @!p0 $0x1BF5;
	p2 =	por !p2, p0  }
0x20: {  	[sflag:s8] =	ssyncset.s32 @!p0 $0xFFFFF086;
	s6 =	sadd.s32 @!p0 s3, s7;
	s7 =	simm.s32 @!p0 $0x108  }
0x21: {  	s3 =	sadd.s32 s3, s9;
	s6 =	sadd.s32 @!p0 $0x88, s6;
	s7 =	simm.s32 @p2 $0x1082  }
0x22: {  	[simem:s7], [sflag:s8] =	dma.local @!p0 [hbm:s6], $0xF7A  }
0x23: {  	s9 =	sor.u32 $0xD0000000, s2;
	s6 =	simm.s32 $0x108;
	_ =	swait.ge @!p0 [sflag:s8], $0x0  }
0x24: {  	s3 =	sadd.s32 $0x88, s3;
	s6 =	simm.s32 @!p1 $0x1082;
	[sflag:s4] =	ssyncset.s32 $0xFFFFF086  }
0x25: {  	[simem:s6], [sflag:s4] =	dma.local [hbm:s3], $0xF7A  }
0x26: {  	[smem:$0x3F9C] =	sst s1;
	(tag) =	ssettag s2;
	_ =	strace s9  }
0x27: {  	s1 =	sld [smem:$0x3FAC]  }
0x28: {  	s2 =	sld [smem:$0x3FAD]  }
0x29: {  	s4 =	sld [smem:$0x3FAF]  }
0x2a: {  	p0 =	seq.s32 s5, $0x0;
	s5 =	sld [smem:$0x3FB0]  }
0x2b: {  	s6 =	sld [smem:$0x3FB1]  }
0x2c: {  	s7 =	sld [smem:$0x3FB2]  }
0x2d: {  	s3 =	simm.s32 $0x108;
	s8 =	sld [smem:$0x3FB3]  }
0x2e: {  	s3 =	simm.s32 @!p0 $0x1082;
	s9 =	sld [smem:$0x3FB4]  }
0x2f: {  	lr =	sadd.s32 s0, s3;
	s0 =	sld [smem:$0x3FAB]  }
0x30: {  	s3 =	sld [smem:$0x3FAE]  }
0x31: {  	[smem:$0x3FB7] =	sst s10  }
0x32: {  	s10 =	sld [smem:$0x3FB5];
	_ =	sdelay $0x3  }
0x33: {  	p0 =	seq.s32 s10, $0x1;
	s10 =	sld [smem:$0x3FB7];
	_ =	sdelay $0x3  }
0x34: {  	[smem:$0x3FB7] =	sst s10  }
0x35: {  	s10 =	sld [smem:$0x3FB6];
	_ =	sdelay $0x3  }
0x36: {  	p1 =	seq.s32 s10, $0x1;
	s10 =	sld [smem:$0x3FB7];
	_ =	sdelay $0x3  }
0x37: {  	[smem:$0x3FB7] =	sst s10  }
0x38: {  	s10 =	sld [smem:$0x3FB8]  }
0x39: {  	_ = 	snop;
	(pc) =	sbr.ind lr, $3  }
0x3a: {  	_ = 	snop  }
0x3b: {  	_ = 	snop  }
0x3c: {  	p2 =	seq.s32 s10, $0x1;
	s10 =	sld [smem:$0x3FB7]  }
0x3d: {  	_ =	shalt  }
0x3e: {  	_ =	shalt  }
0x3f: {  	_ =	shalt  }
0x40: {  	_ =	shalt  }
0x41: {  	_ =	shalt  }
0x42: {  	_ =	shalt  }
0x43: {  	_ =	shalt  }
0x44: {  	_ =	shalt  }
0x45: {  	_ =	shalt  }
0x46: {  	_ =	shalt  }
0x47: {  	_ =	shalt  }
0x48: {  	_ =	shalt  }
0x49: {  	_ =	shalt  }
0x4a: {  	_ =	shalt  }
0x4b: {  	_ =	shalt  }
0x4c: {  	_ =	shalt  }
0x4d: {  	_ =	shalt  }
0x4e: {  	_ =	shalt  }
0x4f: {  	_ =	shalt  }
0x50: {  	_ =	shalt  }
0x51: {  	_ =	shalt  }
0x52: {  	_ =	shalt  }
0x53: {  	_ =	shalt  }
0x54: {  	_ =	shalt  }
0x55: {  	_ =	shalt  }
0x56: {  	_ =	shalt  }
0x57: {  	_ =	shalt  }
0x58: {  	_ =	shalt  }
0x59: {  	_ =	shalt  }
0x5a: {  	_ =	shalt  }
0x5b: {  	_ =	shalt  }
0x5c: {  	_ =	shalt  }
0x5d: {  	_ =	shalt  }
0x5e: {  	_ =	shalt  }
0x5f: {  	_ =	shalt  }
0x60: {  	_ =	shalt  }
0x61: {  	_ =	shalt  }
0x62: {  	_ =	shalt  }
0x63: {  	_ =	shalt  }
0x64: {  	_ =	shalt  }
0x65: {  	_ =	shalt  }
0x66: {  	_ =	shalt  }
0x67: {  	_ =	shalt  }
0x68: {  	_ =	shalt  }
0x69: {  	_ =	shalt  }
0x6a: {  	_ =	shalt  }
0x6b: {  	_ =	shalt  }
0x6c: {  	_ =	shalt  }
0x6d: {  	_ =	shalt  }
0x6e: {  	_ =	shalt  }
0x6f: {  	_ =	shalt  }
0x70: {  	_ =	shalt  }
0x71: {  	_ =	shalt  }
0x72: {  	_ =	shalt  }
0x73: {  	_ =	shalt  }
0x74: {  	_ =	shalt  }
0x75: {  	_ =	shalt  }
0x76: {  	_ =	shalt  }
0x77: {  	_ =	shalt  }
0x78: {  	_ =	shalt  }
0x79: {  	_ =	shalt  }
0x7a: {  	_ =	shalt  }
0x7b: {  	_ =	shalt  }
0x7c: {  	_ =	shalt  }
0x7d: {  	_ =	shalt  }
0x7e: {  	_ =	shalt  }
0x7f: {  	_ =	shalt  }
0x80: {  	_ =	shalt  }
0x81: {  	_ =	shalt  }
0x82: {  	_ =	shalt  }
0x83: {  	_ =	shalt  }
0x84: {  	_ =	shalt  }
0x85: {  	_ =	shalt  }
0x86: {  	_ =	shalt  }
0x87: {  	_ =	shalt  }
.Lfunc_end0:
.L_simem_size_0:
called_computation_lowered:
.L_overlay_start_0:
0x88: {  	s2 =	sld [smem:$0x3FD9]  }
0x89: {  	s3 =	sld [smem:$0x3FFE];
	_ =	sdelay $0x1  }
0x8a: {  	s1 =	srdreg.scid  }
0x8b: {  	s0 =	sand.u32 $0x1, s1  }
0x8c: {  	s17 =	sshll.u32 s0, $0xA;
	s2 =	sadd.s32 s3, s2  }
0x8d: {  	s2 =	sadd.s32 s2, s17  }
0x8e: {  	[smem:$0x3FC3] =	sst s2  }
0x8f: {  	_ = 	snop  }
0x90: {  	s2 =	sld [smem:$0x3FC9]  }
0x91: {  	s18 =	sld [smem:$0x3FC8]  }
0x92: {  	s4 =	sld [smem:$0x3FC6];
	(tm) =	ssettm $0x1  }
0x93: {  	s5 =	sld [smem:$0x3FFB];
	_ =	sdelay $0x3  }
0x94: {  	_ =	strace s5  }
0x95: {  	s5 =	sld [smem:$0x3FFC];
	_ =	sdelay $0x3  }
0x96: {  	_ =	strace s5  }
0x97: {  	s5 =	sld [smem:$0x3FFD];
	_ =	sdelay $0x3  }
0x98: {  	_ =	strace s5  }
0x99: {  	_ =	strace $0x8FFFFFFF  }
0x9a: {  	s19 =	sld [smem:$0x3FDB];
	_ =	sdelay $0x1  }
0x9b: {  	s6 =	simm.s32 $_scs_section_size  }
0x9c: {  	s7 =	simm.s32 $_size__tile_overlayer_lowered;
	s8 =	simm.s32 $_tile_overlayer_lowered  }
0x9d: {  	s22 =	simm.s32 $0x1BFF;
	s21 =	sshll.u32 s8, $0x1;
	s5 =	sadd.s32 s6, s19  }
0x9e: {  	s9 =	simm.s32 $0x0;
	s20 =	sshll.u32 s7, $0x1;
	s7 =	sadd.s32 s21, s5  }
0x9f: {  	[timem:s9], [sflag:s22] =	dma.local [hbm:s7], s20  }
0xa0: {  	_ =	swait.ge [sflag:s22], s20  }
0xa1: {  	s6 =	ssub.s32 $0x0, s20;
	[sflag:s22] =	ssyncset.done $0x0  }
0xa2: {  	[sflag:s22] =	ssyncadd.s32 s6;
	_ =	sdelay $0x1  }
0xa3: {  	s23 =	simm.s32 $0x1B8B  }
0xa4: {  	_ =	swait.ge [sflag:s23], $0x1  }
0xa5: {  	[sflag:s23] =	ssyncset.done $0x0  }
0xa6: {  	s25 =	simm.s32 $0x1B8E;
	s24 =	sld [smem:$0x3FFE];
	[sflag:s23] =	ssyncadd.s32 $0xFFFFFFFF  }
0xa7: {  	s26 =	simm.s32 $execute0_lowered;
	[smem:$0x3FD2] =	sst s25  }
0xa8: {  	s7 =	sshll.u32 s26, $0x1;
	_ =	strace $0x80000046;
	[dreg:$0x1] =	wrdreg $0xFFFFFFFF  }
0xa9: {  	s28 =	simm.s32 $_size_execute0_lowered;
	s5 =	sadd.s32 s5, s7;
	[dreg:$0x0] =	wrdreg $0x0  }
0xaa: {  	s7 =	sshll.u32 s28, $0x1;
	[dreg:$0x2] =	wrdreg s5  }
0xab: {  	[dreg:$0x3] =	wrdreg s7  }
0xac: {  	[dreg:$0x4] =	wrdreg $0xC0  }
0xad: {  	_ =	task [dreg:s9], $0x5FFFF  }
0xae: {  	[dreg:$0x1] =	wrdreg $0xFFFFFFFF  }
0xaf: {  	[dreg:$0x0] =	wrdreg $0x60  }
0xb0: {  	[dreg:$0x2] =	wrdreg s2  }
0xb1: {  	[dreg:$0x3] =	wrdreg s18  }
0xb2: {  	[dreg:$0x4] =	wrdreg s4  }
0xb3: {  	[dreg:$0x5] =	wrdreg s24  }
0xb4: {  	[dreg:$0x6] =	wrdreg $0x9  }
0xb5: {  	_ =	task.clear_ibuf [dreg:s9], $0x7FFFF;
	_ =	strace $0x90000046  }
0xb6: {  	s29 =	simm.s32 $0x9;
	_ =	strace $0x80000048  }
0xb7: {  	_ =	swait.ge [sflag:s29], $0x1  }
0xb8: {  	[sflag:s29] =	ssyncadd.s32 $0xFFFFFFFF  }
0xb9: {  	_ =	strace $0x90000048  }
0xba: {  	_ =	sfence  }
0xbb: {  	s30 =	sld [smem:$0x0];
	_ =	sdelay $0x2  }
0xbc: {  	s31 =	sshll.u32 s1, $0xD;
	s1 =	sshrl.u32 s1, $0x2  }
0xbd: {  	s3 =	sand.u32 $0x4000, s31;
	s1 =	sadd.s32 s1, s30  }
0xbe: {  	s0 =	sor.u32 s3, s0;
	s1 =	sshll.u32 s1, $0x11  }
0xbf: {  	s0 =	sor.u32 s1, s0  }
0xc0: {  	s0 =	sadd.s32 $0x8F2B, s0  }
0xc1: {  	[sflag:s0] =	ssyncadd.remote.s32 $0x1  }
0xc2: {  	_ =	sfence.sel $0xFFFF  }
0xc3: {  	[dreg:$0x0] =	wrdreg $0xFFFFFFFF;
	(pc) =	sbr.abs _section_cstart, $3  }
0xc4: {  	[dreg:$0x1] =	wrdreg $0xFFFFFFFF  }
0xc5: {  	_ =	task.clear_ibuf [dreg:s9], $0x2FFFF;
	_ =	strace $0x9FFFFFFF  }
0xc6: {  	(tm) =	ssettm $0x7FFFFFFF  }
0xc7: {  	_ =	shalt  }
tec
execute0_lowered:
.L_overlay_start_1:
0x0: {  	(tag) =	ssettag $0x1  }
0x1: {  	s1 =	rddreg [dreg:$0x0]  }
0x2: {  	s2 =	rddreg [dreg:$0x1]  }
0x3: {  	s4 =	rddreg [dreg:$0x2]  }
0x4: {  	s8 =	rddreg [dreg:$0x3]  }
0x5: {  	s0 =	rddreg [dreg:$0x4];
	s6 =	srdreg.scid  }
0x6: {  	s3 =	stileid.u32;
	s5 =	simm.s32 $0x0;
	s14 =	simm.s32 $0x9100  }
0x7: {  	s17 =	simm.s32 $0x0;
	s9 =	sand.u32 $0x1, s6;
	s28 =	sshll.u32 s3, $0x1  }
0x8: {  	[smem:$0x7FF] =	sst s5;
	s7 =	sadd.s32 $0x1C00, s8;
	s10 =	sor.u32 s9, s28  }
0x9: {  	_ =	strace $0x80000047;
	s9 =	ssub.s32 $0x2, s9;
	s6 =	smul.u32 $0xF5, s10  }
0xa: {  	s11 =	sshll.u32 s10, $0x9;
	s29 =	sshrl.u32 s9, $0x1;
	s31 =	smul.u32 $0x7A80, s10  }
.Ltmp0:
0xb: {  	s30 =	sshll.u32 s10, $0x7;
	s11 =	sadd.s32 s11, s8;
	(pc) =	sbr.rel .LBB2_1-.Ltmp0, $4  }
0xc: {  	s13 =	ssub.s32 s9, s29;
	s16 =	sor.u32 $0x4000, s30;
	s12 =	smin.u32 s6, $0x1D8F  }
0xd: {  	v1 =	vlaneseq.u32;
	s9 =	sshll.u32 s10, $0x5;
	s10 =	sadd.s32 $0x41C00, s11;
	s8 =	sadd.s32 $0xF5, s12  }
0xe: {  	v4 =	vmul.u32 $0x10, v1;
	s11 =	smax.u32 s13, $0x1;
	s13 =	simm.s32 $0x1100;
	s15 =	sshll.u32 s8, $0x7  }
0xf: {  	v0 =	vmov s31;
	v3 =	vor.u32 s16, v1;
	s16 =	simm.s32 $0x19200;
	s12 =	simm.s32 $0x3;
	v2 =	vmov s15;
	s15 =	simm.s32 $0x2  }
.LBB2_34:
0x10: {  	_ =	swait.ge [sflag:s15], $0x800  }
0x11: {  	[sflag:s15] =	ssyncset.done $0x0  }
0x12: {  	[sflag:s15] =	ssyncadd.s32 $0xFFFFF800  }
0x13: {  	_ =	swait.ge [sflag:s15], $0x800  }
0x14: {  	[sflag:s15] =	ssyncset.done $0x0  }
0x15: {  	[sflag:s15] =	ssyncadd.s32 $0xFFFFF800  }
0x16: {  	_ =	swait.ge [sflag:s15], $0x800  }
0x17: {  	[sflag:s15] =	ssyncset.done $0x0  }
0x18: {  	[sflag:s15] =	ssyncadd.s32 $0xFFFFF800  }
0x19: {  	_ =	swait.ge [sflag:s15], $0x800  }
0x1a: {  	[sflag:s15] =	ssyncset.done $0x0  }
0x1b: {  	[sflag:s15] =	ssyncadd.s32 $0xFFFFF800  }
0x1c: {  	_ =	swait.ge [sflag:s15], $0x800  }
0x1d: {  	[sflag:s15] =	ssyncset.done $0x0  }
0x1e: {  	[sflag:s15] =	ssyncadd.s32 $0xFFFFF800  }
0x1f: {  	_ =	swait.ge [sflag:s15], $0x800  }
0x20: {  	[sflag:s15] =	ssyncset.done $0x0  }
0x21: {  	[sflag:s15] =	ssyncadd.s32 $0xFFFFF800  }
0x22: {  	_ =	swait.ge [sflag:s15], $0x800  }
0x23: {  	[sflag:s15] =	ssyncset.done $0x0  }
0x24: {  	[sflag:s15] =	ssyncadd.s32 $0xFFFFF800  }
0x25: {  	_ =	swait.ge [sflag:s15], $0x800  }
0x26: {  	[sflag:s15] =	ssyncset.done $0x0  }
0x27: {  	[sflag:s15] =	ssyncadd.s32 $0xFFFFF800  }
0x28: {  	_ =	swait.ge [sflag:s15], $0x800  }
0x29: {  	[sflag:s15] =	ssyncset.done $0x0  }
0x2a: {  	[sflag:s15] =	ssyncadd.s32 $0xFFFFF800  }
0x2b: {  	_ =	swait.ge [sflag:s15], $0x800  }
0x2c: {  	[sflag:s15] =	ssyncset.done $0x0  }
0x2d: {  	[sflag:s15] =	ssyncadd.s32 $0xFFFFF800  }
0x2e: {  	_ =	swait.ge [sflag:s15], $0x800  }
0x2f: {  	[sflag:s15] =	ssyncset.done $0x0  }
0x30: {  	[sflag:s15] =	ssyncadd.s32 $0xFFFFF800  }
0x31: {  	_ =	swait.ge [sflag:s15], $0x800  }
0x32: {  	[sflag:s15] =	ssyncset.done $0x0  }
0x33: {  	[sflag:s15] =	ssyncadd.s32 $0xFFFFF800  }
0x34: {  	_ =	swait.ge [sflag:s15], $0x800  }
0x35: {  	[sflag:s15] =	ssyncset.done $0x0  }
0x36: {  	[sflag:s15] =	ssyncadd.s32 $0xFFFFF800  }
0x37: {  	_ =	swait.ge [sflag:s15], $0x800  }
0x38: {  	[sflag:s15] =	ssyncset.done $0x0  }
0x39: {  	[sflag:s15] =	ssyncadd.s32 $0xFFFFF800  }
0x3a: {  	_ =	swait.ge [sflag:s15], $0x800  }
0x3b: {  	[sflag:s15] =	ssyncset.done $0x0  }
0x3c: {  	[sflag:s15] =	ssyncadd.s32 $0xFFFFF800  }
0x3d: {  	_ =	swait.ge [sflag:s15], $0x800  }
0x3e: {  	[sflag:s15] =	ssyncset.done $0x0  }
0x3f: {  	[sflag:s15] =	ssyncadd.s32 $0xFFFFF800  }
0x40: {  	_ =	swait.ge [sflag:s15], $0x800  }
0x41: {  	[sflag:s15] =	ssyncset.done $0x0  }
0x42: {  	[sflag:s15] =	ssyncadd.s32 $0xFFFFF800  }
0x43: {  	_ =	swait.ge [sflag:s15], $0x800  }
0x44: {  	[sflag:s15] =	ssyncset.done $0x0  }
0x45: {  	[sflag:s15] =	ssyncadd.s32 $0xFFFFF800  }
0x46: {  	_ =	swait.ge [sflag:s15], $0x800  }
0x47: {  	[sflag:s15] =	ssyncset.done $0x0  }
0x48: {  	[sflag:s15] =	ssyncadd.s32 $0xFFFFF800  }
0x49: {  	_ =	swait.ge [sflag:s15], $0x800  }
0x4a: {  	[sflag:s15] =	ssyncset.done $0x0  }
0x4b: {  	[sflag:s15] =	ssyncadd.s32 $0xFFFFF800  }
0x4c: {  	_ =	swait.ge [sflag:s15], $0x800  }
0x4d: {  	[sflag:s15] =	ssyncset.done $0x0  }
0x4e: {  	[sflag:s15] =	ssyncadd.s32 $0xFFFFF800  }
0x4f: {  	_ =	swait.ge [sflag:s15], $0x800  }
0x50: {  	[sflag:s15] =	ssyncset.done $0x0  }
0x51: {  	[sflag:s15] =	ssyncadd.s32 $0xFFFFF800  }
0x52: {  	_ =	swait.ge [sflag:s15], $0x800  }
0x53: {  	[sflag:s15] =	ssyncset.done $0x0  }
0x54: {  	[sflag:s15] =	ssyncadd.s32 $0xFFFFF800  }
0x55: {  	_ =	swait.ge [sflag:s15], $0x800  }
0x56: {  	[sflag:s15] =	ssyncset.done $0x0  }
0x57: {  	[sflag:s15] =	ssyncadd.s32 $0xFFFFF800  }
0x58: {  	_ =	swait.ge [sflag:s15], $0x800  }
0x59: {  	[sflag:s15] =	ssyncset.done $0x0  }
0x5a: {  	[sflag:s15] =	ssyncadd.s32 $0xFFFFF800  }
0x5b: {  	_ =	swait.ge [sflag:s15], $0x800  }
0x5c: {  	[sflag:s15] =	ssyncset.done $0x0  }
0x5d: {  	[sflag:s15] =	ssyncadd.s32 $0xFFFFF800  }
0x5e: {  	_ =	swait.ge [sflag:s15], $0x800  }
0x5f: {  	[sflag:s15] =	ssyncset.done $0x0  }
0x60: {  	[sflag:s15] =	ssyncadd.s32 $0xFFFFF800  }
0x61: {  	_ =	swait.ge [sflag:s15], $0x800  }
0x62: {  	[sflag:s15] =	ssyncset.done $0x0  }
0x63: {  	[sflag:s15] =	ssyncadd.s32 $0xFFFFF800  }
0x64: {  	_ =	swait.ge [sflag:s15], $0x800  }
0x65: {  	[sflag:s15] =	ssyncset.done $0x0  }
0x66: {  	[sflag:s15] =	ssyncadd.s32 $0xFFFFF800  }
0x67: {  	_ =	swait.ge [sflag:s15], $0x800  }
0x68: {  	[sflag:s15] =	ssyncset.done $0x0  }
0x69: {  	[sflag:s15] =	ssyncadd.s32 $0xFFFFF800  }
0x6a: {  	_ =	swait.ge [sflag:s15], $0x800  }
0x6b: {  	[sflag:s15] =	ssyncset.done $0x0  }
0x6c: {  	[sflag:s15] =	ssyncadd.s32 $0xFFFFF800  }
0x6d: {  	s17 =	sadd.s32 $0x1, s17;
	_ =	swait.ge [sflag:s15], $0x800  }
0x6e: {  	p0 =	sne.s32 s17, s11;
	[sflag:s15] =	ssyncset.done $0x0  }
.Ltmp1:
0x6f: {  	[sflag:s15] =	ssyncadd.s32 $0xFFFFF800;
	(pc) =	sbr.rel @!p0 .LBB2_35-.Ltmp1, $4  }
0x70: {  	[hbm4b:s10+s5] =	stream.linear.scatter [tilespmem:s16], [sflag:$0x3], $0x1000, $0x38;
	[tilespmem:$0x1A200] =	vst v63  }
0x71: {  	_ =	swait.ge [sflag:s12], $0x1000  }
0x72: {  	[sflag:s12] =	ssyncset.done $0x0  }
0x73: {  	[sflag:s12] =	ssyncadd.s32 $0xFFFFF000  }
.LBB2_1:
0x74: {  	s20 =	simm.s32 $0x0;
	s19 =	simm.s32 $0x0;
	s21 =	simm.s32 $0x0  }
.LBB2_2:
0x75: {  	s18 =	sshll.u32 s21, $0x8  }
0x76: {  	s22 =	simm.s32 $0x0;
	s18 =	sadd.s32 s1, s18  }
0x77: {  	[tilespmem:s22], [sflag:$0x3] =	stream.linear.gather [hbm4b:s18+s22], $0x800, $0x38;
	[tilespmem:$0x1A200] =	vst v63  }
0x78: {  	_ =	swait.ge [sflag:s12], $0x800  }
0x79: {  	[sflag:s12] =	ssyncset.done $0x0  }
0x7a: {  	s31 =	simm.s32 $0x0;
	[sflag:s12] =	ssyncadd.s32 $0xFFFFF800  }
0x7b: {  	v5 =	vld [tilespmem:s31+$0x0];
	_ =	sdelay $0x4  }
0x7c: {  	vm0 =	vge.s32 v5, v0;
	vm1 =	vlt.s32 v5, v2  }
0x7d: {  	vm0 =	vmand vm0, vm1  }
0x7e: {  	v6 =	vmpcnt.ones.xlane vm0;
	_ =	sdelay $0x1  }
0x7f: {  	(v2sf) =	vpush v6, $0x0;
	_ =	sdelay $0x1  }
0x80: {  	v5 =	vsub.s32 v5, v0  }
0x81: {  	v5 =	vshll.u32 v5, $0xE  }
0x82: {  	p0 =	slt.s32 s19, $0x400;
	s18 =	smov.u32 s19;
	v5 =	vadd.s32 s20, v5  }
0x83: {  	s18 =	simm.s32 @!p0 $0x400;
	v5 =	vadd.s32 v1, v5  }
0x84: {  	s23 =	simm.s32 $0x10;
	s22 =	simm.s32 $0x80;
	[tilespmem:s18+$0x800] =	vst.msk vm0, v5;
	s18 =	smov.u32 s20  }
.LBB2_3:
0x85: {  	p0 =	sne.s32 s22, $0x1FC0;
	v5 =	vld [tilespmem:s23+$0x0];
	_ =	sdelay $0x4  }
0x86: {  	vm0 =	vge.s32 v5, v0;
	vm1 =	vlt.s32 v5, v2;
	v5 =	vsub.s32 v5, v0  }
0x87: {  	vm0 =	vmand vm0, vm1  }
0x88: {  	v6 =	vmpcnt.ones.xlane vm0  }
0x89: {  	s23 =	spop (v2sf)  }
0x8a: {  	s18 =	sadd.s32 $0x10, s18;
	v5 =	vshll.u32 v5, $0xE;
	(v2sf) =	vpush v6, $0x0;
	s19 =	sadd.s32 s19, s23  }
0x8b: {  	v5 =	vadd.s32 s18, v5;
	p1 =	slt.s32 s19, $0x400;
	s23 =	smov.u32 s19  }
.Ltmp2:
0x8c: {  	v5 =	vadd.s32 v1, v5;
	s23 =	simm.s32 @!p1 $0x400;
	(pc) =	sbr.rel @p0 .LBB2_3-.Ltmp2, $2  }
0x8d: {  	[tilespmem:s23+$0x800] =	vst.msk vm0, v5;
	_ =	sdelay $0x2  }
0x8e: {  	s23 =	sshra.s32 s22, $0x2;
	s22 =	sadd.s32 $0x40, s22  }
0x8f: {  	v5 =	vld [tilespmem:s23+$0x0];
	_ =	sdelay $0x4  }
0x90: {  	vm0 =	vge.s32 v5, v0;
	vm1 =	vlt.s32 v5, v2  }
0x91: {  	vm0 =	vmand vm0, vm1  }
0x92: {  	v6 =	vmpcnt.ones.xlane vm0;
	_ =	sdelay $0x1  }
0x93: {  	(v2sf) =	vpush v6, $0x0;
	_ =	sdelay $0x7  }
0x94: {  	v5 =	vsub.s32 v5, v0;
	s22 =	spop (v2sf)  }
0x95: {  	s18 =	sadd.s32 $0x10, s18;
	v5 =	vshll.u32 v5, $0xE;
	s19 =	sadd.s32 s19, s22  }
0x96: {  	s21 =	sadd.s32 $0x1, s21;
	v5 =	vadd.s32 s18, v5;
	p0 =	slt.s32 s19, $0x400;
	s18 =	smov.u32 s19  }
0x97: {  	s18 =	simm.s32 @!p0 $0x400;
	p0 =	seq.s32 s21, $0x8  }
.Ltmp3:
0x98: {  	_ = 	snop;
	(pc) =	sbr.rel @!p0 .LBB2_2-.Ltmp3, $3  }
0x99: {  	_ =	sdelay $0x1  }
0x9a: {  	v5 =	vadd.s32 v1, v5;
	s31 =	spop (v2sf)  }
0x9b: {  	s20 =	sadd.s32 $0x800, s20;
	[tilespmem:s18+$0x800] =	vst.msk vm0, v5;
	s18 =	simm.s32 $0x0;
	s19 =	sadd.s32 s19, s31  }
0x9c: {  	s21 =	simm.s32 $0x0;
	s20 =	simm.s32 $0x0;
	s22 =	simm.s32 $0x0  }
.LBB2_6:
0x9d: {  	s23 =	sshll.u32 s22, $0x8  }
0x9e: {  	s23 =	sadd.s32 s2, s23  }
0x9f: {  	[tilespmem:s18], [sflag:$0x3] =	stream.linear.gather [hbm4b:s23+s18], $0x800, $0x38;
	[tilespmem:$0x1A200] =	vst v63  }
0xa0: {  	_ =	swait.ge [sflag:s12], $0x800  }
0xa1: {  	[sflag:s12] =	ssyncset.done $0x0  }
0xa2: {  	s31 =	simm.s32 $0x0;
	[sflag:s12] =	ssyncadd.s32 $0xFFFFF800  }
0xa3: {  	v5 =	vld [tilespmem:s31+$0x0];
	_ =	sdelay $0x4  }
0xa4: {  	vm0 =	vge.s32 v5, v0;
	vm1 =	vlt.s32 v5, v2  }
0xa5: {  	vm0 =	vmand vm0, vm1  }
0xa6: {  	v6 =	vmpcnt.ones.xlane vm0;
	_ =	sdelay $0x1  }
0xa7: {  	(v2sf) =	vpush v6, $0x0;
	_ =	sdelay $0x1  }
0xa8: {  	v5 =	vsub.s32 v5, v0  }
0xa9: {  	v5 =	vshll.u32 v5, $0xE  }
0xaa: {  	p0 =	slt.s32 s20, $0x400;
	s23 =	smov.u32 s20;
	v5 =	vadd.s32 s21, v5  }
0xab: {  	s23 =	simm.s32 @!p0 $0x400;
	v5 =	vadd.s32 v1, v5  }
0xac: {  	s25 =	simm.s32 $0x10;
	s24 =	simm.s32 $0x80;
	[tilespmem:s23+$0xC80] =	vst.msk vm0, v5;
	s23 =	smov.u32 s21  }
.LBB2_7:
0xad: {  	p0 =	sne.s32 s24, $0x1FC0;
	v5 =	vld [tilespmem:s25+$0x0];
	_ =	sdelay $0x4  }
0xae: {  	vm0 =	vge.s32 v5, v0;
	vm1 =	vlt.s32 v5, v2;
	v5 =	vsub.s32 v5, v0  }
0xaf: {  	vm0 =	vmand vm0, vm1  }
0xb0: {  	v6 =	vmpcnt.ones.xlane vm0  }
0xb1: {  	s25 =	spop (v2sf)  }
0xb2: {  	s23 =	sadd.s32 $0x10, s23;
	v5 =	vshll.u32 v5, $0xE;
	(v2sf) =	vpush v6, $0x0;
	s20 =	sadd.s32 s20, s25  }
0xb3: {  	v5 =	vadd.s32 s23, v5;
	p1 =	slt.s32 s20, $0x400;
	s25 =	smov.u32 s20  }
.Ltmp4:
0xb4: {  	v5 =	vadd.s32 v1, v5;
	s25 =	simm.s32 @!p1 $0x400;
	(pc) =	sbr.rel @p0 .LBB2_7-.Ltmp4, $2  }
0xb5: {  	[tilespmem:s25+$0xC80] =	vst.msk vm0, v5;
	_ =	sdelay $0x2  }
0xb6: {  	s25 =	sshra.s32 s24, $0x2;
	s24 =	sadd.s32 $0x40, s24  }
0xb7: {  	v5 =	vld [tilespmem:s25+$0x0];
	_ =	sdelay $0x4  }
0xb8: {  	vm0 =	vge.s32 v5, v0;
	vm1 =	vlt.s32 v5, v2  }
0xb9: {  	vm0 =	vmand vm0, vm1  }
0xba: {  	v6 =	vmpcnt.ones.xlane vm0;
	_ =	sdelay $0x1  }
0xbb: {  	(v2sf) =	vpush v6, $0x0;
	_ =	sdelay $0x7  }
0xbc: {  	v5 =	vsub.s32 v5, v0;
	s24 =	spop (v2sf)  }
0xbd: {  	s23 =	sadd.s32 $0x10, s23;
	v5 =	vshll.u32 v5, $0xE;
	s20 =	sadd.s32 s20, s24  }
0xbe: {  	s22 =	sadd.s32 $0x1, s22;
	v5 =	vadd.s32 s23, v5;
	p0 =	slt.s32 s20, $0x400;
	s23 =	smov.u32 s20  }
0xbf: {  	s23 =	simm.s32 @!p0 $0x400;
	p0 =	seq.s32 s22, $0x8  }
.Ltmp5:
0xc0: {  	_ = 	snop;
	(pc) =	sbr.rel @!p0 .LBB2_6-.Ltmp5, $3  }
0xc1: {  	_ =	sdelay $0x1  }
0xc2: {  	v5 =	vadd.s32 v1, v5;
	s31 =	spop (v2sf)  }
0xc3: {  	s21 =	sadd.s32 $0x800, s21;
	[tilespmem:s23+$0xC80] =	vst.msk vm0, v5;
	s20 =	sadd.s32 s20, s31  }
0xc4: {  	s18 =	sadd.s32 $0xF, s19;
	s23 =	sadd.s32 $0xF, s20  }
0xc5: {  	s21 =	sand.u32 $0xF, s18;
	s22 =	sshra.s32 s18, $0x1F;
	p0 =	slt.s32 s18, $0x1  }
0xc6: {  	s30 =	sand.u32 $0xF, s23;
	s31 =	sshra.s32 s23, $0x1F;
	p6 =	slt.s32 s23, $0x1  }
0xc7: {  	p1 =	sne.s32 s21, $0x0;
	s29 =	sshrl.u32 s22, $0x1C;
	s22 =	simm.s32 $0x1  }
0xc8: {  	p5 =	sne.s32 s30, $0x0;
	s21 =	sshrl.u32 s31, $0x1C;
	p0 =	por !p0, !p1  }
0xc9: {  	s18 =	sadd.s32 s29, s18;
	s21 =	sadd.s32 s21, s23;
	p0 =	por !p0, !p0  }
0xca: {  	s18 =	sshra.s32 s18, $0x4;
	s22 =	simm.s32 @!p0 $0x0;
	p0 =	por !p6, !p5  }
0xcb: {  	s23 =	simm.s32 $0x1;
	p0 =	por !p0, !p0;
	s18 =	ssub.s32 s18, s22  }
0xcc: {  	s21 =	sshra.s32 s21, $0x4;
	s23 =	simm.s32 @!p0 $0x0;
	p0 =	slt.s32 s18, $0x1  }
0xcd: {  	v5 =	vmov s19;
	s19 =	ssub.s32 s21, s23;
	s21 =	simm.s32 @!p0 $0x0  }
0xce: {  	s21 =	simm.s32 @p0 $0x1  }
0xcf: {  	v6 =	vmov s20;
	s20 =	simm.s32 $0x0;
	[smem:$0x7FD] =	sst s21  }
.LBB2_10:
0xd0: {  	s21 =	sshll.u32 s20, $0x4  }
0xd1: {  	s22 =	sadd.s32 s6, s21  }
0xd2: {  	p5 =	sge.u32 s22, s8  }
0xd3: {  	s23 =	sshll.u32 @!p5 s22, $0x7;
	s24 =	simm.s32 @!p5 $0x400  }
0xd4: {  	s25 =	simm.s32 @!p5 $0x7A1400;
	s26 =	simm.s32 @!p5 $0x1100;
	s23 =	sadd.s32 @!p5 s4, s23  }
0xd5: {  	[tilespmem:s26], [sflag:$0x1] =	stream.strided.gather @!p5 [hbm4b:s23+s24], $0x800, s25, s24, $0x38;
	[tilespmem:$0x1A200] =	vst v63  }
0xd6: {  	s23 =	sadd.s32 $0x1, s22  }
0xd7: {  	p4 =	sge.u32 s23, s8  }
0xd8: {  	s23 =	sshll.u32 @!p4 s23, $0x7  }
0xd9: {  	s24 =	simm.s32 @!p4 $0x400;
	s23 =	sand.u32 @!p4 $0x1FFFFF80, s23  }
0xda: {  	s25 =	simm.s32 @!p4 $0x7A1400;
	s26 =	simm.s32 @!p4 $0x1900;
	s23 =	sadd.s32 @!p4 s4, s23  }
0xdb: {  	[tilespmem:s26], [sflag:$0x1] =	stream.strided.gather @!p4 [hbm4b:s23+s24], $0x800, s25, s24, $0x38;
	[tilespmem:$0x1A200] =	vst v63  }
0xdc: {  	s23 =	sadd.s32 $0x2, s22  }
0xdd: {  	p0 =	sge.u32 s23, s8  }
0xde: {  	s23 =	sshll.u32 @!p0 s23, $0x7  }
0xdf: {  	s24 =	simm.s32 @!p0 $0x400;
	s23 =	sand.u32 @!p0 $0x1FFFFF80, s23  }
0xe0: {  	s25 =	simm.s32 @!p0 $0x7A1400;
	s26 =	simm.s32 @!p0 $0x2100;
	s23 =	sadd.s32 @!p0 s4, s23  }
0xe1: {  	[tilespmem:s26], [sflag:$0x1] =	stream.strided.gather @!p0 [hbm4b:s23+s24], $0x800, s25, s24, $0x38;
	[tilespmem:$0x1A200] =	vst v63  }
0xe2: {  	s28 =	simm.s32 @!p0 $0x0;
	s23 =	sadd.s32 $0x3, s22  }
0xe3: {  	s28 =	simm.s32 @p0 $0x1;
	p0 =	sge.u32 s23, s8  }
0xe4: {  	s23 =	sshll.u32 @!p0 s23, $0x7  }
0xe5: {  	s24 =	simm.s32 @!p0 $0x400;
	s23 =	sand.u32 @!p0 $0x1FFFFF80, s23  }
0xe6: {  	s25 =	simm.s32 @!p0 $0x7A1400;
	s26 =	simm.s32 @!p0 $0x2900;
	s23 =	sadd.s32 @!p0 s4, s23  }
0xe7: {  	[tilespmem:s26], [sflag:$0x1] =	stream.strided.gather @!p0 [hbm4b:s23+s24], $0x800, s25, s24, $0x38;
	[tilespmem:$0x1A200] =	vst v63  }
0xe8: {  	[smem:$0x7F3] =	sst s28;
	s28 =	simm.s32 @!p0 $0x0;
	s23 =	sadd.s32 $0x4, s22  }
0xe9: {  	s28 =	simm.s32 @p0 $0x1;
	p0 =	sge.u32 s23, s8  }
0xea: {  	s23 =	sshll.u32 @!p0 s23, $0x7  }
0xeb: {  	s24 =	simm.s32 @!p0 $0x400;
	s23 =	sand.u32 @!p0 $0x1FFFFF80, s23  }
0xec: {  	s25 =	simm.s32 @!p0 $0x7A1400;
	s26 =	simm.s32 @!p0 $0x3100;
	s23 =	sadd.s32 @!p0 s4, s23  }
0xed: {  	[tilespmem:s26], [sflag:$0x1] =	stream.strided.gather @!p0 [hbm4b:s23+s24], $0x800, s25, s24, $0x38;
	[tilespmem:$0x1A200] =	vst v63  }
0xee: {  	[smem:$0x7F4] =	sst s28;
	s28 =	simm.s32 @!p0 $0x0;
	s23 =	sadd.s32 $0x5, s22  }
0xef: {  	s28 =	simm.s32 @p0 $0x1;
	p0 =	sge.u32 s23, s8  }
0xf0: {  	s23 =	sshll.u32 @!p0 s23, $0x7  }
0xf1: {  	s24 =	simm.s32 @!p0 $0x400;
	s23 =	sand.u32 @!p0 $0x1FFFFF80, s23  }
0xf2: {  	s25 =	simm.s32 @!p0 $0x7A1400;
	s26 =	simm.s32 @!p0 $0x3900;
	s23 =	sadd.s32 @!p0 s4, s23  }
0xf3: {  	[tilespmem:s26], [sflag:$0x1] =	stream.strided.gather @!p0 [hbm4b:s23+s24], $0x800, s25, s24, $0x38;
	[tilespmem:$0x1A200] =	vst v63  }
0xf4: {  	[smem:$0x7F5] =	sst s28;
	s28 =	simm.s32 @!p0 $0x0;
	s23 =	sadd.s32 $0x6, s22  }
0xf5: {  	s28 =	simm.s32 @p0 $0x1;
	p0 =	sge.u32 s23, s8  }
0xf6: {  	s23 =	sshll.u32 @!p0 s23, $0x7  }
0xf7: {  	s24 =	simm.s32 @!p0 $0x400;
	s23 =	sand.u32 @!p0 $0x1FFFFF80, s23  }
0xf8: {  	s25 =	simm.s32 @!p0 $0x7A1400;
	s26 =	simm.s32 @!p0 $0x4100;
	s23 =	sadd.s32 @!p0 s4, s23  }
0xf9: {  	[tilespmem:s26], [sflag:$0x1] =	stream.strided.gather @!p0 [hbm4b:s23+s24], $0x800, s25, s24, $0x38;
	[tilespmem:$0x1A200] =	vst v63  }
0xfa: {  	[smem:$0x7F6] =	sst s28;
	s28 =	simm.s32 @!p0 $0x0;
	s23 =	sadd.s32 $0x7, s22  }
0xfb: {  	s28 =	simm.s32 @p0 $0x1;
	p0 =	sge.u32 s23, s8  }
0xfc: {  	s23 =	sshll.u32 @!p0 s23, $0x7  }
0xfd: {  	s24 =	simm.s32 @!p0 $0x400;
	s23 =	sand.u32 @!p0 $0x1FFFFF80, s23  }
0xfe: {  	s25 =	simm.s32 @!p0 $0x7A1400;
	s26 =	simm.s32 @!p0 $0x4900;
	s23 =	sadd.s32 @!p0 s4, s23  }
0xff: {  	[tilespmem:s26], [sflag:$0x1] =	stream.strided.gather @!p0 [hbm4b:s23+s24], $0x800, s25, s24, $0x38;
	[tilespmem:$0x1A200] =	vst v63  }
0x100: {  	[smem:$0x7F7] =	sst s28;
	s28 =	simm.s32 @!p0 $0x0;
	s23 =	sadd.s32 $0x8, s22  }
0x101: {  	s28 =	simm.s32 @p0 $0x1;
	p0 =	sge.u32 s23, s8  }
0x102: {  	s23 =	sshll.u32 @!p0 s23, $0x7  }
0x103: {  	s24 =	simm.s32 @!p0 $0x400;
	s23 =	sand.u32 @!p0 $0x1FFFFF80, s23  }
0x104: {  	s25 =	simm.s32 @!p0 $0x7A1400;
	s26 =	simm.s32 @!p0 $0x5100;
	s23 =	sadd.s32 @!p0 s4, s23  }
0x105: {  	[tilespmem:s26], [sflag:$0x1] =	stream.strided.gather @!p0 [hbm4b:s23+s24], $0x800, s25, s24, $0x38;
	[tilespmem:$0x1A200] =	vst v63  }
0x106: {  	[smem:$0x7F8] =	sst s28;
	s28 =	simm.s32 @!p0 $0x0;
	s23 =	sadd.s32 $0x9, s22  }
0x107: {  	s28 =	simm.s32 @p0 $0x1;
	p0 =	sge.u32 s23, s8  }
0x108: {  	s23 =	sshll.u32 @!p0 s23, $0x7  }
0x109: {  	s24 =	simm.s32 @!p0 $0x400;
	s23 =	sand.u32 @!p0 $0x1FFFFF80, s23  }
0x10a: {  	s25 =	simm.s32 @!p0 $0x7A1400;
	s26 =	simm.s32 @!p0 $0x5900;
	s23 =	sadd.s32 @!p0 s4, s23  }
0x10b: {  	[tilespmem:s26], [sflag:$0x1] =	stream.strided.gather @!p0 [hbm4b:s23+s24], $0x800, s25, s24, $0x38;
	[tilespmem:$0x1A200] =	vst v63  }
0x10c: {  	[smem:$0x7F9] =	sst s28;
	s28 =	simm.s32 @!p0 $0x0;
	s23 =	sadd.s32 $0xA, s22  }
0x10d: {  	s28 =	simm.s32 @p0 $0x1;
	p0 =	sge.u32 s23, s8  }
0x10e: {  	s23 =	sshll.u32 @!p0 s23, $0x7  }
0x10f: {  	s24 =	simm.s32 @!p0 $0x400;
	s23 =	sand.u32 @!p0 $0x1FFFFF80, s23  }
0x110: {  	s25 =	simm.s32 @!p0 $0x7A1400;
	s26 =	simm.s32 @!p0 $0x6100;
	s23 =	sadd.s32 @!p0 s4, s23  }
0x111: {  	[tilespmem:s26], [sflag:$0x1] =	stream.strided.gather @!p0 [hbm4b:s23+s24], $0x800, s25, s24, $0x38;
	[tilespmem:$0x1A200] =	vst v63  }
0x112: {  	[smem:$0x7FA] =	sst s28;
	s28 =	simm.s32 @!p0 $0x0;
	s23 =	sadd.s32 $0xB, s22  }
0x113: {  	s28 =	simm.s32 @p0 $0x1;
	p0 =	sge.u32 s23, s8  }
0x114: {  	s23 =	sshll.u32 @!p0 s23, $0x7  }
0x115: {  	s24 =	simm.s32 @!p0 $0x400;
	s23 =	sand.u32 @!p0 $0x1FFFFF80, s23  }
0x116: {  	s25 =	simm.s32 @!p0 $0x7A1400;
	s26 =	simm.s32 @!p0 $0x6900;
	s23 =	sadd.s32 @!p0 s4, s23  }
0x117: {  	[tilespmem:s26], [sflag:$0x1] =	stream.strided.gather @!p0 [hbm4b:s23+s24], $0x800, s25, s24, $0x38;
	[tilespmem:$0x1A200] =	vst v63  }
0x118: {  	s23 =	sadd.s32 $0xC, s22  }
0x119: {  	p6 =	sge.u32 s23, s8  }
0x11a: {  	s23 =	sshll.u32 @!p6 s23, $0x7  }
0x11b: {  	s24 =	simm.s32 @!p6 $0x400;
	s23 =	sand.u32 @!p6 $0x1FFFFF80, s23  }
0x11c: {  	s25 =	simm.s32 @!p6 $0x7A1400;
	s26 =	simm.s32 @!p6 $0x7100;
	s23 =	sadd.s32 @!p6 s4, s23  }
0x11d: {  	[tilespmem:s26], [sflag:$0x1] =	stream.strided.gather @!p6 [hbm4b:s23+s24], $0x800, s25, s24, $0x38;
	[tilespmem:$0x1A200] =	vst v63  }
0x11e: {  	[smem:$0x7FB] =	sst s28;
	s28 =	simm.s32 @!p0 $0x0;
	s23 =	sadd.s32 $0xD, s22  }
0x11f: {  	s28 =	simm.s32 @p0 $0x1;
	p0 =	sge.u32 s23, s8  }
0x120: {  	s23 =	sshll.u32 @!p0 s23, $0x7  }
0x121: {  	s31 =	sld [smem:$0x7FD];
	s24 =	simm.s32 @!p0 $0x400;
	s23 =	sand.u32 @!p0 $0x1FFFFF80, s23  }
0x122: {  	s25 =	simm.s32 @!p0 $0x7A1400;
	s26 =	simm.s32 @!p0 $0x7900;
	s23 =	sadd.s32 @!p0 s4, s23  }
0x123: {  	[tilespmem:s26], [sflag:$0x1] =	stream.strided.gather @!p0 [hbm4b:s23+s24], $0x800, s25, s24, $0x38;
	[tilespmem:$0x1A200] =	vst v63  }
0x124: {  	s30 =	sadd.s32 $0x10, s21;
	v7 =	vmov s21;
	s21 =	simm.s32 $0x0;
	s23 =	sadd.s32 $0xE, s22  }
0x125: {  	p3 =	seq.s32 s31, $0x1;
	s22 =	sadd.s32 $0xF, s22;
	p1 =	sge.u32 s23, s8  }
0x126: {  	[smem:$0x7FC] =	sst s28;
	p2 =	sge.u32 s22, s8;
	s23 =	sshll.u32 @!p1 s23, $0x7  }
0x127: {  	s24 =	simm.s32 @!p1 $0x400;
	s25 =	simm.s32 @!p1 $0x7A1400;
	s22 =	sshll.u32 @!p2 s22, $0x7  }
.Ltmp6:
0x128: {  	s23 =	sand.u32 @!p1 $0x1FFFFF80, s23;
	s22 =	sand.u32 @!p2 $0x1FFFFF80, s22;
	(pc) =	sbr.rel @p3 .LBB2_18-.Ltmp6, $4  }
0x129: {  	s26 =	simm.s32 @!p1 $0x8100;
	s23 =	sadd.s32 @!p1 s4, s23;
	s22 =	sadd.s32 @!p2 s4, s22  }
0x12a: {  	[tilespmem:s26], [sflag:$0x1] =	stream.strided.gather @!p1 [hbm4b:s23+s24], $0x800, s25, s24, $0x38;
	[tilespmem:$0x1A200] =	vst v63  }
0x12b: {  	s23 =	simm.s32 @!p2 $0x400;
	s24 =	simm.s32 @!p2 $0x7A1400;
	s25 =	simm.s32 @!p2 $0x8900  }
0x12c: {  	v8 =	vmov s30;
	[tilespmem:s25], [sflag:$0x1] =	stream.strided.gather @!p2 [hbm4b:s22+s23], $0x800, s24, s23, $0x38;
	[tilespmem:$0x1A200] =	vst v63  }
0x12d: {  	s21 =	simm.s32 @!p4 $0x0  }
0x12e: {  	s21 =	simm.s32 @p4 $0x1;
	p4 =	seq.s32 s18, $0x1  }
.Ltmp7:
0x12f: {  	_ = 	snop;
	(pc) =	sbr.rel @p4 .LBB2_12-.Ltmp7, $3  }
0x130: {  	_ =	sdelay $0x1  }
0x131: {  	s22 =	simm.s32 $0x800;
	p3 =	por $0x0, $0x0  }
0x132: {  	v9 =	vld [tilespmem:s22+$0x0];
	s22 =	sadd.s32 $0xFFFFFFFF, s18;
	[smem:$0x7F2] =	sst s21;
	s21 =	simm.s32 $0x0  }
0x133: {  	_ =	sdelay $0x3  }
0x134: {  	v10 =	vor.u32 s21, v1;
	v11 =	vshra.s32 v9, $0x15  }
0x135: {  	vm0 =	vlt.s32 v10, v5;
	vm1 =	vlt.s32 v11, v8  }
0x136: {  	vm2 =	vge.s32 v11, v7;
	vm0 =	vmand vm0, vm1  }
0x137: {  	vm0 =	vmand vm0, vm2  }
0x138: {  	v10 =	vmpcnt.ones.xlane vm0;
	_ =	sdelay $0x1  }
0x139: {  	s23 =	simm.s32 @!p5 $0x0;
	p4 =	seq.s32 s22, $0x1;
	(v2sf) =	vpush v10, $0x0  }
.Ltmp8:
0x13a: {  	s23 =	simm.s32 @p5 $0x1;
	(pc) =	sbr.rel @p4 .LBB2_14-.Ltmp8, $4  }
0x13b: {  	p3 =	por $0x1, $0x1;
	[smem:$0x7F1] =	sst s23;
	s23 =	simm.s32 $0x0  }
0x13c: {  	s23 =	simm.s32 @!p3 $0x70  }
0x13d: {  	s24 =	simm.s32 $0x810;
	s25 =	sadd.s32 $0xFFFFFFFF, s22;
	[tilespmem:s23+$0x19100] =	vst.msk vm0, v9  }
0x13e: {  	s22 =	simm.s32 $0x0;
	p3 =	por $0x1, $0x1;
	s23 =	simm.s32 $0x0;
	v9 =	vld [tilespmem:s24+$0x0]  }
.LBB2_15:
0x13f: {  	p4 =	seq.s32 s25, $0x1;
	_ =	sdelay $0x2  }
0x140: {  	s23 =	sadd.s32 $0x10, s23  }
0x141: {  	v10 =	vor.u32 s23, v1;
	v11 =	vshra.s32 v9, $0x15  }
0x142: {  	vm0 =	vlt.s32 v10, v5;
	vm1 =	vlt.s32 v11, v8  }
0x143: {  	vm2 =	vge.s32 v11, v7;
	vm0 =	vmand vm0, vm1  }
0x144: {  	vm0 =	vmand vm0, vm2  }
0x145: {  	v10 =	vmpcnt.ones.xlane vm0  }
0x146: {  	s26 =	spop (v2sf)  }
0x147: {  	(v2sf) =	vpush v10, $0x0;
	s22 =	sadd.s32 s22, s26  }
.Ltmp9:
0x148: {  	p5 =	slt.s32 s22, $0x70;
	s26 =	smov.u32 s22;
	(pc) =	sbr.rel @!p4 .LBB2_15-.Ltmp9, $4  }
0x149: {  	s26 =	simm.s32 @!p5 $0x70  }
0x14a: {  	[tilespmem:s26+$0x19100] =	vst.msk vm0, v9  }
0x14b: {  	s24 =	sadd.s32 $0x10, s24  }
0x14c: {  	s25 =	sadd.s32 $0xFFFFFFFF, s25;
	v9 =	vld [tilespmem:s24+$0x0]  }
0x14d: {  	s24 =	sld [smem:$0x7F1];
	_ =	sdelay $0x2  }
0x14e: {  	p5 =	seq.s32 s24, $0x1  }
.LBB2_17:
0x14f: {  	s23 =	sadd.s32 @p3 $0x10, s23;
	s24 =	simm.s32 $0x0  }
0x150: {  	s24 =	smov.u32 @p3 s23  }
0x151: {  	v11 =	vshra.s32 v9, $0x15;
	v10 =	vor.u32 s24, v1  }
0x152: {  	vm1 =	vlt.s32 v11, v8;
	vm0 =	vlt.s32 v10, v5  }
0x153: {  	vm2 =	vge.s32 v11, v7;
	vm0 =	vmand vm0, vm1  }
0x154: {  	vm0 =	vmand vm0, vm2  }
0x155: {  	v10 =	vmpcnt.ones.xlane vm0;
	_ =	sdelay $0x1  }
0x156: {  	(v2sf) =	vpush v10, $0x0;
	_ =	sdelay $0xa  }
0x157: {  	s23 =	spop @p3 (v2sf)  }
0x158: {  	s22 =	sadd.s32 @p3 s22, s23  }
0x159: {  	s31 =	sld [smem:$0x7F2];
	s21 =	smov.u32 @p3 s22  }
0x15a: {  	p3 =	slt.s32 s21, $0x70;
	s22 =	smov.u32 s21  }
0x15b: {  	s22 =	simm.s32 @!p3 $0x70;
	s30 =	spop (v2sf)  }
0x15c: {  	p4 =	seq.s32 s31, $0x1;
	[tilespmem:s22+$0x19100] =	vst.msk vm0, v9;
	s21 =	sadd.s32 s21, s30  }
.LBB2_18:
0x15d: {  	s22 =	simm.s32 $0x19100  }
0x15e: {  	v10 =	vld [tilespmem:s22+$0x0];
	_ =	sdelay $0x1  }
0x15f: {  	s23 =	simm.s32 $0x0  }
0x160: {  	v9 =	vmov s21;
	v11 =	vor.u32 s23, v1  }
0x161: {  	vm0 =	vlt.s32 v11, v9  }
0x162: {  	v12 =	vor.u32 s23, v3;
	v11 =	vnsel vm0, $0x0, v10;
	v10 =	vand.u32 $0x3FFF, v10  }
0x163: {  	s21 =	simm.s32 $0x19180;
	s23 =	simm.s32 $0x10;
	[tilespmem:s22+$0x0] =	vst v11;
	v10 =	vsel vm0, v10, v12  }
.LBB2_19:
0x164: {  	p3 =	sne.s32 s23, $0x70;
	[tilespmem:s21+$0x0] =	vst v10;
	s22 =	sadd.s32 $0x10, s22;
	s21 =	sadd.s32 $0x10, s21  }
0x165: {  	s24 =	smov.u32 s23;
	s23 =	sadd.s32 $0x10, s23;
	v10 =	vld [tilespmem:s22+$0x0];
	_ =	sdelay $0x1  }
.Ltmp10:
0x166: {  	(pc) =	sbr.rel @p3 .LBB2_19-.Ltmp10, $4  }
0x167: {  	v11 =	vor.u32 s24, v1  }
0x168: {  	vm0 =	vlt.s32 v11, v9  }
0x169: {  	v12 =	vor.u32 s24, v3;
	v11 =	vnsel vm0, $0x0, v10;
	v10 =	vand.u32 $0x3FFF, v10  }
0x16a: {  	[tilespmem:s22+$0x0] =	vst v11;
	v10 =	vsel vm0, v10, v12  }
0x16b: {  	[tilespmem:s21+$0x0] =	vst v10;
	s21 =	simm.s32 @!p5 $0x1  }
0x16c: {  	_ =	swait.ge @!p5 [sflag:s21], $0x800  }
0x16d: {  	[sflag:s21] =	ssyncset.done @!p5 $0x0  }
0x16e: {  	[sflag:s21] =	ssyncadd.s32 @!p5 $0xFFFFF800;
	s21 =	simm.s32 @!p4 $0x1  }
0x16f: {  	_ =	swait.ge @!p4 [sflag:s21], $0x800  }
0x170: {  	s31 =	sld [smem:$0x7F3];
	_ =	sdelay $0x2  }
0x171: {  	[sflag:s21] =	ssyncset.done @!p4 $0x0;
	p3 =	seq.s32 s31, $0x1  }
0x172: {  	[sflag:s21] =	ssyncadd.s32 @!p4 $0xFFFFF800;
	s21 =	simm.s32 @!p3 $0x1  }
0x173: {  	_ =	swait.ge @!p3 [sflag:s21], $0x800  }
0x174: {  	s22 =	sld [smem:$0x7F4];
	_ =	sdelay $0x1  }
0x175: {  	[sflag:s21] =	ssyncset.done @!p3 $0x0  }
0x176: {  	[sflag:s21] =	ssyncadd.s32 @!p3 $0xFFFFF800;
	p3 =	seq.s32 s22, $0x1  }
0x177: {  	s21 =	simm.s32 @!p3 $0x1  }
0x178: {  	_ =	swait.ge @!p3 [sflag:s21], $0x800  }
0x179: {  	s23 =	sld [smem:$0x7F5];
	_ =	sdelay $0x1  }
0x17a: {  	[sflag:s21] =	ssyncset.done @!p3 $0x0  }
0x17b: {  	[sflag:s21] =	ssyncadd.s32 @!p3 $0xFFFFF800;
	p3 =	seq.s32 s23, $0x1  }
0x17c: {  	s21 =	simm.s32 @!p3 $0x1  }
0x17d: {  	_ =	swait.ge @!p3 [sflag:s21], $0x800  }
0x17e: {  	s24 =	sld [smem:$0x7F6];
	_ =	sdelay $0x1  }
0x17f: {  	[sflag:s21] =	ssyncset.done @!p3 $0x0  }
0x180: {  	[sflag:s21] =	ssyncadd.s32 @!p3 $0xFFFFF800;
	p3 =	seq.s32 s24, $0x1  }
0x181: {  	s21 =	simm.s32 @!p3 $0x1  }
0x182: {  	_ =	swait.ge @!p3 [sflag:s21], $0x800  }
0x183: {  	s25 =	sld [smem:$0x7F7];
	_ =	sdelay $0x1  }
0x184: {  	[sflag:s21] =	ssyncset.done @!p3 $0x0  }
0x185: {  	[sflag:s21] =	ssyncadd.s32 @!p3 $0xFFFFF800;
	p3 =	seq.s32 s25, $0x1  }
0x186: {  	s21 =	simm.s32 @!p3 $0x1  }
0x187: {  	_ =	swait.ge @!p3 [sflag:s21], $0x800  }
0x188: {  	s26 =	sld [smem:$0x7F8];
	_ =	sdelay $0x1  }
0x189: {  	[sflag:s21] =	ssyncset.done @!p3 $0x0  }
0x18a: {  	[sflag:s21] =	ssyncadd.s32 @!p3 $0xFFFFF800;
	p3 =	seq.s32 s26, $0x1  }
0x18b: {  	s21 =	simm.s32 @!p3 $0x1  }
0x18c: {  	_ =	swait.ge @!p3 [sflag:s21], $0x800  }
0x18d: {  	s28 =	sld [smem:$0x7F9];
	_ =	sdelay $0x1  }
0x18e: {  	[sflag:s21] =	ssyncset.done @!p3 $0x0  }
0x18f: {  	[sflag:s21] =	ssyncadd.s32 @!p3 $0xFFFFF800;
	p3 =	seq.s32 s28, $0x1  }
0x190: {  	s21 =	simm.s32 @!p3 $0x1  }
0x191: {  	_ =	swait.ge @!p3 [sflag:s21], $0x800  }
0x192: {  	s29 =	sld [smem:$0x7FA];
	_ =	sdelay $0x1  }
0x193: {  	[sflag:s21] =	ssyncset.done @!p3 $0x0  }
0x194: {  	[sflag:s21] =	ssyncadd.s32 @!p3 $0xFFFFF800;
	p3 =	seq.s32 s29, $0x1  }
0x195: {  	s21 =	simm.s32 @!p3 $0x1  }
0x196: {  	_ =	swait.ge @!p3 [sflag:s21], $0x800  }
0x197: {  	s30 =	sld [smem:$0x7FB];
	_ =	sdelay $0x1  }
0x198: {  	[sflag:s21] =	ssyncset.done @!p3 $0x0  }
0x199: {  	[sflag:s21] =	ssyncadd.s32 @!p3 $0xFFFFF800;
	p3 =	seq.s32 s30, $0x1  }
0x19a: {  	s21 =	simm.s32 @!p3 $0x1  }
0x19b: {  	_ =	swait.ge @!p3 [sflag:s21], $0x800  }
0x19c: {  	s31 =	sld [smem:$0x7FC];
	_ =	sdelay $0x1  }
0x19d: {  	[sflag:s21] =	ssyncset.done @!p3 $0x0  }
0x19e: {  	[sflag:s21] =	ssyncadd.s32 @!p3 $0xFFFFF800;
	p3 =	seq.s32 s31, $0x1  }
0x19f: {  	s21 =	simm.s32 @!p3 $0x1  }
0x1a0: {  	_ =	swait.ge @!p3 [sflag:s21], $0x800  }
0x1a1: {  	[sflag:s21] =	ssyncset.done @!p3 $0x0  }
0x1a2: {  	[sflag:s21] =	ssyncadd.s32 @!p3 $0xFFFFF800;
	s21 =	simm.s32 @!p6 $0x1  }
0x1a3: {  	_ =	swait.ge @!p6 [sflag:s21], $0x800  }
0x1a4: {  	[sflag:s21] =	ssyncset.done @!p6 $0x0  }
0x1a5: {  	[sflag:s21] =	ssyncadd.s32 @!p6 $0xFFFFF800;
	s21 =	simm.s32 @!p0 $0x1  }
0x1a6: {  	_ =	swait.ge @!p0 [sflag:s21], $0x800  }
0x1a7: {  	[sflag:s21] =	ssyncset.done @!p0 $0x0  }
0x1a8: {  	[sflag:s21] =	ssyncadd.s32 @!p0 $0xFFFFF800;
	s21 =	simm.s32 @!p1 $0x1  }
0x1a9: {  	_ =	swait.ge @!p1 [sflag:s21], $0x800  }
0x1aa: {  	[sflag:s21] =	ssyncset.done @!p1 $0x0  }
0x1ab: {  	[sflag:s21] =	ssyncadd.s32 @!p1 $0xFFFFF800;
	s21 =	simm.s32 @!p2 $0x1  }
0x1ac: {  	_ =	swait.ge @!p2 [sflag:s21], $0x800  }
0x1ad: {  	[sflag:s21] =	ssyncset.done @!p2 $0x0  }
0x1ae: {  	[sflag:s21] =	ssyncadd.s32 @!p2 $0xFFFFF800;
	s21 =	simm.s32 $0x19100  }
0x1af: {  	v9 =	vld [tilespmem:s21+$0x0];
	_ =	sdelay $0x4  }
0x1b0: {  	v10 =	vshra.s32 v9, $0x15  }
0x1b1: {  	v10 =	vsub.s32 v10, v7  }
0x1b2: {  	vm0 =	vgt.s32 v10, $0x0  }
0x1b3: {  	v10 =	vnsel vm0, $0x0, v10  }
0x1b4: {  	v9 =	vshrl.u32 v9, $0xE;
	v10 =	vmin.u32 v10, $0xF  }
0x1b5: {  	v9 =	vand.u32 $0x7F, v9;
	v10 =	vshll.u32 v10, $0xB  }
0x1b6: {  	v10 =	vor.u32 v9, v10  }
0x1b7: {  	s22 =	simm.s32 $0x0  }
0x1b8: {  	v9 =	vmov s22  }
0x1b9: {  	s22 =	sshll.u32 s20, $0xC;
	v11 =	vshll.u32 v9, $0x4  }
0x1ba: {  	v9 =	vmov s22;
	v11 =	vor.u32 v4, v11  }
0x1bb: {  	v11 =	vor.u32 v9, v11;
	v12 =	vld.idx.msk [tilespmem:v10+s13+$0x0], $0xffff  }
0x1bc: {  	v13 =	vor.u32 $0x80, v10;
	_ =	sdelay $0x3  }
0x1bd: {  	[tilespmem:v11+s14+$0x0] =	vst.idx.msk $0xffff, v12  }
0x1be: {  	v38 =	vor.u32 $0x1, v11;
	v12 =	vld.idx.msk [tilespmem:v13+s13+$0x0], $0xffff  }
0x1bf: {  	v14 =	vor.u32 $0x100, v10;
	_ =	sdelay $0x3  }
0x1c0: {  	[tilespmem:v38+s14+$0x0] =	vst.idx.msk $0xffff, v12  }
0x1c1: {  	v39 =	vor.u32 $0x2, v11;
	v12 =	vld.idx.msk [tilespmem:v14+s13+$0x0], $0xffff  }
0x1c2: {  	v40 =	vor.u32 $0x180, v10;
	_ =	sdelay $0x3  }
0x1c3: {  	[tilespmem:v39+s14+$0x0] =	vst.idx.msk $0xffff, v12  }
0x1c4: {  	v41 =	vor.u32 $0x3, v11;
	v12 =	vld.idx.msk [tilespmem:v40+s13+$0x0], $0xffff  }
0x1c5: {  	v42 =	vor.u32 $0x200, v10;
	_ =	sdelay $0x3  }
0x1c6: {  	[tilespmem:v41+s14+$0x0] =	vst.idx.msk $0xffff, v12  }
0x1c7: {  	v43 =	vor.u32 $0x4, v11;
	v12 =	vld.idx.msk [tilespmem:v42+s13+$0x0], $0xffff  }
0x1c8: {  	v44 =	vor.u32 $0x280, v10;
	_ =	sdelay $0x3  }
0x1c9: {  	[tilespmem:v43+s14+$0x0] =	vst.idx.msk $0xffff, v12  }
0x1ca: {  	v45 =	vor.u32 $0x5, v11;
	v12 =	vld.idx.msk [tilespmem:v44+s13+$0x0], $0xffff  }
0x1cb: {  	v46 =	vor.u32 $0x300, v10;
	_ =	sdelay $0x3  }
0x1cc: {  	[tilespmem:v45+s14+$0x0] =	vst.idx.msk $0xffff, v12  }
0x1cd: {  	v47 =	vor.u32 $0x6, v11;
	v12 =	vld.idx.msk [tilespmem:v46+s13+$0x0], $0xffff  }
0x1ce: {  	v48 =	vor.u32 $0x380, v10;
	_ =	sdelay $0x3  }
0x1cf: {  	[tilespmem:v47+s14+$0x0] =	vst.idx.msk $0xffff, v12  }
0x1d0: {  	v49 =	vor.u32 $0x7, v11;
	v12 =	vld.idx.msk [tilespmem:v48+s13+$0x0], $0xffff  }
0x1d1: {  	v50 =	vor.u32 $0x400, v10;
	_ =	sdelay $0x3  }
0x1d2: {  	[tilespmem:v49+s14+$0x0] =	vst.idx.msk $0xffff, v12  }
0x1d3: {  	v51 =	vor.u32 $0x8, v11;
	v12 =	vld.idx.msk [tilespmem:v50+s13+$0x0], $0xffff  }
0x1d4: {  	v52 =	vor.u32 $0x480, v10;
	_ =	sdelay $0x3  }
0x1d5: {  	[tilespmem:v51+s14+$0x0] =	vst.idx.msk $0xffff, v12  }
0x1d6: {  	v53 =	vor.u32 $0x9, v11;
	v12 =	vld.idx.msk [tilespmem:v52+s13+$0x0], $0xffff  }
0x1d7: {  	v54 =	vor.u32 $0x500, v10;
	_ =	sdelay $0x3  }
0x1d8: {  	[tilespmem:v53+s14+$0x0] =	vst.idx.msk $0xffff, v12  }
0x1d9: {  	v55 =	vor.u32 $0xA, v11;
	v12 =	vld.idx.msk [tilespmem:v54+s13+$0x0], $0xffff  }
0x1da: {  	v56 =	vor.u32 $0x580, v10;
	_ =	sdelay $0x3  }
0x1db: {  	[tilespmem:v55+s14+$0x0] =	vst.idx.msk $0xffff, v12  }
0x1dc: {  	v57 =	vor.u32 $0xB, v11;
	v12 =	vld.idx.msk [tilespmem:v56+s13+$0x0], $0xffff  }
0x1dd: {  	v58 =	vor.u32 $0x600, v10;
	_ =	sdelay $0x3  }
0x1de: {  	[tilespmem:v57+s14+$0x0] =	vst.idx.msk $0xffff, v12  }
0x1df: {  	v59 =	vor.u32 $0xC, v11;
	v12 =	vld.idx.msk [tilespmem:v58+s13+$0x0], $0xffff  }
0x1e0: {  	v60 =	vor.u32 $0x680, v10;
	_ =	sdelay $0x3  }
0x1e1: {  	[tilespmem:v59+s14+$0x0] =	vst.idx.msk $0xffff, v12  }
0x1e2: {  	v61 =	vor.u32 $0xD, v11;
	v12 =	vld.idx.msk [tilespmem:v60+s13+$0x0], $0xffff  }
0x1e3: {  	v62 =	vor.u32 $0x700, v10;
	_ =	sdelay $0x3  }
0x1e4: {  	[tilespmem:v61+s14+$0x0] =	vst.idx.msk $0xffff, v12  }
0x1e5: {  	v63 =	vor.u32 $0xE, v11;
	v12 =	vld.idx.msk [tilespmem:v62+s13+$0x0], $0xffff  }
0x1e6: {  	v10 =	vor.u32 $0x780, v10;
	_ =	sdelay $0x3  }
0x1e7: {  	[tilespmem:v63+s14+$0x0] =	vst.idx.msk $0xffff, v12  }
0x1e8: {  	s23 =	simm.s32 $0x10;
	v11 =	vor.u32 $0xF, v11;
	v10 =	vld.idx.msk [tilespmem:v10+s13+$0x0], $0xffff  }
.LBB2_21:
0x1e9: {  	_ =	sdelay $0x2  }
0x1ea: {  	p0 =	sne.s32 s23, $0x70  }
0x1eb: {  	s21 =	sadd.s32 $0x10, s21;
	s24 =	smov.u32 s23;
	s23 =	sadd.s32 $0x10, s23;
	[tilespmem:v11+s14+$0x0] =	vst.idx.msk $0xffff, v10  }
0x1ec: {  	v10 =	vld [tilespmem:s21+$0x0];
	_ =	sdelay $0x4  }
0x1ed: {  	v11 =	vshra.s32 v10, $0x15;
	v10 =	vshrl.u32 v10, $0xE  }
0x1ee: {  	v11 =	vsub.s32 v11, v7  }
0x1ef: {  	vm0 =	vgt.s32 v11, $0x0  }
0x1f0: {  	v11 =	vnsel vm0, $0x0, v11  }
0x1f1: {  	v11 =	vmin.u32 v11, $0xF  }
0x1f2: {  	v10 =	vand.u32 $0x7F, v10;
	v11 =	vshll.u32 v11, $0xB  }
0x1f3: {  	v10 =	vor.u32 v10, v11;
	_ =	sdelay $0x2  }
0x1f4: {  	v11 =	vmov s24  }
0x1f5: {  	v11 =	vshll.u32 v11, $0x4  }
0x1f6: {  	v11 =	vor.u32 v4, v11;
	v12 =	vld.idx.msk [tilespmem:v10+s13+$0x0], $0xffff  }
0x1f7: {  	v11 =	vor.u32 v9, v11  }
0x1f8: {  	v13 =	vor.u32 $0x80, v10;
	_ =	sdelay $0x3  }
0x1f9: {  	[tilespmem:v11+s14+$0x0] =	vst.idx.msk $0xffff, v12  }
0x1fa: {  	v12 =	vld.idx.msk [tilespmem:v13+s13+$0x0], $0xffff  }
0x1fb: {  	v13 =	vor.u32 $0x1, v11  }
0x1fc: {  	v14 =	vor.u32 $0x100, v10;
	_ =	sdelay $0x3  }
0x1fd: {  	[tilespmem:v13+s14+$0x0] =	vst.idx.msk $0xffff, v12  }
0x1fe: {  	v12 =	vld.idx.msk [tilespmem:v14+s13+$0x0], $0xffff  }
0x1ff: {  	v13 =	vor.u32 $0x2, v11  }
0x200: {  	v14 =	vor.u32 $0x180, v10;
	_ =	sdelay $0x3  }
0x201: {  	[tilespmem:v13+s14+$0x0] =	vst.idx.msk $0xffff, v12  }
0x202: {  	v12 =	vld.idx.msk [tilespmem:v14+s13+$0x0], $0xffff  }
0x203: {  	v13 =	vor.u32 $0x3, v11  }
0x204: {  	v14 =	vor.u32 $0x200, v10;
	_ =	sdelay $0x3  }
0x205: {  	[tilespmem:v13+s14+$0x0] =	vst.idx.msk $0xffff, v12  }
0x206: {  	v12 =	vld.idx.msk [tilespmem:v14+s13+$0x0], $0xffff  }
0x207: {  	v13 =	vor.u32 $0x4, v11  }
0x208: {  	v14 =	vor.u32 $0x280, v10;
	_ =	sdelay $0x3  }
0x209: {  	[tilespmem:v13+s14+$0x0] =	vst.idx.msk $0xffff, v12  }
0x20a: {  	v12 =	vld.idx.msk [tilespmem:v14+s13+$0x0], $0xffff  }
0x20b: {  	v13 =	vor.u32 $0x5, v11  }
0x20c: {  	v14 =	vor.u32 $0x300, v10;
	_ =	sdelay $0x3  }
0x20d: {  	[tilespmem:v13+s14+$0x0] =	vst.idx.msk $0xffff, v12  }
0x20e: {  	v12 =	vld.idx.msk [tilespmem:v14+s13+$0x0], $0xffff  }
0x20f: {  	v13 =	vor.u32 $0x6, v11  }
0x210: {  	v14 =	vor.u32 $0x380, v10;
	_ =	sdelay $0x3  }
0x211: {  	[tilespmem:v13+s14+$0x0] =	vst.idx.msk $0xffff, v12  }
0x212: {  	v12 =	vld.idx.msk [tilespmem:v14+s13+$0x0], $0xffff  }
0x213: {  	v13 =	vor.u32 $0x7, v11  }
0x214: {  	v14 =	vor.u32 $0x400, v10;
	_ =	sdelay $0x3  }
0x215: {  	[tilespmem:v13+s14+$0x0] =	vst.idx.msk $0xffff, v12  }
0x216: {  	v12 =	vld.idx.msk [tilespmem:v14+s13+$0x0], $0xffff  }
0x217: {  	v13 =	vor.u32 $0x8, v11  }
0x218: {  	v14 =	vor.u32 $0x480, v10;
	_ =	sdelay $0x3  }
0x219: {  	[tilespmem:v13+s14+$0x0] =	vst.idx.msk $0xffff, v12  }
0x21a: {  	v12 =	vld.idx.msk [tilespmem:v14+s13+$0x0], $0xffff  }
0x21b: {  	v13 =	vor.u32 $0x9, v11  }
0x21c: {  	v14 =	vor.u32 $0x500, v10;
	_ =	sdelay $0x3  }
0x21d: {  	[tilespmem:v13+s14+$0x0] =	vst.idx.msk $0xffff, v12  }
0x21e: {  	v12 =	vld.idx.msk [tilespmem:v14+s13+$0x0], $0xffff  }
0x21f: {  	v13 =	vor.u32 $0xA, v11  }
0x220: {  	v14 =	vor.u32 $0x580, v10;
	_ =	sdelay $0x3  }
0x221: {  	[tilespmem:v13+s14+$0x0] =	vst.idx.msk $0xffff, v12  }
0x222: {  	v12 =	vld.idx.msk [tilespmem:v14+s13+$0x0], $0xffff  }
0x223: {  	v13 =	vor.u32 $0xB, v11  }
0x224: {  	v14 =	vor.u32 $0x600, v10;
	_ =	sdelay $0x3  }
0x225: {  	[tilespmem:v13+s14+$0x0] =	vst.idx.msk $0xffff, v12  }
0x226: {  	v12 =	vld.idx.msk [tilespmem:v14+s13+$0x0], $0xffff  }
0x227: {  	v13 =	vor.u32 $0xC, v11  }
0x228: {  	v14 =	vor.u32 $0x680, v10;
	_ =	sdelay $0x3  }
0x229: {  	[tilespmem:v13+s14+$0x0] =	vst.idx.msk $0xffff, v12  }
0x22a: {  	v12 =	vld.idx.msk [tilespmem:v14+s13+$0x0], $0xffff  }
0x22b: {  	v13 =	vor.u32 $0xD, v11  }
0x22c: {  	v14 =	vor.u32 $0x700, v10;
	_ =	sdelay $0x3  }
0x22d: {  	[tilespmem:v13+s14+$0x0] =	vst.idx.msk $0xffff, v12  }
0x22e: {  	v12 =	vld.idx.msk [tilespmem:v14+s13+$0x0], $0xffff  }
0x22f: {  	v13 =	vor.u32 $0xE, v11  }
0x230: {  	v10 =	vor.u32 $0x780, v10;
	_ =	sdelay $0x1  }
.Ltmp11:
0x231: {  	(pc) =	sbr.rel @p0 .LBB2_21-.Ltmp11, $4  }
0x232: {  	_ = 	snop  }
0x233: {  	[tilespmem:v13+s14+$0x0] =	vst.idx.msk $0xffff, v12  }
0x234: {  	v10 =	vld.idx.msk [tilespmem:v10+s13+$0x0], $0xffff  }
0x235: {  	v11 =	vor.u32 $0xF, v11  }
0x236: {  	_ = 	snop  }
0x237: {  	s23 =	sshll.u32 s20, $0x1  }
0x238: {  	s21 =	sadd.s32 s9, s23  }
0x239: {  	s21 =	sshll.u32 s21, $0x8  }
0x23a: {  	s22 =	sadd.s32 $0x9100, s22;
	[tilespmem:v11+s14+$0x0] =	vst.idx.msk $0xffff, v10;
	s24 =	sadd.s32 s7, s21;
	s21 =	simm.s32 $0x0  }
0x23b: {  	[hbm4b:s24+s21] =	stream.linear.scatter [tilespmem:s22], [sflag:$0x2], $0x800, $0x38;
	[tilespmem:$0x1A200] =	vst v63  }
0x23c: {  	v9 =	vld [tilespmem:$0x19180];
	_ =	sdelay $0x2  }
0x23d: {  	s31 =	sshll.u32 s20, $0x8  }
0x23e: {  	s22 =	sand.u32 $0x3FFFFF00, s31  }
0x23f: {  	[tilespmem:s22+$0x19200] =	vst v9  }
0x240: {  	v9 =	vld [tilespmem:$0x19190];
	_ =	sdelay $0x4  }
0x241: {  	[tilespmem:s22+$0x19210] =	vst v9  }
0x242: {  	v9 =	vld [tilespmem:$0x191A0];
	_ =	sdelay $0x4  }
0x243: {  	[tilespmem:s22+$0x19220] =	vst v9  }
0x244: {  	v9 =	vld [tilespmem:$0x191B0];
	_ =	sdelay $0x4  }
0x245: {  	[tilespmem:s22+$0x19230] =	vst v9  }
0x246: {  	v9 =	vld [tilespmem:$0x191C0];
	_ =	sdelay $0x4  }
0x247: {  	[tilespmem:s22+$0x19240] =	vst v9  }
0x248: {  	v9 =	vld [tilespmem:$0x191D0];
	_ =	sdelay $0x4  }
0x249: {  	[tilespmem:s22+$0x19250] =	vst v9  }
0x24a: {  	v9 =	vld [tilespmem:$0x191E0];
	_ =	sdelay $0x4  }
0x24b: {  	[tilespmem:s22+$0x19260] =	vst v9  }
0x24c: {  	p0 =	slt.s32 s19, $0x1;
	v9 =	vld [tilespmem:$0x191F0]  }
.Ltmp12:
0x24d: {  	_ = 	snop;
	(pc) =	sbr.rel @p0 .LBB2_29-.Ltmp12, $2  }
0x24e: {  	_ =	sdelay $0x2  }
0x24f: {  	[tilespmem:s22+$0x19270] =	vst v9;
	s22 =	simm.s32 $0x0  }
0x250: {  	p1 =	seq.s32 s19, $0x1  }
.Ltmp13:
0x251: {  	_ = 	snop;
	(pc) =	sbr.rel @p1 .LBB2_24-.Ltmp13, $3  }
0x252: {  	_ =	sdelay $0x1  }
0x253: {  	s24 =	simm.s32 $0xC80  }
0x254: {  	s22 =	simm.s32 $0x0;
	p0 =	por $0x0, $0x0;
	v9 =	vld [tilespmem:s24+$0x0];
	s24 =	sadd.s32 $0xFFFFFFFF, s19  }
0x255: {  	_ =	sdelay $0x3  }
0x256: {  	v10 =	vor.u32 s22, v1;
	v11 =	vshra.s32 v9, $0x15  }
0x257: {  	vm0 =	vlt.s32 v10, v6;
	vm1 =	vlt.s32 v11, v8  }
0x258: {  	vm2 =	vge.s32 v11, v7;
	vm0 =	vmand vm0, vm1  }
0x259: {  	vm0 =	vmand vm0, vm2  }
0x25a: {  	v10 =	vmpcnt.ones.xlane vm0;
	_ =	sdelay $0x1  }
0x25b: {  	p1 =	seq.s32 s24, $0x1;
	(v2sf) =	vpush v10, $0x0  }
.Ltmp14:
0x25c: {  	_ = 	snop;
	(pc) =	sbr.rel @p1 .LBB2_26-.Ltmp14, $4  }
0x25d: {  	p0 =	por $0x1, $0x1;
	s25 =	simm.s32 $0x0  }
0x25e: {  	s25 =	simm.s32 @!p0 $0x70  }
0x25f: {  	s26 =	simm.s32 $0xC90;
	s28 =	sadd.s32 $0xFFFFFFFF, s24;
	[tilespmem:s25+$0x19100] =	vst.msk vm0, v9  }
0x260: {  	s24 =	simm.s32 $0x0;
	p0 =	por $0x1, $0x1;
	s25 =	simm.s32 $0x0;
	v9 =	vld [tilespmem:s26+$0x0]  }
.LBB2_27:
0x261: {  	p1 =	seq.s32 s28, $0x1;
	_ =	sdelay $0x2  }
0x262: {  	s25 =	sadd.s32 $0x10, s25  }
0x263: {  	v10 =	vor.u32 s25, v1;
	v11 =	vshra.s32 v9, $0x15  }
0x264: {  	vm0 =	vlt.s32 v10, v6;
	vm1 =	vlt.s32 v11, v8  }
0x265: {  	vm2 =	vge.s32 v11, v7;
	vm0 =	vmand vm0, vm1  }
0x266: {  	vm0 =	vmand vm0, vm2  }
0x267: {  	v10 =	vmpcnt.ones.xlane vm0  }
0x268: {  	s29 =	spop (v2sf)  }
0x269: {  	(v2sf) =	vpush v10, $0x0;
	s24 =	sadd.s32 s24, s29  }
.Ltmp15:
0x26a: {  	p2 =	slt.s32 s24, $0x70;
	s29 =	smov.u32 s24;
	(pc) =	sbr.rel @!p1 .LBB2_27-.Ltmp15, $4  }
0x26b: {  	s29 =	simm.s32 @!p2 $0x70  }
0x26c: {  	[tilespmem:s29+$0x19100] =	vst.msk vm0, v9  }
0x26d: {  	s26 =	sadd.s32 $0x10, s26  }
0x26e: {  	s28 =	sadd.s32 $0xFFFFFFFF, s28;
	v9 =	vld [tilespmem:s26+$0x0]  }
.LBB2_28:
0x26f: {  	_ =	sdelay $0x1  }
0x270: {  	s25 =	sadd.s32 @p0 $0x10, s25;
	s26 =	simm.s32 $0x0  }
0x271: {  	s26 =	smov.u32 @p0 s25  }
0x272: {  	v10 =	vor.u32 s26, v1;
	v11 =	vshra.s32 v9, $0x15  }
0x273: {  	vm0 =	vlt.s32 v10, v6;
	vm1 =	vlt.s32 v11, v8  }
0x274: {  	vm2 =	vge.s32 v11, v7;
	vm0 =	vmand vm0, vm1  }
0x275: {  	vm0 =	vmand vm0, vm2  }
0x276: {  	v8 =	vmpcnt.ones.xlane vm0;
	_ =	sdelay $0x1  }
0x277: {  	(v2sf) =	vpush v8, $0x0;
	_ =	sdelay $0xa  }
0x278: {  	s25 =	spop @p0 (v2sf)  }
0x279: {  	s24 =	sadd.s32 @p0 s24, s25  }
0x27a: {  	s22 =	smov.u32 @p0 s24  }
0x27b: {  	p0 =	slt.s32 s22, $0x70;
	s24 =	smov.u32 s22  }
0x27c: {  	s24 =	simm.s32 @!p0 $0x70;
	s31 =	spop (v2sf)  }
0x27d: {  	[tilespmem:s24+$0x19100] =	vst.msk vm0, v9;
	s22 =	sadd.s32 s22, s31  }
.LBB2_29:
0x27e: {  	s24 =	simm.s32 $0x19100  }
0x27f: {  	v9 =	vld [tilespmem:s24+$0x0];
	_ =	sdelay $0x2  }
0x280: {  	v8 =	vmov s22;
	v10 =	vor.u32 s21, v1  }
0x281: {  	vm0 =	vlt.s32 v10, v8  }
0x282: {  	v11 =	vor.u32 s21, v3;
	v10 =	vnsel vm0, $0x0, v9;
	v9 =	vand.u32 $0x3FFF, v9  }
0x283: {  	s22 =	simm.s32 $0x19180;
	s21 =	simm.s32 $0x10;
	[tilespmem:s24+$0x0] =	vst v10;
	v9 =	vsel vm0, v9, v11  }
.LBB2_30:
0x284: {  	p0 =	sne.s32 s21, $0x70;
	[tilespmem:s22+$0x0] =	vst v9;
	s24 =	sadd.s32 $0x10, s24;
	s22 =	sadd.s32 $0x10, s22  }
0x285: {  	s25 =	smov.u32 s21;
	s21 =	sadd.s32 $0x10, s21;
	v9 =	vld [tilespmem:s24+$0x0];
	_ =	sdelay $0x1  }
.Ltmp16:
0x286: {  	(pc) =	sbr.rel @p0 .LBB2_30-.Ltmp16, $4  }
0x287: {  	v10 =	vor.u32 s25, v1  }
0x288: {  	vm0 =	vlt.s32 v10, v8  }
0x289: {  	v11 =	vor.u32 s25, v3;
	v10 =	vnsel vm0, $0x0, v9;
	v9 =	vand.u32 $0x3FFF, v9  }
0x28a: {  	[tilespmem:s24+$0x0] =	vst v10;
	v9 =	vsel vm0, v9, v11  }
0x28b: {  	[tilespmem:s22+$0x0] =	vst v9;
	s21 =	simm.s32 $0x19100  }
0x28c: {  	v8 =	vld [tilespmem:s21+$0x0];
	_ =	sdelay $0x4  }
0x28d: {  	v9 =	vshra.s32 v8, $0x15  }
0x28e: {  	v9 =	vsub.s32 v9, v7  }
0x28f: {  	vm0 =	vgt.s32 v9, $0x0  }
0x290: {  	v9 =	vnsel vm0, $0x0, v9  }
0x291: {  	v8 =	vshrl.u32 v8, $0xE;
	v9 =	vmin.u32 v9, $0xF  }
0x292: {  	v8 =	vand.u32 $0x7F, v8;
	v9 =	vshll.u32 v9, $0xB  }
0x293: {  	v9 =	vor.u32 v8, v9  }
0x294: {  	s24 =	simm.s32 $0x0  }
0x295: {  	s22 =	sor.u32 $0x1, s23;
	v8 =	vmov s24  }
0x296: {  	s23 =	sshll.u32 s22, $0xB;
	v10 =	vshll.u32 v8, $0x4  }
0x297: {  	v8 =	vmov s23;
	v10 =	vor.u32 v4, v10  }
0x298: {  	v10 =	vor.u32 v8, v10;
	v11 =	vld.idx.msk [tilespmem:v9+s13+$0x0], $0xffff  }
0x299: {  	v12 =	vor.u32 $0x80, v9;
	_ =	sdelay $0x3  }
0x29a: {  	[tilespmem:v10+s14+$0x0] =	vst.idx.msk $0xffff, v11  }
0x29b: {  	v38 =	vor.u32 $0x1, v10;
	v11 =	vld.idx.msk [tilespmem:v12+s13+$0x0], $0xffff  }
0x29c: {  	v13 =	vor.u32 $0x100, v9;
	_ =	sdelay $0x3  }
0x29d: {  	[tilespmem:v38+s14+$0x0] =	vst.idx.msk $0xffff, v11  }
0x29e: {  	v39 =	vor.u32 $0x2, v10;
	v11 =	vld.idx.msk [tilespmem:v13+s13+$0x0], $0xffff  }
0x29f: {  	v40 =	vor.u32 $0x180, v9;
	_ =	sdelay $0x3  }
0x2a0: {  	[tilespmem:v39+s14+$0x0] =	vst.idx.msk $0xffff, v11  }
0x2a1: {  	v41 =	vor.u32 $0x3, v10;
	v11 =	vld.idx.msk [tilespmem:v40+s13+$0x0], $0xffff  }
0x2a2: {  	v42 =	vor.u32 $0x200, v9;
	_ =	sdelay $0x3  }
0x2a3: {  	[tilespmem:v41+s14+$0x0] =	vst.idx.msk $0xffff, v11  }
0x2a4: {  	v43 =	vor.u32 $0x4, v10;
	v11 =	vld.idx.msk [tilespmem:v42+s13+$0x0], $0xffff  }
0x2a5: {  	v44 =	vor.u32 $0x280, v9;
	_ =	sdelay $0x3  }
0x2a6: {  	[tilespmem:v43+s14+$0x0] =	vst.idx.msk $0xffff, v11  }
0x2a7: {  	v45 =	vor.u32 $0x5, v10;
	v11 =	vld.idx.msk [tilespmem:v44+s13+$0x0], $0xffff  }
0x2a8: {  	v46 =	vor.u32 $0x300, v9;
	_ =	sdelay $0x3  }
0x2a9: {  	[tilespmem:v45+s14+$0x0] =	vst.idx.msk $0xffff, v11  }
0x2aa: {  	v47 =	vor.u32 $0x6, v10;
	v11 =	vld.idx.msk [tilespmem:v46+s13+$0x0], $0xffff  }
0x2ab: {  	v48 =	vor.u32 $0x380, v9;
	_ =	sdelay $0x3  }
0x2ac: {  	[tilespmem:v47+s14+$0x0] =	vst.idx.msk $0xffff, v11  }
0x2ad: {  	v49 =	vor.u32 $0x7, v10;
	v11 =	vld.idx.msk [tilespmem:v48+s13+$0x0], $0xffff  }
0x2ae: {  	v50 =	vor.u32 $0x400, v9;
	_ =	sdelay $0x3  }
0x2af: {  	[tilespmem:v49+s14+$0x0] =	vst.idx.msk $0xffff, v11  }
0x2b0: {  	v51 =	vor.u32 $0x8, v10;
	v11 =	vld.idx.msk [tilespmem:v50+s13+$0x0], $0xffff  }
0x2b1: {  	v52 =	vor.u32 $0x480, v9;
	_ =	sdelay $0x3  }
0x2b2: {  	[tilespmem:v51+s14+$0x0] =	vst.idx.msk $0xffff, v11  }
0x2b3: {  	v53 =	vor.u32 $0x9, v10;
	v11 =	vld.idx.msk [tilespmem:v52+s13+$0x0], $0xffff  }
0x2b4: {  	v54 =	vor.u32 $0x500, v9;
	_ =	sdelay $0x3  }
0x2b5: {  	[tilespmem:v53+s14+$0x0] =	vst.idx.msk $0xffff, v11  }
0x2b6: {  	v55 =	vor.u32 $0xA, v10;
	v11 =	vld.idx.msk [tilespmem:v54+s13+$0x0], $0xffff  }
0x2b7: {  	v56 =	vor.u32 $0x580, v9;
	_ =	sdelay $0x3  }
0x2b8: {  	[tilespmem:v55+s14+$0x0] =	vst.idx.msk $0xffff, v11  }
0x2b9: {  	v57 =	vor.u32 $0xB, v10;
	v11 =	vld.idx.msk [tilespmem:v56+s13+$0x0], $0xffff  }
0x2ba: {  	v58 =	vor.u32 $0x600, v9;
	_ =	sdelay $0x3  }
0x2bb: {  	[tilespmem:v57+s14+$0x0] =	vst.idx.msk $0xffff, v11  }
0x2bc: {  	v59 =	vor.u32 $0xC, v10;
	v11 =	vld.idx.msk [tilespmem:v58+s13+$0x0], $0xffff  }
0x2bd: {  	v60 =	vor.u32 $0x680, v9;
	_ =	sdelay $0x3  }
0x2be: {  	[tilespmem:v59+s14+$0x0] =	vst.idx.msk $0xffff, v11  }
0x2bf: {  	v61 =	vor.u32 $0xD, v10;
	v11 =	vld.idx.msk [tilespmem:v60+s13+$0x0], $0xffff  }
0x2c0: {  	v62 =	vor.u32 $0x700, v9;
	_ =	sdelay $0x3  }
0x2c1: {  	[tilespmem:v61+s14+$0x0] =	vst.idx.msk $0xffff, v11  }
0x2c2: {  	v63 =	vor.u32 $0xE, v10;
	v11 =	vld.idx.msk [tilespmem:v62+s13+$0x0], $0xffff  }
0x2c3: {  	v9 =	vor.u32 $0x780, v9;
	_ =	sdelay $0x3  }
0x2c4: {  	[tilespmem:v63+s14+$0x0] =	vst.idx.msk $0xffff, v11  }
0x2c5: {  	s24 =	simm.s32 $0x10;
	v10 =	vor.u32 $0xF, v10;
	v9 =	vld.idx.msk [tilespmem:v9+s13+$0x0], $0xffff  }
.LBB2_32:
0x2c6: {  	_ =	sdelay $0x2  }
0x2c7: {  	p0 =	sne.s32 s24, $0x70  }
0x2c8: {  	s21 =	sadd.s32 $0x10, s21;
	s25 =	smov.u32 s24;
	s24 =	sadd.s32 $0x10, s24;
	[tilespmem:v10+s14+$0x0] =	vst.idx.msk $0xffff, v9  }
0x2c9: {  	v9 =	vld [tilespmem:s21+$0x0];
	_ =	sdelay $0x4  }
0x2ca: {  	v10 =	vshra.s32 v9, $0x15;
	v9 =	vshrl.u32 v9, $0xE  }
0x2cb: {  	v10 =	vsub.s32 v10, v7  }
0x2cc: {  	vm0 =	vgt.s32 v10, $0x0  }
0x2cd: {  	v10 =	vnsel vm0, $0x0, v10  }
0x2ce: {  	v10 =	vmin.u32 v10, $0xF  }
0x2cf: {  	v9 =	vand.u32 $0x7F, v9;
	v10 =	vshll.u32 v10, $0xB  }
0x2d0: {  	v9 =	vor.u32 v9, v10;
	_ =	sdelay $0x2  }
0x2d1: {  	v10 =	vmov s25  }
0x2d2: {  	v10 =	vshll.u32 v10, $0x4  }
0x2d3: {  	v10 =	vor.u32 v4, v10;
	v11 =	vld.idx.msk [tilespmem:v9+s13+$0x0], $0xffff  }
0x2d4: {  	v10 =	vor.u32 v8, v10  }
0x2d5: {  	v12 =	vor.u32 $0x80, v9;
	_ =	sdelay $0x3  }
0x2d6: {  	[tilespmem:v10+s14+$0x0] =	vst.idx.msk $0xffff, v11  }
0x2d7: {  	v11 =	vld.idx.msk [tilespmem:v12+s13+$0x0], $0xffff  }
0x2d8: {  	v12 =	vor.u32 $0x1, v10  }
0x2d9: {  	v13 =	vor.u32 $0x100, v9;
	_ =	sdelay $0x3  }
0x2da: {  	[tilespmem:v12+s14+$0x0] =	vst.idx.msk $0xffff, v11  }
0x2db: {  	v11 =	vld.idx.msk [tilespmem:v13+s13+$0x0], $0xffff  }
0x2dc: {  	v12 =	vor.u32 $0x2, v10  }
0x2dd: {  	v13 =	vor.u32 $0x180, v9;
	_ =	sdelay $0x3  }
0x2de: {  	[tilespmem:v12+s14+$0x0] =	vst.idx.msk $0xffff, v11  }
0x2df: {  	v11 =	vld.idx.msk [tilespmem:v13+s13+$0x0], $0xffff  }
0x2e0: {  	v12 =	vor.u32 $0x3, v10  }
0x2e1: {  	v13 =	vor.u32 $0x200, v9;
	_ =	sdelay $0x3  }
0x2e2: {  	[tilespmem:v12+s14+$0x0] =	vst.idx.msk $0xffff, v11  }
0x2e3: {  	v11 =	vld.idx.msk [tilespmem:v13+s13+$0x0], $0xffff  }
0x2e4: {  	v12 =	vor.u32 $0x4, v10  }
0x2e5: {  	v13 =	vor.u32 $0x280, v9;
	_ =	sdelay $0x3  }
0x2e6: {  	[tilespmem:v12+s14+$0x0] =	vst.idx.msk $0xffff, v11  }
0x2e7: {  	v11 =	vld.idx.msk [tilespmem:v13+s13+$0x0], $0xffff  }
0x2e8: {  	v12 =	vor.u32 $0x5, v10  }
0x2e9: {  	v13 =	vor.u32 $0x300, v9;
	_ =	sdelay $0x3  }
0x2ea: {  	[tilespmem:v12+s14+$0x0] =	vst.idx.msk $0xffff, v11  }
0x2eb: {  	v11 =	vld.idx.msk [tilespmem:v13+s13+$0x0], $0xffff  }
0x2ec: {  	v12 =	vor.u32 $0x6, v10  }
0x2ed: {  	v13 =	vor.u32 $0x380, v9;
	_ =	sdelay $0x3  }
0x2ee: {  	[tilespmem:v12+s14+$0x0] =	vst.idx.msk $0xffff, v11  }
0x2ef: {  	v11 =	vld.idx.msk [tilespmem:v13+s13+$0x0], $0xffff  }
0x2f0: {  	v12 =	vor.u32 $0x7, v10  }
0x2f1: {  	v13 =	vor.u32 $0x400, v9;
	_ =	sdelay $0x3  }
0x2f2: {  	[tilespmem:v12+s14+$0x0] =	vst.idx.msk $0xffff, v11  }
0x2f3: {  	v11 =	vld.idx.msk [tilespmem:v13+s13+$0x0], $0xffff  }
0x2f4: {  	v12 =	vor.u32 $0x8, v10  }
0x2f5: {  	v13 =	vor.u32 $0x480, v9;
	_ =	sdelay $0x3  }
0x2f6: {  	[tilespmem:v12+s14+$0x0] =	vst.idx.msk $0xffff, v11  }
0x2f7: {  	v11 =	vld.idx.msk [tilespmem:v13+s13+$0x0], $0xffff  }
0x2f8: {  	v12 =	vor.u32 $0x9, v10  }
0x2f9: {  	v13 =	vor.u32 $0x500, v9;
	_ =	sdelay $0x3  }
0x2fa: {  	[tilespmem:v12+s14+$0x0] =	vst.idx.msk $0xffff, v11  }
0x2fb: {  	v11 =	vld.idx.msk [tilespmem:v13+s13+$0x0], $0xffff  }
0x2fc: {  	v12 =	vor.u32 $0xA, v10  }
0x2fd: {  	v13 =	vor.u32 $0x580, v9;
	_ =	sdelay $0x3  }
0x2fe: {  	[tilespmem:v12+s14+$0x0] =	vst.idx.msk $0xffff, v11  }
0x2ff: {  	v11 =	vld.idx.msk [tilespmem:v13+s13+$0x0], $0xffff  }
0x300: {  	v12 =	vor.u32 $0xB, v10  }
0x301: {  	v13 =	vor.u32 $0x600, v9;
	_ =	sdelay $0x3  }
0x302: {  	[tilespmem:v12+s14+$0x0] =	vst.idx.msk $0xffff, v11  }
0x303: {  	v11 =	vld.idx.msk [tilespmem:v13+s13+$0x0], $0xffff  }
0x304: {  	v12 =	vor.u32 $0xC, v10  }
0x305: {  	v13 =	vor.u32 $0x680, v9;
	_ =	sdelay $0x3  }
0x306: {  	[tilespmem:v12+s14+$0x0] =	vst.idx.msk $0xffff, v11  }
0x307: {  	v11 =	vld.idx.msk [tilespmem:v13+s13+$0x0], $0xffff  }
0x308: {  	v12 =	vor.u32 $0xD, v10  }
0x309: {  	v13 =	vor.u32 $0x700, v9;
	_ =	sdelay $0x3  }
0x30a: {  	[tilespmem:v12+s14+$0x0] =	vst.idx.msk $0xffff, v11  }
0x30b: {  	v11 =	vld.idx.msk [tilespmem:v13+s13+$0x0], $0xffff  }
0x30c: {  	v12 =	vor.u32 $0xE, v10  }
0x30d: {  	v9 =	vor.u32 $0x780, v9;
	_ =	sdelay $0x1  }
.Ltmp17:
0x30e: {  	(pc) =	sbr.rel @p0 .LBB2_32-.Ltmp17, $4  }
0x30f: {  	_ = 	snop  }
0x310: {  	[tilespmem:v12+s14+$0x0] =	vst.idx.msk $0xffff, v11  }
0x311: {  	v9 =	vld.idx.msk [tilespmem:v9+s13+$0x0], $0xffff  }
0x312: {  	v10 =	vor.u32 $0xF, v10  }
0x313: {  	_ = 	snop  }
0x314: {  	s21 =	sadd.s32 s9, s22  }
0x315: {  	s21 =	sshll.u32 s21, $0x8  }
0x316: {  	s21 =	sand.u32 $0x1FFFFF00, s21  }
0x317: {  	s23 =	sadd.s32 $0x9100, s23;
	[tilespmem:v10+s14+$0x0] =	vst.idx.msk $0xffff, v9;
	s21 =	sadd.s32 s7, s21  }
0x318: {  	[hbm4b:s21+s5] =	stream.linear.scatter [tilespmem:s23], [sflag:$0x2], $0x800, $0x38;
	[tilespmem:$0x1A200] =	vst v63  }
0x319: {  	v7 =	vld [tilespmem:$0x19180];
	_ =	sdelay $0x2  }
0x31a: {  	s31 =	sshll.u32 s22, $0x7  }
0x31b: {  	s21 =	sand.u32 $0x3FFFFF80, s31  }
0x31c: {  	[tilespmem:s21+$0x19200] =	vst v7  }
0x31d: {  	v7 =	vld [tilespmem:$0x19190];
	_ =	sdelay $0x4  }
0x31e: {  	[tilespmem:s21+$0x19210] =	vst v7  }
0x31f: {  	v7 =	vld [tilespmem:$0x191A0];
	_ =	sdelay $0x4  }
0x320: {  	[tilespmem:s21+$0x19220] =	vst v7  }
0x321: {  	v7 =	vld [tilespmem:$0x191B0];
	_ =	sdelay $0x4  }
0x322: {  	[tilespmem:s21+$0x19230] =	vst v7  }
0x323: {  	v7 =	vld [tilespmem:$0x191C0];
	_ =	sdelay $0x4  }
0x324: {  	[tilespmem:s21+$0x19240] =	vst v7  }
0x325: {  	v7 =	vld [tilespmem:$0x191D0];
	_ =	sdelay $0x4  }
0x326: {  	[tilespmem:s21+$0x19250] =	vst v7  }
0x327: {  	v7 =	vld [tilespmem:$0x191E0];
	_ =	sdelay $0x4  }
0x328: {  	s20 =	sadd.s32 $0x1, s20;
	[tilespmem:s21+$0x19260] =	vst v7  }
0x329: {  	p0 =	sne.s32 s20, $0x10;
	v7 =	vld [tilespmem:$0x191F0]  }
.Ltmp18:
0x32a: {  	_ = 	snop;
	(pc) =	sbr.rel @p0 .LBB2_10-.Ltmp18, $4  }
.Ltmp19:
0x32b: {  	_ = 	snop;
	(pc) =	sbr.rel @!p0 .LBB2_34-.Ltmp19, $4  }
0x32c: {  	_ = 	snop  }
0x32d: {  	_ = 	snop  }
0x32e: {  	[tilespmem:s21+$0x19270] =	vst v7  }
0x32f: {  	_ = 	snop  }
.LBB2_12:
.Ltmp20:
0x330: {  	(pc) =	sbr.rel .LBB2_17-.Ltmp20, $2  }
0x331: {  	_ =	sdelay $0x2  }
0x332: {  	s23 =	simm.s32 $0x0;
	s22 =	simm.s32 $0x0  }
.LBB2_24:
.Ltmp21:
0x333: {  	(pc) =	sbr.rel .LBB2_28-.Ltmp21, $2  }
0x334: {  	_ =	sdelay $0x2  }
0x335: {  	s25 =	simm.s32 $0x0;
	s24 =	simm.s32 $0x0  }
.LBB2_14:
.Ltmp22:
0x336: {  	(pc) =	sbr.rel .LBB2_17-.Ltmp22, $2  }
0x337: {  	s24 =	sld [smem:$0x7F1];
	_ =	sdelay $0x2  }
0x338: {  	s23 =	simm.s32 $0x0;
	s22 =	simm.s32 $0x0;
	p5 =	seq.s32 s24, $0x1  }
.LBB2_26:
.Ltmp23:
0x339: {  	(pc) =	sbr.rel .LBB2_28-.Ltmp23, $2  }
0x33a: {  	_ =	sdelay $0x2  }
0x33b: {  	s25 =	simm.s32 $0x0;
	s24 =	simm.s32 $0x0  }
.LBB2_35:
0x33c: {  	_ =	sfence.sel $0x180000  }
0x33d: {  	[bflag:$0x0] =	sbarrier.arrive $0xFFFF  }
0x33e: {  	p0 =	sne.s32 s3, $0x0;
	_ =	strace $0x90000047  }
0x33f: {  	s0 =	sadd.s32 @!p0 $0x100000, s0;
	[bflag:$0x2] =	sbarrier.arrive $0xFFFF  }
0x340: {  	[sflag:s0] =	ssyncadd.tile.s32 @!p0 $0x1;
	_ =	shalt  }
.Lfunc_end2:
_tile_overlayer_lowered:
.L_overlay_start_2:
0x341: {  	(tag) =	ssettag $0x2  }
0x342: {  	s0 =	rddreg [dreg:$0x0];
	s2 =	stileid.u32  }
0x343: {  	s1 =	rddreg [dreg:$0x1];
	p0 =	sne.s32 s2, $0x0  }
0x344: {  	s3 =	rddreg [dreg:$0x2];
	[bflag:$0x3] =	sbarrier.arrive $0xFFFF;
	s2 =	simm.s32 @!p0 $0x1C03  }
0x345: {  	[timem:s3], [sflag:s2] =	dma.local @!p0 [hbm:s0], s1  }
0x346: {  	s0 =	simm.s32 @!p0 $0x3  }
0x347: {  	_ =	swait.ge @!p0 [sflag:s0], s1  }
0x348: {  	s1 =	ssub.s32 @!p0 $0x0, s1;
	[sflag:s0] =	ssyncset.done @!p0 $0x0  }
0x349: {  	[sflag:s0] =	ssyncadd.s32 @!p0 s1  }
0x34a: {  	[bflag:$0x3] =	sbarrier.arrive $0xFFFF  }
0x34b: {  	_ =	shalt  }

// kernel: kernel.9.cloned.1.call-start
scs
__scs_entry_jumppad:
0x0: {  	(pc) =	sbr.rel $0x88, $3  }
0x1: {  	(tag) =	ssettag $0x0;
	lr =	simm.s32 $0x1  }
0x2: {  	[smem:$0x3F9C] =	sst lr;
	_ =	strace $0xD0000000  }
0x3: {  	_ = 	snop  }
0x4: {  	_ = 	snop  }
0x5: {  	_ = 	snop  }
0x6: {  	_ = 	snop  }
0x7: {  	_ = 	snop  }
__scs_overlays_trampoline_lowered:
0x8: {  	[smem:$0x3FAB] =	sst s0  }
0x9: {  	[smem:$0x3FAC] =	sst s1  }
0xa: {  	[smem:$0x3FAD] =	sst s2  }
0xb: {  	[smem:$0x3FAE] =	sst s3  }
0xc: {  	[smem:$0x3FAF] =	sst s4  }
0xd: {  	[smem:$0x3FB0] =	sst s5  }
0xe: {  	[smem:$0x3FB1] =	sst s6  }
0xf: {  	[smem:$0x3FB2] =	sst s7  }
0x10: {  	[smem:$0x3FB3] =	sst s8  }
0x11: {  	[smem:$0x3FB4] =	sst s9;
	s0 =	simm.s32 @!p0 $0x0  }
0x12: {  	s1 =	sld [smem:$0x3F9A];
	s0 =	simm.s32 @p0 $0x1  }
0x13: {  	[smem:$0x3FB5] =	sst s0;
	s0 =	simm.s32 @!p1 $0x0  }
0x14: {  	s2 =	sld [smem:$0x3F99];
	s0 =	simm.s32 @p1 $0x1  }
0x15: {  	[smem:$0x3FB6] =	sst s0;
	s0 =	simm.s32 @!p2 $0x0  }
0x16: {  	s3 =	sld [smem:$0x3FDB];
	s0 =	simm.s32 @p2 $0x1  }
0x17: {  	s4 =	simm.s32 $0x1BF5;
	[smem:$0x3FB8] =	sst s0  }
0x18: {  	s0 =	sld [smem:$0x3F9B];
	_ =	swait.ge [sflag:s4], $0x0  }
0x19: {  	s7 =	sld [smem:$0x3F9C]  }
0x1a: {  	s8 =	sadd.s32 $0xFFFFE003, lr  }
0x1b: {  	s9 =	sadd.s32 $0xFFFFFEF7, lr;
	s5 =	simm.s32 $0xFFFFFFFF;
	p2 =	slt.u32 s8, $0xFFFFF086  }
0x1c: {  	p1 =	slt.u32 s9, $0xF7A;
	s5 =	simm.s32 @!p2 $0x0  }
0x1d: {  	s5 =	simm.s32 @p1 $0x1;
	p0 =	seq.s32 s7, s2  }
0x1e: {  	s7 =	smul.u32 @!p0 $0xF7A, s2;
	p2 =	seq.s32 @!p0 s5, $0x0  }
0x1f: {  	s9 =	smul.u32 $0xF7A, s1;
	s8 =	simm.s32 @!p0 $0x1BF5;
	p2 =	por !p2, p0  }
0x20: {  	[sflag:s8] =	ssyncset.s32 @!p0 $0xFFFFF086;
	s6 =	sadd.s32 @!p0 s3, s7;
	s7 =	simm.s32 @!p0 $0x108  }
0x21: {  	s3 =	sadd.s32 s3, s9;
	s6 =	sadd.s32 @!p0 $0x88, s6;
	s7 =	simm.s32 @p2 $0x1082  }
0x22: {  	[simem:s7], [sflag:s8] =	dma.local @!p0 [hbm:s6], $0xF7A  }
0x23: {  	s9 =	sor.u32 $0xD0000000, s2;
	s6 =	simm.s32 $0x108;
	_ =	swait.ge @!p0 [sflag:s8], $0x0  }
0x24: {  	s3 =	sadd.s32 $0x88, s3;
	s6 =	simm.s32 @!p1 $0x1082;
	[sflag:s4] =	ssyncset.s32 $0xFFFFF086  }
0x25: {  	[simem:s6], [sflag:s4] =	dma.local [hbm:s3], $0xF7A  }
0x26: {  	[smem:$0x3F9C] =	sst s1;
	(tag) =	ssettag s2;
	_ =	strace s9  }
0x27: {  	s1 =	sld [smem:$0x3FAC]  }
0x28: {  	s2 =	sld [smem:$0x3FAD]  }
0x29: {  	s4 =	sld [smem:$0x3FAF]  }
0x2a: {  	p0 =	seq.s32 s5, $0x0;
	s5 =	sld [smem:$0x3FB0]  }
0x2b: {  	s6 =	sld [smem:$0x3FB1]  }
0x2c: {  	s7 =	sld [smem:$0x3FB2]  }
0x2d: {  	s3 =	simm.s32 $0x108;
	s8 =	sld [smem:$0x3FB3]  }
0x2e: {  	s3 =	simm.s32 @!p0 $0x1082;
	s9 =	sld [smem:$0x3FB4]  }
0x2f: {  	lr =	sadd.s32 s0, s3;
	s0 =	sld [smem:$0x3FAB]  }
0x30: {  	s3 =	sld [smem:$0x3FAE]  }
0x31: {  	[smem:$0x3FB7] =	sst s10  }
0x32: {  	s10 =	sld [smem:$0x3FB5];
	_ =	sdelay $0x3  }
0x33: {  	p0 =	seq.s32 s10, $0x1;
	s10 =	sld [smem:$0x3FB7];
	_ =	sdelay $0x3  }
0x34: {  	[smem:$0x3FB7] =	sst s10  }
0x35: {  	s10 =	sld [smem:$0x3FB6];
	_ =	sdelay $0x3  }
0x36: {  	p1 =	seq.s32 s10, $0x1;
	s10 =	sld [smem:$0x3FB7];
	_ =	sdelay $0x3  }
0x37: {  	[smem:$0x3FB7] =	sst s10  }
0x38: {  	s10 =	sld [smem:$0x3FB8]  }
0x39: {  	_ = 	snop;
	(pc) =	sbr.ind lr, $3  }
0x3a: {  	_ = 	snop  }
0x3b: {  	_ = 	snop  }
0x3c: {  	p2 =	seq.s32 s10, $0x1;
	s10 =	sld [smem:$0x3FB7]  }
0x3d: {  	_ =	shalt  }
0x3e: {  	_ =	shalt  }
0x3f: {  	_ =	shalt  }
0x40: {  	_ =	shalt  }
0x41: {  	_ =	shalt  }
0x42: {  	_ =	shalt  }
0x43: {  	_ =	shalt  }
0x44: {  	_ =	shalt  }
0x45: {  	_ =	shalt  }
0x46: {  	_ =	shalt  }
0x47: {  	_ =	shalt  }
0x48: {  	_ =	shalt  }
0x49: {  	_ =	shalt  }
0x4a: {  	_ =	shalt  }
0x4b: {  	_ =	shalt  }
0x4c: {  	_ =	shalt  }
0x4d: {  	_ =	shalt  }
0x4e: {  	_ =	shalt  }
0x4f: {  	_ =	shalt  }
0x50: {  	_ =	shalt  }
0x51: {  	_ =	shalt  }
0x52: {  	_ =	shalt  }
0x53: {  	_ =	shalt  }
0x54: {  	_ =	shalt  }
0x55: {  	_ =	shalt  }
0x56: {  	_ =	shalt  }
0x57: {  	_ =	shalt  }
0x58: {  	_ =	shalt  }
0x59: {  	_ =	shalt  }
0x5a: {  	_ =	shalt  }
0x5b: {  	_ =	shalt  }
0x5c: {  	_ =	shalt  }
0x5d: {  	_ =	shalt  }
0x5e: {  	_ =	shalt  }
0x5f: {  	_ =	shalt  }
0x60: {  	_ =	shalt  }
0x61: {  	_ =	shalt  }
0x62: {  	_ =	shalt  }
0x63: {  	_ =	shalt  }
0x64: {  	_ =	shalt  }
0x65: {  	_ =	shalt  }
0x66: {  	_ =	shalt  }
0x67: {  	_ =	shalt  }
0x68: {  	_ =	shalt  }
0x69: {  	_ =	shalt  }
0x6a: {  	_ =	shalt  }
0x6b: {  	_ =	shalt  }
0x6c: {  	_ =	shalt  }
0x6d: {  	_ =	shalt  }
0x6e: {  	_ =	shalt  }
0x6f: {  	_ =	shalt  }
0x70: {  	_ =	shalt  }
0x71: {  	_ =	shalt  }
0x72: {  	_ =	shalt  }
0x73: {  	_ =	shalt  }
0x74: {  	_ =	shalt  }
0x75: {  	_ =	shalt  }
0x76: {  	_ =	shalt  }
0x77: {  	_ =	shalt  }
0x78: {  	_ =	shalt  }
0x79: {  	_ =	shalt  }
0x7a: {  	_ =	shalt  }
0x7b: {  	_ =	shalt  }
0x7c: {  	_ =	shalt  }
0x7d: {  	_ =	shalt  }
0x7e: {  	_ =	shalt  }
0x7f: {  	_ =	shalt  }
0x80: {  	_ =	shalt  }
0x81: {  	_ =	shalt  }
0x82: {  	_ =	shalt  }
0x83: {  	_ =	shalt  }
0x84: {  	_ =	shalt  }
0x85: {  	_ =	shalt  }
0x86: {  	_ =	shalt  }
0x87: {  	_ =	shalt  }
.Lfunc_end0:
.L_simem_size_0:
called_computation.1_lowered:
.L_overlay_start_0:
0x88: {  	s2 =	sld [smem:$0x3FD9]  }
0x89: {  	s3 =	sld [smem:$0x3FFE];
	_ =	sdelay $0x1  }
0x8a: {  	s1 =	srdreg.scid  }
0x8b: {  	s0 =	sand.u32 $0x1, s1  }
0x8c: {  	s16 =	sshll.u32 s0, $0xA;
	s2 =	sadd.s32 s3, s2  }
0x8d: {  	s2 =	sadd.s32 s2, s16  }
0x8e: {  	[smem:$0x3FC3] =	sst s2  }
0x8f: {  	_ = 	snop  }
0x90: {  	(tm) =	ssettm $0x1  }
0x91: {  	s17 =	sld [smem:$0x3FFB];
	_ =	sdelay $0x3  }
0x92: {  	_ =	strace s17  }
0x93: {  	s2 =	sld [smem:$0x3FFC];
	_ =	sdelay $0x3  }
0x94: {  	_ =	strace s2  }
0x95: {  	s2 =	sld [smem:$0x3FFD];
	_ =	sdelay $0x3  }
0x96: {  	_ =	strace s2  }
0x97: {  	_ =	strace $0x8FFFFFFF  }
0x98: {  	s18 =	sld [smem:$0x3FDB];
	_ =	sdelay $0x1  }
0x99: {  	s19 =	simm.s32 $_scs_section_size  }
0x9a: {  	s4 =	simm.s32 $_size__tile_overlayer_lowered;
	s5 =	simm.s32 $_tile_overlayer_lowered  }
0x9b: {  	s22 =	simm.s32 $0x1BFF;
	s21 =	sshll.u32 s5, $0x1;
	s2 =	sadd.s32 s19, s18  }
0x9c: {  	s6 =	simm.s32 $0x0;
	s20 =	sshll.u32 s4, $0x1;
	s4 =	sadd.s32 s21, s2  }
0x9d: {  	[timem:s6], [sflag:s22] =	dma.local [hbm:s4], s20  }
0x9e: {  	_ =	swait.ge [sflag:s22], s20  }
0x9f: {  	s3 =	ssub.s32 $0x0, s20;
	[sflag:s22] =	ssyncset.done $0x0  }
0xa0: {  	[sflag:s22] =	ssyncadd.s32 s3;
	_ =	sdelay $0x1  }
0xa1: {  	s23 =	simm.s32 $0x1B8B  }
0xa2: {  	_ =	swait.ge [sflag:s23], $0x1  }
0xa3: {  	[sflag:s23] =	ssyncset.done $0x0  }
0xa4: {  	s25 =	simm.s32 $0x1B8E;
	s24 =	sld [smem:$0x3FFE];
	[sflag:s23] =	ssyncadd.s32 $0xFFFFFFFF  }
0xa5: {  	s26 =	simm.s32 $execute0_lowered;
	[smem:$0x3FD2] =	sst s25  }
0xa6: {  	s4 =	sshll.u32 s26, $0x1;
	_ =	strace $0x80000049;
	[dreg:$0x1] =	wrdreg $0xFFFFFFFF  }
0xa7: {  	s28 =	simm.s32 $_size_execute0_lowered;
	s2 =	sadd.s32 s2, s4;
	[dreg:$0x0] =	wrdreg $0x0  }
0xa8: {  	s4 =	sshll.u32 s28, $0x1;
	[dreg:$0x2] =	wrdreg s2  }
0xa9: {  	[dreg:$0x3] =	wrdreg s4  }
0xaa: {  	[dreg:$0x4] =	wrdreg $0xC0  }
0xab: {  	_ =	task [dreg:s6], $0x5FFFF  }
0xac: {  	[dreg:$0x1] =	wrdreg $0xFFFFFFFF  }
0xad: {  	[dreg:$0x0] =	wrdreg $0x60  }
0xae: {  	[dreg:$0x2] =	wrdreg s24  }
0xaf: {  	[dreg:$0x3] =	wrdreg $0x9  }
0xb0: {  	_ =	task.clear_ibuf [dreg:s6], $0x4FFFF;
	_ =	strace $0x90000049  }
0xb1: {  	s29 =	simm.s32 $0x9;
	_ =	strace $0x8000004B  }
0xb2: {  	_ =	swait.ge [sflag:s29], $0x1  }
0xb3: {  	[sflag:s29] =	ssyncadd.s32 $0xFFFFFFFF  }
0xb4: {  	_ =	strace $0x9000004B  }
0xb5: {  	_ =	sfence  }
0xb6: {  	s30 =	sld [smem:$0x0];
	_ =	sdelay $0x2  }
0xb7: {  	s31 =	sshll.u32 s1, $0xD;
	s1 =	sshrl.u32 s1, $0x2  }
0xb8: {  	s3 =	sand.u32 $0x4000, s31;
	s1 =	sadd.s32 s1, s30  }
0xb9: {  	s0 =	sor.u32 s3, s0;
	s1 =	sshll.u32 s1, $0x11  }
0xba: {  	s0 =	sor.u32 s1, s0  }
0xbb: {  	s0 =	sadd.s32 $0x8F2B, s0  }
0xbc: {  	[sflag:s0] =	ssyncadd.remote.s32 $0x1  }
0xbd: {  	_ =	sfence.sel $0xFFFF  }
0xbe: {  	[dreg:$0x0] =	wrdreg $0xFFFFFFFF;
	(pc) =	sbr.abs _section_cstart, $3  }
0xbf: {  	[dreg:$0x1] =	wrdreg $0xFFFFFFFF  }
0xc0: {  	_ =	task.clear_ibuf [dreg:s6], $0x2FFFF;
	_ =	strace $0x9FFFFFFF  }
0xc1: {  	(tm) =	ssettm $0x7FFFFFFF  }
tec
execute0_lowered:
.L_overlay_start_1:
0x0: {  	(tag) =	ssettag $0x1  }
0x1: {  	s4 =	rddreg [dreg:$0x0]  }
0x2: {  	s0 =	rddreg [dreg:$0x1];
	s3 =	srdreg.scid  }
0x3: {  	s2 =	simm.s32 $0x0;
	s1 =	stileid.u32;
	s10 =	simm.s32 $0x0  }
0x4: {  	s5 =	sand.u32 $0x1, s3;
	[smem:$0x7FF] =	sst s2;
	s28 =	sshll.u32 s1, $0xA  }
0x5: {  	s7 =	sshll.u32 s1, $0xE;
	s6 =	sshll.u32 s5, $0x9;
	_ =	strace $0x8000004A  }
0x6: {  	s29 =	sadd.s32 s7, s4;
	s8 =	ssub.s32 $0x2, s5;
	s5 =	sshll.u32 s5, $0xD  }
0x7: {  	s3 =	sor.u32 s6, s28;
	s9 =	sshrl.u32 s8, $0x1;
	s31 =	sadd.s32 s5, s29  }
0x8: {  	s30 =	sadd.s32 s3, s4;
	s3 =	sadd.s32 $0x45C00, s4;
	s4 =	sadd.s32 $0x4FC00, s4  }
0x9: {  	s8 =	ssub.s32 s8, s9;
	s7 =	sadd.s32 $0x1C00, s31;
	s9 =	simm.s32 $0x1  }
0xa: {  	s5 =	sadd.s32 $0x41C00, s30;
	s6 =	smax.u32 s8, $0x1;
	s8 =	simm.s32 $0x2  }
.LBB2_1:
0xb: {  	[tilespmem:s2], [sflag:$0x2] =	stream.linear.gather [hbm4b:s5+s2], $0x1000, $0x38;
	[tilespmem:$0x2000] =	vst v63  }
0xc: {  	s11 =	sand.u32 $0x1, s2  }
0xd: {  	_ =	swait.ge [sflag:s8], $0x1000;
	p0 =	seq.s32 s11, $0x1  }
0xe: {  	[sflag:s8] =	ssyncset.done $0x0;
	s11 =	simm.s32 @p0 $0x0  }
0xf: {  	s12 =	simm.s32 @p0 $0x1800;
	s13 =	simm.s32 @p0 $0x2;
	[sflag:s8] =	ssyncadd.s32 $0xFFFFF000  }
0x10: {  	[tilespmem:s12], [sflag:$0x2] =	stream.linear.gather @p0 [hbm4b:s7+s11], $0x800, $0x38;
	[tilespmem:$0x2000] =	vst v63  }
0x11: {  	_ =	swait.ge @p0 [sflag:s13], $0x800  }
0x12: {  	[sflag:s13] =	ssyncset.done @p0 $0x0  }
0x13: {  	s11 =	simm.s32 @p0 $0x80;
	[sflag:s13] =	ssyncadd.s32 @p0 $0xFFFFF800  }
0x14: {  	[hbm4b:s4+s11] =	stream.indirect.scatter @p0 [tilespmem:s12], [sflag:$0x1], $0x10, s2, s11, $0xb8;
	[tilespmem:$0x2000] =	vst v63  }
0x15: {  	s13 =	simm.s32 @!p0 $0x2;
	s11 =	simm.s32 @!p0 $0x0;
	s12 =	simm.s32 @!p0 $0x1000  }
0x16: {  	[tilespmem:s12], [sflag:$0x2] =	stream.linear.gather @!p0 [hbm4b:s7+s11], $0x800, $0x38;
	[tilespmem:$0x2000] =	vst v63  }
0x17: {  	_ =	swait.ge @!p0 [sflag:s13], $0x800  }
0x18: {  	[sflag:s13] =	ssyncset.done @!p0 $0x0  }
0x19: {  	s31 =	simm.s32 $0x1;
	[sflag:s13] =	ssyncadd.s32 @!p0 $0xFFFFF800;
	s13 =	simm.s32 @!p0 $0x80  }
0x1a: {  	[hbm4b:s3+s13] =	stream.indirect.scatter @!p0 [tilespmem:s12], [sflag:$0x1], $0x10, s2, s13, $0xb8;
	[tilespmem:$0x2000] =	vst v63  }
0x1b: {  	s11 =	sand.u32 $0x1, s31;
	s13 =	simm.s32 $0x2;
	s12 =	sadd.s32 $0x100, s7  }
0x1c: {  	p0 =	seq.s32 s11, $0x1;
	s11 =	simm.s32 $0x80;
	_ =	swait.ge [sflag:s9], $0x800  }
.LBB2_2:
0x1d: {  	s14 =	simm.s32 @p0 $0x0  }
0x1e: {  	s15 =	simm.s32 @p0 $0x1800;
	[sflag:s9] =	ssyncset.done $0x0;
	s16 =	smov.u32 s13  }
0x1f: {  	s13 =	sadd.s32 $0x1, s13;
	s17 =	simm.s32 @p0 $0x2;
	[sflag:s9] =	ssyncadd.s32 $0xFFFFF800  }
0x20: {  	[tilespmem:s15], [sflag:$0x2] =	stream.linear.gather @p0 [hbm4b:s12+s14], $0x800, $0x38;
	[tilespmem:$0x2000] =	vst v63  }
0x21: {  	p1 =	sne.s32 s13, $0x20;
	_ =	swait.ge @p0 [sflag:s17], $0x800  }
0x22: {  	[sflag:s17] =	ssyncset.done @p0 $0x0  }
0x23: {  	s14 =	simm.s32 @p0 $0x80;
	[sflag:s17] =	ssyncadd.s32 @p0 $0xFFFFF800  }
0x24: {  	[hbm4b:s4+s14] =	stream.indirect.scatter @p0 [tilespmem:s15], [sflag:$0x1], $0x10, s11, s14, $0xb8;
	[tilespmem:$0x2000] =	vst v63  }
0x25: {  	s17 =	simm.s32 @!p0 $0x2;
	s14 =	simm.s32 @!p0 $0x0;
	s15 =	simm.s32 @!p0 $0x1000  }
0x26: {  	[tilespmem:s15], [sflag:$0x2] =	stream.linear.gather @!p0 [hbm4b:s12+s14], $0x800, $0x38;
	[tilespmem:$0x2000] =	vst v63  }
.Ltmp0:
0x27: {  	_ =	swait.ge @!p0 [sflag:s17], $0x800;
	(pc) =	sbr.rel @p1 .LBB2_2-.Ltmp0, $4  }
0x28: {  	s12 =	sadd.s32 $0x100, s12;
	[sflag:s17] =	ssyncset.done @!p0 $0x0  }
0x29: {  	s14 =	sand.u32 $0x1, s16;
	s16 =	simm.s32 @!p0 $0x80;
	[sflag:s17] =	ssyncadd.s32 @!p0 $0xFFFFF800  }
0x2a: {  	[hbm4b:s3+s16] =	stream.indirect.scatter @!p0 [tilespmem:s15], [sflag:$0x1], $0x10, s11, s16, $0xb8;
	[tilespmem:$0x2000] =	vst v63  }
0x2b: {  	p0 =	seq.s32 s14, $0x1;
	s11 =	sadd.s32 $0x80, s11;
	_ =	swait.ge [sflag:s9], $0x800  }
0x2c: {  	s13 =	simm.s32 @p0 $0x0;
	[sflag:s9] =	ssyncset.done $0x0  }
0x2d: {  	s14 =	simm.s32 @p0 $0x1800;
	s15 =	simm.s32 @p0 $0x2;
	[sflag:s9] =	ssyncadd.s32 $0xFFFFF800  }
0x2e: {  	[tilespmem:s14], [sflag:$0x2] =	stream.linear.gather @p0 [hbm4b:s12+s13], $0x800, $0x38;
	[tilespmem:$0x2000] =	vst v63  }
0x2f: {  	_ =	swait.ge @p0 [sflag:s15], $0x800  }
0x30: {  	[sflag:s15] =	ssyncset.done @p0 $0x0  }
0x31: {  	s13 =	simm.s32 @p0 $0x80;
	[sflag:s15] =	ssyncadd.s32 @p0 $0xFFFFF800  }
0x32: {  	[hbm4b:s4+s13] =	stream.indirect.scatter @p0 [tilespmem:s14], [sflag:$0x1], $0x10, s11, s13, $0xb8;
	[tilespmem:$0x2000] =	vst v63  }
0x33: {  	s15 =	simm.s32 @!p0 $0x2;
	s13 =	simm.s32 @!p0 $0x0;
	s14 =	simm.s32 @!p0 $0x1000  }
0x34: {  	[tilespmem:s14], [sflag:$0x2] =	stream.linear.gather @!p0 [hbm4b:s12+s13], $0x800, $0x38;
	[tilespmem:$0x2000] =	vst v63  }
0x35: {  	_ =	swait.ge @!p0 [sflag:s15], $0x800  }
0x36: {  	[sflag:s15] =	ssyncset.done @!p0 $0x0  }
0x37: {  	s10 =	sadd.s32 $0x1, s10;
	s12 =	simm.s32 @!p0 $0x80;
	[sflag:s15] =	ssyncadd.s32 @!p0 $0xFFFFF800  }
0x38: {  	[hbm4b:s3+s12] =	stream.indirect.scatter @!p0 [tilespmem:s14], [sflag:$0x1], $0x10, s11, s12, $0xb8;
	[tilespmem:$0x2000] =	vst v63  }
0x39: {  	p0 =	sne.s32 s10, s6  }
.Ltmp1:
0x3a: {  	_ = 	snop;
	(pc) =	sbr.rel @p0 .LBB2_1-.Ltmp1, $4  }
0x3b: {  	_ = 	snop  }
0x3c: {  	_ =	swait.ge [sflag:s9], $0x800  }
0x3d: {  	[sflag:s9] =	ssyncset.done $0x0  }
0x3e: {  	[sflag:s9] =	ssyncadd.s32 $0xFFFFF800  }
0x3f: {  	_ =	sfence.sel $0x180000  }
0x40: {  	[bflag:$0x0] =	sbarrier.arrive $0xFFFF  }
0x41: {  	p0 =	sne.s32 s1, $0x0;
	_ =	strace $0x9000004A  }
0x42: {  	s0 =	sadd.s32 @!p0 $0x100000, s0;
	[bflag:$0x2] =	sbarrier.arrive $0xFFFF  }
0x43: {  	[sflag:s0] =	ssyncadd.tile.s32 @!p0 $0x1;
	_ =	shalt  }
.Lfunc_end2:
_tile_overlayer_lowered:
.L_overlay_start_2:
0x44: {  	(tag) =	ssettag $0x2  }
0x45: {  	s0 =	rddreg [dreg:$0x0];
	s2 =	stileid.u32  }
0x46: {  	s1 =	rddreg [dreg:$0x1];
	p0 =	sne.s32 s2, $0x0  }
0x47: {  	s3 =	rddreg [dreg:$0x2];
	[bflag:$0x3] =	sbarrier.arrive $0xFFFF;
	s2 =	simm.s32 @!p0 $0x1C02  }
0x48: {  	[timem:s3], [sflag:s2] =	dma.local @!p0 [hbm:s0], s1  }
0x49: {  	s0 =	simm.s32 @!p0 $0x2  }
0x4a: {  	_ =	swait.ge @!p0 [sflag:s0], s1  }
0x4b: {  	s1 =	ssub.s32 @!p0 $0x0, s1;
	[sflag:s0] =	ssyncset.done @!p0 $0x0  }
0x4c: {  	[sflag:s0] =	ssyncadd.s32 @!p0 s1  }
0x4d: {  	[bflag:$0x3] =	sbarrier.arrive $0xFFFF  }
0x4e: {  	_ =	shalt  }

</sc_bundles>
